<compile_context>
chip_gen: v7x
topology: tpu7x:2x2x1
jax: 0.10.2.dev20260603
libtpu: 0.0.44.dev20260713+nightly
codegen_flags: <defaults>
</compile_context>

<pallas_src>
import functools

import jax
import jax.numpy as jnp
from jax import lax
from jax.experimental import pallas as pl
from jax.experimental.pallas import tpu as pltpu
from jax.experimental.pallas import tpu_sc as plsc

N = 10000
E = 320000
D = 128
NC = 2
NS = 16
NW = NC * NS
K = 80
CHUNKS = 126
EPT = K * CHUNKS
E_PAD = NW * EPT
N_PAD = 10240
RPT = N_PAD // NS
WB = RPT // K
DEGW = 16


def _make_sc_agg():
  out_type = jax.ShapeDtypeStruct((NC, N_PAD, D), jnp.float32)
  scratch = ([pltpu.VMEM((K,), jnp.int32) for _ in range(3)]
             + [pltpu.VMEM((K,), jnp.int32) for _ in range(3)]
             + [pltpu.VMEM((K, D), jnp.float32) for _ in range(3)]
             + [pltpu.VMEM_SHARED((N_PAD, D), jnp.float32)]
             + [pltpu.SemaphoreType.DMA for _ in range(9)])
  mesh = plsc.VectorSubcoreMesh(core_axis_name="c", subcore_axis_name="s")

  def body(h_hbm, src_hbm, dst_hbm, znd_hbm, agg_out,
           srcA, srcB, srcC, dstA, dstB, dstC, rowsA, rowsB, rowsC, agg_sh,
           sSA, sSB, sSC, sDA, sDB, sDC, sGA, sGB, sGC):
    srcs, dsts, rows = (srcA, srcB, srcC), (dstA, dstB, dstC), (rowsA, rowsB, rowsC)
    semS, semD, semG = (sSA, sSB, sSC), (sDA, sDB, sDC), (sGA, sGB, sGC)
    rows0 = rowsA
    c = lax.axis_index("c")
    s = lax.axis_index("s")
    wid = s * NC + c
    r0 = pl.multiple_of(s * RPT, 8)
    pltpu.sync_copy(znd_hbm.at[pl.ds(0, K)], rows0)

    def zinit(j, carry):
      pltpu.sync_copy(rows0, agg_sh.at[pl.ds(r0 + j * K, K)])
      return carry

    lax.fori_loop(0, WB, zinit, 0)
    plsc.subcore_barrier()

    ebase = wid * EPT

    def issue_idx(i, b):
      base = pl.multiple_of(ebase + i * K, 8)
      pltpu.async_copy(src_hbm.at[pl.ds(base, K)], srcs[b], semS[b])
      pltpu.async_copy(dst_hbm.at[pl.ds(base, K)], dsts[b], semD[b])

    def wait_idx(b):
      pltpu.make_async_copy(src_hbm.at[pl.ds(0, K)], srcs[b], semS[b]).wait()
      pltpu.make_async_copy(dst_hbm.at[pl.ds(0, K)], dsts[b], semD[b]).wait()

    def issue_gather(b):
      pltpu.async_copy(h_hbm.at[srcs[b]], rows[b], semG[b])

    def wait_gather(b):
      pltpu.make_async_copy(h_hbm.at[pl.ds(0, K)], rows[b], semG[b]).wait()

    def scatter(b):
      pltpu.sync_copy(rows[b], agg_sh.at[dsts[b]], add=True)

    issue_idx(0, 0)
    issue_idx(1, 1)
    issue_idx(2, 2)
    wait_idx(0)
    issue_gather(0)
    wait_idx(1)
    issue_gather(1)

    def triple(p, carry):
      i = 3 * p
      for b in range(3):
        b2 = (b + 2) % 3
        wait_idx(b2)
        issue_gather(b2)
        wait_gather(b)
        scatter(b)
        issue_idx(i + b + 3, b)
      return carry

    lax.fori_loop(0, (CHUNKS - 3) // 3, triple, 0)
    wait_idx(2)
    issue_gather(2)
    wait_gather(0)
    scatter(0)
    wait_gather(1)
    scatter(1)
    wait_gather(2)
    scatter(2)
    plsc.subcore_barrier()

    def wback(j, carry):
      pltpu.sync_copy(agg_sh.at[pl.ds(r0 + j * K, K)], rows0)
      pltpu.sync_copy(rows0, agg_out.at[c, pl.ds(r0 + j * K, K)])
      return carry

    lax.fori_loop(0, WB, wback, 0)

  return pl.kernel(body, out_type=out_type, mesh=mesh, scratch_types=scratch,
                   compiler_params=pltpu.CompilerParams(use_tc_tiling_on_sc=False))


def _make_sc_deg():
  out_type = jax.ShapeDtypeStruct((NC, N_PAD, DEGW), jnp.float32)
  scratch = [
      pltpu.VMEM((K,), jnp.int32),
      pltpu.VMEM((K,), jnp.int32),
      pltpu.VMEM((K, DEGW), jnp.float32),
      pltpu.VMEM((RPT, DEGW), jnp.float32),
      pltpu.VMEM_SHARED((N_PAD, DEGW), jnp.float32),
      pltpu.SemaphoreType.DMA,
      pltpu.SemaphoreType.DMA,
  ]
  mesh = plsc.VectorSubcoreMesh(core_axis_name="c", subcore_axis_name="s")

  def body(dst_hbm, z16_hbm, ones_hbm, deg_out, dst0, dst1, ones_v, dbuf,
           deg_sh, semD0, semD1):
    c = lax.axis_index("c")
    s = lax.axis_index("s")
    wid = s * NC + c
    r0 = pl.multiple_of(s * RPT, 8)
    pltpu.sync_copy(z16_hbm.at[pl.ds(0, RPT)], dbuf)
    pltpu.sync_copy(dbuf, deg_sh.at[pl.ds(r0, RPT)])
    pltpu.sync_copy(ones_hbm, ones_v)
    plsc.subcore_barrier()

    ebase = wid * EPT

    def issue(i, dstb, semD):
      base = pl.multiple_of(ebase + i * K, 8)
      pltpu.async_copy(dst_hbm.at[pl.ds(base, K)], dstb, semD)

    def wait(dstb, semD):
      pltpu.make_async_copy(dst_hbm.at[pl.ds(0, K)], dstb, semD).wait()

    issue(0, dst0, semD0)
    issue(1, dst1, semD1)

    def pair(p, carry):
      i = 2 * p
      wait(dst0, semD0)
      pltpu.sync_copy(ones_v, deg_sh.at[dst0], add=True)
      issue(i + 2, dst0, semD0)
      wait(dst1, semD1)
      pltpu.sync_copy(ones_v, deg_sh.at[dst1], add=True)
      issue(i + 3, dst1, semD1)
      return carry

    lax.fori_loop(0, (CHUNKS - 2) // 2, pair, 0)
    wait(dst0, semD0)
    pltpu.sync_copy(ones_v, deg_sh.at[dst0], add=True)
    wait(dst1, semD1)
    pltpu.sync_copy(ones_v, deg_sh.at[dst1], add=True)
    plsc.subcore_barrier()
    pltpu.sync_copy(deg_sh.at[pl.ds(r0, RPT)], dbuf)
    pltpu.sync_copy(dbuf, deg_out.at[c, pl.ds(r0, RPT)])

  return pl.kernel(body, out_type=out_type, mesh=mesh, scratch_types=scratch,
                   compiler_params=pltpu.CompilerParams(use_tc_tiling_on_sc=False))


def _tc_body(relu, h_ref, a0_ref, a1_ref, d0_ref, d1_ref, ws_ref, wn_ref,
             b_ref, g_ref, bt_ref, o_ref):
  h = h_ref[...]
  agg = a0_ref[...] + a1_ref[...]
  deg = d0_ref[:, 0:1] + d1_ref[:, 0:1]
  h_neigh = agg * (1.0 / jnp.maximum(deg, 1.0))
  out = (jnp.dot(h, ws_ref[...], preferred_element_type=jnp.float32)
         + jnp.dot(h_neigh, wn_ref[...], preferred_element_type=jnp.float32)
         + b_ref[...])
  if relu:
    out = jnp.maximum(out, 0.0)
  mu = jnp.mean(out, axis=-1, keepdims=True)
  var = jnp.mean((out - mu) ** 2, axis=-1, keepdims=True)
  o_ref[...] = (out - mu) * lax.rsqrt(var + 1e-5) * g_ref[...] + bt_ref[...]


BN = 1000


def _tc_dense(h, a0, a1, d0, d1, ws, wn, b, g, bt, relu):
  bs_rows = pl.BlockSpec((BN, D), lambda i: (i, 0))
  bs_deg = pl.BlockSpec((BN, DEGW), lambda i: (i, 0))
  bs_w = pl.BlockSpec((D, D), lambda i: (0, 0))
  bs_v = pl.BlockSpec((1, D), lambda i: (0, 0))
  return pl.pallas_call(
      functools.partial(_tc_body, relu),
      grid=(N // BN,),
      in_specs=[bs_rows, bs_rows, bs_rows, bs_deg, bs_deg,
                bs_w, bs_w, bs_v, bs_v, bs_v],
      out_specs=bs_rows,
      out_shape=jax.ShapeDtypeStruct((N, D), jnp.float32),
  )(h, a0, a1, d0, d1, ws, wn, b, g, bt)


_sc_agg = _make_sc_agg()
_sc_deg = _make_sc_deg()


def kernel(x, edge_index, W_self0, W_neigh0, b0, W_self1, W_neigh1, b1,
           ln_gamma, ln_beta):
  src = jnp.concatenate([edge_index[0].astype(jnp.int32),
                         jnp.zeros((E_PAD - E,), jnp.int32)])
  dst = jnp.concatenate([edge_index[1].astype(jnp.int32),
                         N + jnp.arange(E_PAD - E, dtype=jnp.int32)
                         % (N_PAD - N)])
  znd = jnp.zeros((N_PAD, D), jnp.float32)
  z16 = jnp.zeros((N_PAD, DEGW), jnp.float32)
  ones = jnp.ones((K, DEGW), jnp.float32)
  b0r, b1r = b0.reshape(1, D), b1.reshape(1, D)
  gr, btr = ln_gamma.reshape(1, D), ln_beta.reshape(1, D)

  degp = _sc_deg(dst, z16, ones)
  agg0 = _sc_agg(x, src, dst, znd)
  h1 = _tc_dense(x, agg0[0], agg0[1], degp[0], degp[1],
                 W_self0, W_neigh0, b0r, gr, btr, True)
  agg1 = _sc_agg(h1, src, dst, znd)
  out = _tc_dense(h1, agg1[0], agg1[1], degp[0], degp[1],
                  W_self1, W_neigh1, b1r, gr, btr, False)
  return out

# --- scband reference (transcript-rebuilt; emitter-appended) ---
"""Pipeline reference for scband-sage-48584670052991 (READ-ONLY COPY).

The authoritative reference and input builder live on the scoring server;
editing this copy changes nothing except your own understanding.
"""

import jax, jax.numpy as jnp
import numpy as np

N = 10000
E = 320000
D = 128


def setup_inputs(seed: int = 0) -> dict:
    key = jax.random.key(seed)
    ks = jax.random.split(key, 12)
    x = jax.random.normal(ks[0], (N, D), dtype=jnp.float32)
    edge_index = jax.random.randint(ks[1], (2, E), 0, N)
    s = 1.0 / np.sqrt(D)
    W_self0 = jax.random.normal(ks[2], (D, D), dtype=jnp.float32) * s
    W_neigh0 = jax.random.normal(ks[3], (D, D), dtype=jnp.float32) * s
    b0 = jnp.zeros((D,), dtype=jnp.float32)
    W_self1 = jax.random.normal(ks[4], (D, D), dtype=jnp.float32) * s
    W_neigh1 = jax.random.normal(ks[5], (D, D), dtype=jnp.float32) * s
    b1 = jnp.zeros((D,), dtype=jnp.float32)
    ln_gamma = jnp.ones((D,), dtype=jnp.float32)
    ln_beta = jnp.zeros((D,), dtype=jnp.float32)
    return {"x": x, "edge_index": edge_index, "W_self0": W_self0, "W_neigh0": W_neigh0, "b0": b0, "W_self1": W_self1, "W_neigh1": W_neigh1, "b1": b1, "ln_gamma": ln_gamma, "ln_beta": ln_beta}


def _layer_norm(h, g, b):
    mu = jnp.mean(h, axis=-1, keepdims=True)
    var = jnp.var(h, axis=-1, keepdims=True)
    return (h - mu) * jax.lax.rsqrt(var + 1e-5) * g + b


def _sage_conv_mean(h, src, dst, W_self, W_neigh, b):
    # DGL SAGEConv(aggregator='mean'): rst = fc_self(h_dst) + fc_neigh(mean_{u in N(v)} h_u) + bias
    msg = jnp.take(h, src, axis=0)
    agg = jax.ops.segment_sum(msg, dst, num_segments=N)
    deg = jax.ops.segment_sum(jnp.ones((src.shape[0],), dtype=jnp.float32), dst, num_segments=N)
    h_neigh = agg / jnp.maximum(deg, 1.0)[:, None]
    return h @ W_self + h_neigh @ W_neigh + b


def reference(x, edge_index, W_self0, W_neigh0, b0, W_self1, W_neigh1, b1, ln_gamma, ln_beta):
    src = edge_index[0]
    dst = edge_index[1]
    # layer 0
    h = _sage_conv_mean(x, src, dst, W_self0, W_neigh0, b0)
    h = jax.nn.relu(h)  # dropout is identity in eval mode
    h = _layer_norm(h, ln_gamma, ln_beta)
    # layer 1 (last layer: no relu/dropout)
    h = _sage_conv_mean(h, src, dst, W_self1, W_neigh1, b1)
    h = _layer_norm(h, ln_gamma, ln_beta)
    return h

if __name__ == "__main__":
    import jax
    _d = setup_inputs()
    print(jax.jit(kernel)(*tuple(_d.values())))

</pallas_src>

<mosaic_0001>
#map = affine_map<(d0, d1) -> (0)>
#map1 = affine_map<(d0, d1) -> (0, 0)>
#map2 = affine_map<(d0, d1) -> (0, 0, 0)>
module attributes {stable_mosaic.version = 14 : i64} {
  func.func @body(%arg0: i32, %arg1: i32, %arg2: memref<322560xi32, #tpu.memory_space<hbm>>, %arg3: memref<10240x16xf32, #tpu.memory_space<hbm>>, %arg4: memref<80x16xf32, #tpu.memory_space<hbm>>, %arg5: memref<2x10240x16xf32, #tpu.memory_space<hbm>>, %arg6: memref<80xi32, #tpu.memory_space<vmem>>, %arg7: memref<80xi32, #tpu.memory_space<vmem>>, %arg8: memref<80x16xf32, #tpu.memory_space<vmem>>, %arg9: memref<640x16xf32, #tpu.memory_space<vmem>>, %arg10: memref<10240x16xf32, #tpu.memory_space<vmem_shared>>, %arg11: memref<!tpu.dma_semaphore, #tpu.memory_space<semaphore_mem>>, %arg12: memref<!tpu.dma_semaphore, #tpu.memory_space<semaphore_mem>>) attributes {dimension_semantics = [#tpu.dimension_semantics<core_parallel>, #tpu.dimension_semantics<subcore_parallel>], iteration_bounds = array<i64: 2, 16>, scalar_prefetch = 0 : i64, scratch_operands = 7 : i64, tpu.core_type = #tpu.core_type<sc_vector_subcore>, window_params = [{transform_indices = #map}, {transform_indices = #map1}, {transform_indices = #map1}, {transform_indices = #map2}]} {
    %mul3A = arith.constant 2 : i32
    %mul3A_0 = arith.muli %arg1, %mul3A : i32
    %add3A = arith.addi %mul3A_0, %arg0 : i32
    %mul3A_1 = arith.constant 640 : i32
    %mul3A_2 = arith.muli %arg1, %mul3A_1 : i32
    %multiple_of3A = tpu.assume_multiple %mul3A_2, 8 : i32
    "tpu.region"() ({
      %run_scoped3A = tpu.sem_alloc : memref<!tpu.dma_semaphore, #tpu.memory_space<semaphore_mem>>
      %dma_start3A_27 = arith.constant 0 : i32
      %dma_start3A_28 = arith.constant 0 : i32
      %dma_start3A_29 = tpu.memref_slice %arg3[%dma_start3A_27, %dma_start3A_28] : memref<10240x16xf32, #tpu.memory_space<hbm>> -> memref<640x16xf32, #tpu.memory_space<hbm>>
      %dma_start3A_30 = arith.constant 0 : i32
      %dma_start3A_31 = arith.constant 0 : i32
      %dma_start3A_32 = tpu.memref_slice %arg3[%dma_start3A_30, %dma_start3A_31] : memref<10240x16xf32, #tpu.memory_space<hbm>> -> memref<640x16xf32, #tpu.memory_space<hbm>>
      tpu.enqueue_dma source(%dma_start3A_32 : memref<640x16xf32, #tpu.memory_space<hbm>>) target(%arg9 : memref<640x16xf32, #tpu.memory_space<vmem>>) target_semaphore(%run_scoped3A : memref<!tpu.dma_semaphore, #tpu.memory_space<semaphore_mem>>)
      %dma_wait3A_33 = arith.constant 0 : i32
      %dma_wait3A_34 = arith.constant 0 : i32
      %dma_wait3A_35 = tpu.memref_slice %arg3[%dma_wait3A_33, %dma_wait3A_34] : memref<10240x16xf32, #tpu.memory_space<hbm>> -> memref<640x16xf32, #tpu.memory_space<hbm>>
      %dma_wait3A_36 = arith.constant 0 : i32
      %dma_wait3A_37 = arith.constant 0 : i32
      %dma_wait3A_38 = tpu.memref_slice %arg3[%dma_wait3A_36, %dma_wait3A_37] : memref<10240x16xf32, #tpu.memory_space<hbm>> -> memref<640x16xf32, #tpu.memory_space<hbm>>
      tpu.wait_dma2 semaphore(%run_scoped3A : memref<!tpu.dma_semaphore, #tpu.memory_space<semaphore_mem>>) src(%dma_wait3A_38 : memref<640x16xf32, #tpu.memory_space<hbm>>) dst(%arg9 : memref<640x16xf32, #tpu.memory_space<vmem>>)
      tpu.yield
    }) : () -> ()
    "tpu.region"() ({
      %run_scoped3A = tpu.sem_alloc : memref<!tpu.dma_semaphore, #tpu.memory_space<semaphore_mem>>
      %dma_start3A_27 = arith.constant 0 : i32
      %dma_start3A_28 = tpu.memref_slice %arg10[%multiple_of3A, %dma_start3A_27] : memref<10240x16xf32, #tpu.memory_space<vmem_shared>> -> memref<640x16xf32, #tpu.memory_space<vmem_shared>>
      %dma_start3A_29 = arith.constant 0 : i32
      %dma_start3A_30 = tpu.memref_slice %arg10[%multiple_of3A, %dma_start3A_29] : memref<10240x16xf32, #tpu.memory_space<vmem_shared>> -> memref<640x16xf32, #tpu.memory_space<vmem_shared>>
      tpu.enqueue_dma source(%arg9 : memref<640x16xf32, #tpu.memory_space<vmem>>) target(%dma_start3A_30 : memref<640x16xf32, #tpu.memory_space<vmem_shared>>) target_semaphore(%run_scoped3A : memref<!tpu.dma_semaphore, #tpu.memory_space<semaphore_mem>>)
      %dma_wait3A_31 = arith.constant 0 : i32
      %dma_wait3A_32 = tpu.memref_slice %arg10[%multiple_of3A, %dma_wait3A_31] : memref<10240x16xf32, #tpu.memory_space<vmem_shared>> -> memref<640x16xf32, #tpu.memory_space<vmem_shared>>
      %dma_wait3A_33 = arith.constant 0 : i32
      %dma_wait3A_34 = tpu.memref_slice %arg10[%multiple_of3A, %dma_wait3A_33] : memref<10240x16xf32, #tpu.memory_space<vmem_shared>> -> memref<640x16xf32, #tpu.memory_space<vmem_shared>>
      tpu.wait_dma2 semaphore(%run_scoped3A : memref<!tpu.dma_semaphore, #tpu.memory_space<semaphore_mem>>) src(%arg9 : memref<640x16xf32, #tpu.memory_space<vmem>>) dst(%dma_wait3A_34 : memref<640x16xf32, #tpu.memory_space<vmem_shared>>)
      tpu.yield
    }) : () -> ()
    "tpu.region"() ({
      %run_scoped3A = tpu.sem_alloc : memref<!tpu.dma_semaphore, #tpu.memory_space<semaphore_mem>>
      tpu.enqueue_dma source(%arg4 : memref<80x16xf32, #tpu.memory_space<hbm>>) target(%arg8 : memref<80x16xf32, #tpu.memory_space<vmem>>) target_semaphore(%run_scoped3A : memref<!tpu.dma_semaphore, #tpu.memory_space<semaphore_mem>>)
      tpu.wait_dma2 semaphore(%run_scoped3A : memref<!tpu.dma_semaphore, #tpu.memory_space<semaphore_mem>>) src(%arg4 : memref<80x16xf32, #tpu.memory_space<hbm>>) dst(%arg8 : memref<80x16xf32, #tpu.memory_space<vmem>>)
      tpu.yield
    }) : () -> ()
    %barrier3A = arith.constant 0 : index
    tpu.barrier barrier_id(%barrier3A)
    %mul3A_3 = arith.constant 10080 : i32
    %mul3A_4 = arith.muli %add3A, %mul3A_3 : i32
    %add3A_5 = arith.constant 0 : i32
    %add3A_6 = arith.addi %mul3A_4, %add3A_5 : i32
    %multiple_of3A_7 = tpu.assume_multiple %add3A_6, 8 : i32
    %dma_start3A = tpu.memref_slice %arg2[%multiple_of3A_7] : memref<322560xi32, #tpu.memory_space<hbm>> -> memref<80xi32, #tpu.memory_space<hbm>>
    %dma_start3A_8 = tpu.memref_slice %arg2[%multiple_of3A_7] : memref<322560xi32, #tpu.memory_space<hbm>> -> memref<80xi32, #tpu.memory_space<hbm>>
    tpu.enqueue_dma source(%dma_start3A_8 : memref<80xi32, #tpu.memory_space<hbm>>) target(%arg6 : memref<80xi32, #tpu.memory_space<vmem>>) target_semaphore(%arg11 : memref<!tpu.dma_semaphore, #tpu.memory_space<semaphore_mem>>)
    %add3A_9 = arith.constant 80 : i32
    %add3A_10 = arith.addi %mul3A_4, %add3A_9 : i32
    %multiple_of3A_11 = tpu.assume_multiple %add3A_10, 8 : i32
    %dma_start3A_12 = tpu.memref_slice %arg2[%multiple_of3A_11] : memref<322560xi32, #tpu.memory_space<hbm>> -> memref<80xi32, #tpu.memory_space<hbm>>
    %dma_start3A_13 = tpu.memref_slice %arg2[%multiple_of3A_11] : memref<322560xi32, #tpu.memory_space<hbm>> -> memref<80xi32, #tpu.memory_space<hbm>>
    tpu.enqueue_dma source(%dma_start3A_13 : memref<80xi32, #tpu.memory_space<hbm>>) target(%arg7 : memref<80xi32, #tpu.memory_space<vmem>>) target_semaphore(%arg12 : memref<!tpu.dma_semaphore, #tpu.memory_space<semaphore_mem>>)
    %scan3A = arith.constant 0 : i32
    %scan3A_14 = arith.constant 0 : i32
    %scan3A_15 = arith.constant 62 : i32
    %scan3A_16 = arith.addi %scan3A_14, %scan3A_15 : i32
    %scan3A_17 = arith.constant 1 : i32
    scf.for %scan3A_27 = %scan3A_14 to %scan3A_16 step %scan3A_17  : i32 {
      %mul3A_28 = arith.constant 2 : i32
      %mul3A_29 = arith.muli %mul3A_28, %scan3A_27 : i32
      %dma_wait3A_30 = arith.constant 0 : i32
      %dma_wait3A_31 = tpu.memref_slice %arg2[%dma_wait3A_30] : memref<322560xi32, #tpu.memory_space<hbm>> -> memref<80xi32, #tpu.memory_space<hbm>>
      %dma_wait3A_32 = arith.constant 0 : i32
      %dma_wait3A_33 = tpu.memref_slice %arg2[%dma_wait3A_32] : memref<322560xi32, #tpu.memory_space<hbm>> -> memref<80xi32, #tpu.memory_space<hbm>>
      tpu.wait_dma2 semaphore(%arg11 : memref<!tpu.dma_semaphore, #tpu.memory_space<semaphore_mem>>) src(%dma_wait3A_33 : memref<80xi32, #tpu.memory_space<hbm>>) dst(%arg6 : memref<80xi32, #tpu.memory_space<vmem>>)
      "tpu.region"() ({
        %run_scoped3A = tpu.sem_alloc : memref<!tpu.dma_semaphore, #tpu.memory_space<semaphore_mem>>
        %dma_start3A_54 = arith.constant 0 : i32
        %dma_start3A_55 = arith.constant 0 : i32
        %dma_start3A_56 = tpu.memref_slice %arg10[%dma_start3A_54, %dma_start3A_55] : memref<10240x16xf32, #tpu.memory_space<vmem_shared>> -> memref<10240x16xf32, #tpu.memory_space<vmem_shared>>
        tpu.enqueue_indirect_dma source(%arg8 : memref<80x16xf32, #tpu.memory_space<vmem>>) target(%dma_start3A_56 : memref<10240x16xf32, #tpu.memory_space<vmem_shared>>) offsets(%arg6 : memref<80xi32, #tpu.memory_space<vmem>>) semaphore(%run_scoped3A : memref<!tpu.dma_semaphore, #tpu.memory_space<semaphore_mem>>) {add = true}
        %dma_wait3A_57 = arith.constant 0 : i32
        %dma_wait3A_58 = arith.constant 0 : i32
        %dma_wait3A_59 = tpu.memref_slice %arg10[%dma_wait3A_57, %dma_wait3A_58] : memref<10240x16xf32, #tpu.memory_space<vmem_shared>> -> memref<10240x16xf32, #tpu.memory_space<vmem_shared>>
        tpu.wait_indirect_dma semaphore(%run_scoped3A : memref<!tpu.dma_semaphore, #tpu.memory_space<semaphore_mem>>) src(%arg8 : memref<80x16xf32, #tpu.memory_space<vmem>>) dst(%dma_wait3A_59 : memref<10240x16xf32, #tpu.memory_space<vmem_shared>>)
        tpu.yield
      }) : () -> ()
      %add3A_34 = arith.constant 2 : i32
      %add3A_35 = arith.addi %mul3A_29, %add3A_34 : i32
      %mul3A_36 = arith.constant 80 : i32
      %mul3A_37 = arith.muli %add3A_35, %mul3A_36 : i32
      %add3A_38 = arith.addi %mul3A_4, %mul3A_37 : i32
      %multiple_of3A_39 = tpu.assume_multiple %add3A_38, 8 : i32
      %dma_start3A_40 = tpu.memref_slice %arg2[%multiple_of3A_39] : memref<322560xi32, #tpu.memory_space<hbm>> -> memref<80xi32, #tpu.memory_space<hbm>>
      %dma_start3A_41 = tpu.memref_slice %arg2[%multiple_of3A_39] : memref<322560xi32, #tpu.memory_space<hbm>> -> memref<80xi32, #tpu.memory_space<hbm>>
      tpu.enqueue_dma source(%dma_start3A_41 : memref<80xi32, #tpu.memory_space<hbm>>) target(%arg6 : memref<80xi32, #tpu.memory_space<vmem>>) target_semaphore(%arg11 : memref<!tpu.dma_semaphore, #tpu.memory_space<semaphore_mem>>)
      %dma_wait3A_42 = arith.constant 0 : i32
      %dma_wait3A_43 = tpu.memref_slice %arg2[%dma_wait3A_42] : memref<322560xi32, #tpu.memory_space<hbm>> -> memref<80xi32, #tpu.memory_space<hbm>>
      %dma_wait3A_44 = arith.constant 0 : i32
      %dma_wait3A_45 = tpu.memref_slice %arg2[%dma_wait3A_44] : memref<322560xi32, #tpu.memory_space<hbm>> -> memref<80xi32, #tpu.memory_space<hbm>>
      tpu.wait_dma2 semaphore(%arg12 : memref<!tpu.dma_semaphore, #tpu.memory_space<semaphore_mem>>) src(%dma_wait3A_45 : memref<80xi32, #tpu.memory_space<hbm>>) dst(%arg7 : memref<80xi32, #tpu.memory_space<vmem>>)
      "tpu.region"() ({
        %run_scoped3A = tpu.sem_alloc : memref<!tpu.dma_semaphore, #tpu.memory_space<semaphore_mem>>
        %dma_start3A_54 = arith.constant 0 : i32
        %dma_start3A_55 = arith.constant 0 : i32
        %dma_start3A_56 = tpu.memref_slice %arg10[%dma_start3A_54, %dma_start3A_55] : memref<10240x16xf32, #tpu.memory_space<vmem_shared>> -> memref<10240x16xf32, #tpu.memory_space<vmem_shared>>
        tpu.enqueue_indirect_dma source(%arg8 : memref<80x16xf32, #tpu.memory_space<vmem>>) target(%dma_start3A_56 : memref<10240x16xf32, #tpu.memory_space<vmem_shared>>) offsets(%arg7 : memref<80xi32, #tpu.memory_space<vmem>>) semaphore(%run_scoped3A : memref<!tpu.dma_semaphore, #tpu.memory_space<semaphore_mem>>) {add = true}
        %dma_wait3A_57 = arith.constant 0 : i32
        %dma_wait3A_58 = arith.constant 0 : i32
        %dma_wait3A_59 = tpu.memref_slice %arg10[%dma_wait3A_57, %dma_wait3A_58] : memref<10240x16xf32, #tpu.memory_space<vmem_shared>> -> memref<10240x16xf32, #tpu.memory_space<vmem_shared>>
        tpu.wait_indirect_dma semaphore(%run_scoped3A : memref<!tpu.dma_semaphore, #tpu.memory_space<semaphore_mem>>) src(%arg8 : memref<80x16xf32, #tpu.memory_space<vmem>>) dst(%dma_wait3A_59 : memref<10240x16xf32, #tpu.memory_space<vmem_shared>>)
        tpu.yield
      }) : () -> ()
      %add3A_46 = arith.constant 3 : i32
      %add3A_47 = arith.addi %mul3A_29, %add3A_46 : i32
      %mul3A_48 = arith.constant 80 : i32
      %mul3A_49 = arith.muli %add3A_47, %mul3A_48 : i32
      %add3A_50 = arith.addi %mul3A_4, %mul3A_49 : i32
      %multiple_of3A_51 = tpu.assume_multiple %add3A_50, 8 : i32
      %dma_start3A_52 = tpu.memref_slice %arg2[%multiple_of3A_51] : memref<322560xi32, #tpu.memory_space<hbm>> -> memref<80xi32, #tpu.memory_space<hbm>>
      %dma_start3A_53 = tpu.memref_slice %arg2[%multiple_of3A_51] : memref<322560xi32, #tpu.memory_space<hbm>> -> memref<80xi32, #tpu.memory_space<hbm>>
      tpu.enqueue_dma source(%dma_start3A_53 : memref<80xi32, #tpu.memory_space<hbm>>) target(%arg7 : memref<80xi32, #tpu.memory_space<vmem>>) target_semaphore(%arg12 : memref<!tpu.dma_semaphore, #tpu.memory_space<semaphore_mem>>)
    }
    %scan3A_18 = arith.constant 62 : i32
    %dma_wait3A = arith.constant 0 : i32
    %dma_wait3A_19 = tpu.memref_slice %arg2[%dma_wait3A] : memref<322560xi32, #tpu.memory_space<hbm>> -> memref<80xi32, #tpu.memory_space<hbm>>
    %dma_wait3A_20 = arith.constant 0 : i32
    %dma_wait3A_21 = tpu.memref_slice %arg2[%dma_wait3A_20] : memref<322560xi32, #tpu.memory_space<hbm>> -> memref<80xi32, #tpu.memory_space<hbm>>
    tpu.wait_dma2 semaphore(%arg11 : memref<!tpu.dma_semaphore, #tpu.memory_space<semaphore_mem>>) src(%dma_wait3A_21 : memref<80xi32, #tpu.memory_space<hbm>>) dst(%arg6 : memref<80xi32, #tpu.memory_space<vmem>>)
    "tpu.region"() ({
      %run_scoped3A = tpu.sem_alloc : memref<!tpu.dma_semaphore, #tpu.memory_space<semaphore_mem>>
      %dma_start3A_27 = arith.constant 0 : i32
      %dma_start3A_28 = arith.constant 0 : i32
      %dma_start3A_29 = tpu.memref_slice %arg10[%dma_start3A_27, %dma_start3A_28] : memref<10240x16xf32, #tpu.memory_space<vmem_shared>> -> memref<10240x16xf32, #tpu.memory_space<vmem_shared>>
      tpu.enqueue_indirect_dma source(%arg8 : memref<80x16xf32, #tpu.memory_space<vmem>>) target(%dma_start3A_29 : memref<10240x16xf32, #tpu.memory_space<vmem_shared>>) offsets(%arg6 : memref<80xi32, #tpu.memory_space<vmem>>) semaphore(%run_scoped3A : memref<!tpu.dma_semaphore, #tpu.memory_space<semaphore_mem>>) {add = true}
      %dma_wait3A_30 = arith.constant 0 : i32
      %dma_wait3A_31 = arith.constant 0 : i32
      %dma_wait3A_32 = tpu.memref_slice %arg10[%dma_wait3A_30, %dma_wait3A_31] : memref<10240x16xf32, #tpu.memory_space<vmem_shared>> -> memref<10240x16xf32, #tpu.memory_space<vmem_shared>>
      tpu.wait_indirect_dma semaphore(%run_scoped3A : memref<!tpu.dma_semaphore, #tpu.memory_space<semaphore_mem>>) src(%arg8 : memref<80x16xf32, #tpu.memory_space<vmem>>) dst(%dma_wait3A_32 : memref<10240x16xf32, #tpu.memory_space<vmem_shared>>)
      tpu.yield
    }) : () -> ()
    %dma_wait3A_22 = arith.constant 0 : i32
    %dma_wait3A_23 = tpu.memref_slice %arg2[%dma_wait3A_22] : memref<322560xi32, #tpu.memory_space<hbm>> -> memref<80xi32, #tpu.memory_space<hbm>>
    %dma_wait3A_24 = arith.constant 0 : i32
    %dma_wait3A_25 = tpu.memref_slice %arg2[%dma_wait3A_24] : memref<322560xi32, #tpu.memory_space<hbm>> -> memref<80xi32, #tpu.memory_space<hbm>>
    tpu.wait_dma2 semaphore(%arg12 : memref<!tpu.dma_semaphore, #tpu.memory_space<semaphore_mem>>) src(%dma_wait3A_25 : memref<80xi32, #tpu.memory_space<hbm>>) dst(%arg7 : memref<80xi32, #tpu.memory_space<vmem>>)
    "tpu.region"() ({
      %run_scoped3A = tpu.sem_alloc : memref<!tpu.dma_semaphore, #tpu.memory_space<semaphore_mem>>
      %dma_start3A_27 = arith.constant 0 : i32
      %dma_start3A_28 = arith.constant 0 : i32
      %dma_start3A_29 = tpu.memref_slice %arg10[%dma_start3A_27, %dma_start3A_28] : memref<10240x16xf32, #tpu.memory_space<vmem_shared>> -> memref<10240x16xf32, #tpu.memory_space<vmem_shared>>
      tpu.enqueue_indirect_dma source(%arg8 : memref<80x16xf32, #tpu.memory_space<vmem>>) target(%dma_start3A_29 : memref<10240x16xf32, #tpu.memory_space<vmem_shared>>) offsets(%arg7 : memref<80xi32, #tpu.memory_space<vmem>>) semaphore(%run_scoped3A : memref<!tpu.dma_semaphore, #tpu.memory_space<semaphore_mem>>) {add = true}
      %dma_wait3A_30 = arith.constant 0 : i32
      %dma_wait3A_31 = arith.constant 0 : i32
      %dma_wait3A_32 = tpu.memref_slice %arg10[%dma_wait3A_30, %dma_wait3A_31] : memref<10240x16xf32, #tpu.memory_space<vmem_shared>> -> memref<10240x16xf32, #tpu.memory_space<vmem_shared>>
      tpu.wait_indirect_dma semaphore(%run_scoped3A : memref<!tpu.dma_semaphore, #tpu.memory_space<semaphore_mem>>) src(%arg8 : memref<80x16xf32, #tpu.memory_space<vmem>>) dst(%dma_wait3A_32 : memref<10240x16xf32, #tpu.memory_space<vmem_shared>>)
      tpu.yield
    }) : () -> ()
    %barrier3A_26 = arith.constant 0 : index
    tpu.barrier barrier_id(%barrier3A_26)
    "tpu.region"() ({
      %run_scoped3A = tpu.sem_alloc : memref<!tpu.dma_semaphore, #tpu.memory_space<semaphore_mem>>
      %dma_start3A_27 = arith.constant 0 : i32
      %dma_start3A_28 = tpu.memref_slice %arg10[%multiple_of3A, %dma_start3A_27] : memref<10240x16xf32, #tpu.memory_space<vmem_shared>> -> memref<640x16xf32, #tpu.memory_space<vmem_shared>>
      %dma_start3A_29 = arith.constant 0 : i32
      %dma_start3A_30 = tpu.memref_slice %arg10[%multiple_of3A, %dma_start3A_29] : memref<10240x16xf32, #tpu.memory_space<vmem_shared>> -> memref<640x16xf32, #tpu.memory_space<vmem_shared>>
      tpu.enqueue_dma source(%dma_start3A_30 : memref<640x16xf32, #tpu.memory_space<vmem_shared>>) target(%arg9 : memref<640x16xf32, #tpu.memory_space<vmem>>) target_semaphore(%run_scoped3A : memref<!tpu.dma_semaphore, #tpu.memory_space<semaphore_mem>>)
      %dma_wait3A_31 = arith.constant 0 : i32
      %dma_wait3A_32 = tpu.memref_slice %arg10[%multiple_of3A, %dma_wait3A_31] : memref<10240x16xf32, #tpu.memory_space<vmem_shared>> -> memref<640x16xf32, #tpu.memory_space<vmem_shared>>
      %dma_wait3A_33 = arith.constant 0 : i32
      %dma_wait3A_34 = tpu.memref_slice %arg10[%multiple_of3A, %dma_wait3A_33] : memref<10240x16xf32, #tpu.memory_space<vmem_shared>> -> memref<640x16xf32, #tpu.memory_space<vmem_shared>>
      tpu.wait_dma2 semaphore(%run_scoped3A : memref<!tpu.dma_semaphore, #tpu.memory_space<semaphore_mem>>) src(%dma_wait3A_34 : memref<640x16xf32, #tpu.memory_space<vmem_shared>>) dst(%arg9 : memref<640x16xf32, #tpu.memory_space<vmem>>)
      tpu.yield
    }) : () -> ()
    "tpu.region"() ({
      %run_scoped3A = tpu.sem_alloc : memref<!tpu.dma_semaphore, #tpu.memory_space<semaphore_mem>>
      %dma_start3A_27 = arith.constant 0 : i32
      %dma_start3A_28 = tpu.memref_slice %arg5[%arg0, %multiple_of3A, %dma_start3A_27] : memref<2x10240x16xf32, #tpu.memory_space<hbm>> -> memref<1x640x16xf32, #tpu.memory_space<hbm>>
      %dma_start3A_29 = tpu.memref_squeeze %dma_start3A_28 : memref<1x640x16xf32, #tpu.memory_space<hbm>> -> memref<640x16xf32, #tpu.memory_space<hbm>>
      %dma_start3A_30 = arith.constant 0 : i32
      %dma_start3A_31 = tpu.memref_slice %arg5[%arg0, %multiple_of3A, %dma_start3A_30] : memref<2x10240x16xf32, #tpu.memory_space<hbm>> -> memref<1x640x16xf32, #tpu.memory_space<hbm>>
      %dma_start3A_32 = tpu.memref_squeeze %dma_start3A_31 : memref<1x640x16xf32, #tpu.memory_space<hbm>> -> memref<640x16xf32, #tpu.memory_space<hbm>>
      tpu.enqueue_dma source(%arg9 : memref<640x16xf32, #tpu.memory_space<vmem>>) target(%dma_start3A_32 : memref<640x16xf32, #tpu.memory_space<hbm>>) target_semaphore(%run_scoped3A : memref<!tpu.dma_semaphore, #tpu.memory_space<semaphore_mem>>)
      %dma_wait3A_33 = arith.constant 0 : i32
      %dma_wait3A_34 = tpu.memref_slice %arg5[%arg0, %multiple_of3A, %dma_wait3A_33] : memref<2x10240x16xf32, #tpu.memory_space<hbm>> -> memref<1x640x16xf32, #tpu.memory_space<hbm>>
      %dma_wait3A_35 = tpu.memref_squeeze %dma_wait3A_34 : memref<1x640x16xf32, #tpu.memory_space<hbm>> -> memref<640x16xf32, #tpu.memory_space<hbm>>
      %dma_wait3A_36 = arith.constant 0 : i32
      %dma_wait3A_37 = tpu.memref_slice %arg5[%arg0, %multiple_of3A, %dma_wait3A_36] : memref<2x10240x16xf32, #tpu.memory_space<hbm>> -> memref<1x640x16xf32, #tpu.memory_space<hbm>>
      %dma_wait3A_38 = tpu.memref_squeeze %dma_wait3A_37 : memref<1x640x16xf32, #tpu.memory_space<hbm>> -> memref<640x16xf32, #tpu.memory_space<hbm>>
      tpu.wait_dma2 semaphore(%run_scoped3A : memref<!tpu.dma_semaphore, #tpu.memory_space<semaphore_mem>>) src(%arg9 : memref<640x16xf32, #tpu.memory_space<vmem>>) dst(%dma_wait3A_38 : memref<640x16xf32, #tpu.memory_space<hbm>>)
      tpu.yield
    }) : () -> ()
    return
  }
}

#map = affine_map<(d0, d1) -> (0, 0)>
#map1 = affine_map<(d0, d1) -> (0)>
#map2 = affine_map<(d0, d1) -> (0, 0, 0)>
module attributes {stable_mosaic.version = 14 : i64} {
  func.func @body(%arg0: i32, %arg1: i32, %arg2: memref<10000x128xf32, #tpu.memory_space<hbm>>, %arg3: memref<322560xi32, #tpu.memory_space<hbm>>, %arg4: memref<322560xi32, #tpu.memory_space<hbm>>, %arg5: memref<10240x128xf32, #tpu.memory_space<hbm>>, %arg6: memref<2x10240x128xf32, #tpu.memory_space<hbm>>, %arg7: memref<80xi32, #tpu.memory_space<vmem>>, %arg8: memref<80xi32, #tpu.memory_space<vmem>>, %arg9: memref<80xi32, #tpu.memory_space<vmem>>, %arg10: memref<80xi32, #tpu.memory_space<vmem>>, %arg11: memref<80xi32, #tpu.memory_space<vmem>>, %arg12: memref<80xi32, #tpu.memory_space<vmem>>, %arg13: memref<80x128xf32, #tpu.memory_space<vmem>>, %arg14: memref<80x128xf32, #tpu.memory_space<vmem>>, %arg15: memref<80x128xf32, #tpu.memory_space<vmem>>, %arg16: memref<10240x128xf32, #tpu.memory_space<vmem_shared>>, %arg17: memref<!tpu.dma_semaphore, #tpu.memory_space<semaphore_mem>>, %arg18: memref<!tpu.dma_semaphore, #tpu.memory_space<semaphore_mem>>, %arg19: memref<!tpu.dma_semaphore, #tpu.memory_space<semaphore_mem>>, %arg20: memref<!tpu.dma_semaphore, #tpu.memory_space<semaphore_mem>>, %arg21: memref<!tpu.dma_semaphore, #tpu.memory_space<semaphore_mem>>, %arg22: memref<!tpu.dma_semaphore, #tpu.memory_space<semaphore_mem>>, %arg23: memref<!tpu.dma_semaphore, #tpu.memory_space<semaphore_mem>>, %arg24: memref<!tpu.dma_semaphore, #tpu.memory_space<semaphore_mem>>, %arg25: memref<!tpu.dma_semaphore, #tpu.memory_space<semaphore_mem>>) attributes {dimension_semantics = [#tpu.dimension_semantics<core_parallel>, #tpu.dimension_semantics<subcore_parallel>], iteration_bounds = array<i64: 2, 16>, scalar_prefetch = 0 : i64, scratch_operands = 19 : i64, tpu.core_type = #tpu.core_type<sc_vector_subcore>, window_params = [{transform_indices = #map}, {transform_indices = #map1}, {transform_indices = #map1}, {transform_indices = #map}, {transform_indices = #map2}]} {
    %mul3A = arith.constant 2 : i32
    %mul3A_0 = arith.muli %arg1, %mul3A : i32
    %add3A = arith.addi %mul3A_0, %arg0 : i32
    %mul3A_1 = arith.constant 640 : i32
    %mul3A_2 = arith.muli %arg1, %mul3A_1 : i32
    %multiple_of3A = tpu.assume_multiple %mul3A_2, 8 : i32
    "tpu.region"() ({
      %run_scoped3A = tpu.sem_alloc : memref<!tpu.dma_semaphore, #tpu.memory_space<semaphore_mem>>
      %dma_start3A_93 = arith.constant 0 : i32
      %dma_start3A_94 = arith.constant 0 : i32
      %dma_start3A_95 = tpu.memref_slice %arg5[%dma_start3A_93, %dma_start3A_94] : memref<10240x128xf32, #tpu.memory_space<hbm>> -> memref<80x128xf32, #tpu.memory_space<hbm>>
      %dma_start3A_96 = arith.constant 0 : i32
      %dma_start3A_97 = arith.constant 0 : i32
      %dma_start3A_98 = tpu.memref_slice %arg5[%dma_start3A_96, %dma_start3A_97] : memref<10240x128xf32, #tpu.memory_space<hbm>> -> memref<80x128xf32, #tpu.memory_space<hbm>>
      tpu.enqueue_dma source(%dma_start3A_98 : memref<80x128xf32, #tpu.memory_space<hbm>>) target(%arg13 : memref<80x128xf32, #tpu.memory_space<vmem>>) target_semaphore(%run_scoped3A : memref<!tpu.dma_semaphore, #tpu.memory_space<semaphore_mem>>)
      %dma_wait3A_99 = arith.constant 0 : i32
      %dma_wait3A_100 = arith.constant 0 : i32
      %dma_wait3A_101 = tpu.memref_slice %arg5[%dma_wait3A_99, %dma_wait3A_100] : memref<10240x128xf32, #tpu.memory_space<hbm>> -> memref<80x128xf32, #tpu.memory_space<hbm>>
      %dma_wait3A_102 = arith.constant 0 : i32
      %dma_wait3A_103 = arith.constant 0 : i32
      %dma_wait3A_104 = tpu.memref_slice %arg5[%dma_wait3A_102, %dma_wait3A_103] : memref<10240x128xf32, #tpu.memory_space<hbm>> -> memref<80x128xf32, #tpu.memory_space<hbm>>
      tpu.wait_dma2 semaphore(%run_scoped3A : memref<!tpu.dma_semaphore, #tpu.memory_space<semaphore_mem>>) src(%dma_wait3A_104 : memref<80x128xf32, #tpu.memory_space<hbm>>) dst(%arg13 : memref<80x128xf32, #tpu.memory_space<vmem>>)
      tpu.yield
    }) : () -> ()
    %scan3A = arith.constant 0 : i32
    %scan3A_3 = arith.constant 0 : i32
    %scan3A_4 = arith.constant 8 : i32
    %scan3A_5 = arith.addi %scan3A_3, %scan3A_4 : i32
    %scan3A_6 = arith.constant 1 : i32
    scf.for %scan3A_93 = %scan3A_3 to %scan3A_5 step %scan3A_6  : i32 {
      %mul3A_94 = arith.constant 80 : i32
      %mul3A_95 = arith.muli %scan3A_93, %mul3A_94 : i32
      %add3A_96 = arith.addi %multiple_of3A, %mul3A_95 : i32
      "tpu.region"() ({
        %run_scoped3A = tpu.sem_alloc : memref<!tpu.dma_semaphore, #tpu.memory_space<semaphore_mem>>
        %dma_start3A_97 = arith.constant 0 : i32
        %dma_start3A_98 = tpu.memref_slice %arg16[%add3A_96, %dma_start3A_97] : memref<10240x128xf32, #tpu.memory_space<vmem_shared>> -> memref<80x128xf32, #tpu.memory_space<vmem_shared>>
        %dma_start3A_99 = arith.constant 0 : i32
        %dma_start3A_100 = tpu.memref_slice %arg16[%add3A_96, %dma_start3A_99] : memref<10240x128xf32, #tpu.memory_space<vmem_shared>> -> memref<80x128xf32, #tpu.memory_space<vmem_shared>>
        tpu.enqueue_dma source(%arg13 : memref<80x128xf32, #tpu.memory_space<vmem>>) target(%dma_start3A_100 : memref<80x128xf32, #tpu.memory_space<vmem_shared>>) target_semaphore(%run_scoped3A : memref<!tpu.dma_semaphore, #tpu.memory_space<semaphore_mem>>)
        %dma_wait3A_101 = arith.constant 0 : i32
        %dma_wait3A_102 = tpu.memref_slice %arg16[%add3A_96, %dma_wait3A_101] : memref<10240x128xf32, #tpu.memory_space<vmem_shared>> -> memref<80x128xf32, #tpu.memory_space<vmem_shared>>
        %dma_wait3A_103 = arith.constant 0 : i32
        %dma_wait3A_104 = tpu.memref_slice %arg16[%add3A_96, %dma_wait3A_103] : memref<10240x128xf32, #tpu.memory_space<vmem_shared>> -> memref<80x128xf32, #tpu.memory_space<vmem_shared>>
        tpu.wait_dma2 semaphore(%run_scoped3A : memref<!tpu.dma_semaphore, #tpu.memory_space<semaphore_mem>>) src(%arg13 : memref<80x128xf32, #tpu.memory_space<vmem>>) dst(%dma_wait3A_104 : memref<80x128xf32, #tpu.memory_space<vmem_shared>>)
        tpu.yield
      }) : () -> ()
    }
    %scan3A_7 = arith.constant 8 : i32
    %barrier3A = arith.constant 0 : index
    tpu.barrier barrier_id(%barrier3A)
    %mul3A_8 = arith.constant 10080 : i32
    %mul3A_9 = arith.muli %add3A, %mul3A_8 : i32
    %add3A_10 = arith.constant 0 : i32
    %add3A_11 = arith.addi %mul3A_9, %add3A_10 : i32
    %multiple_of3A_12 = tpu.assume_multiple %add3A_11, 8 : i32
    %dma_start3A = tpu.memref_slice %arg3[%multiple_of3A_12] : memref<322560xi32, #tpu.memory_space<hbm>> -> memref<80xi32, #tpu.memory_space<hbm>>
    %dma_start3A_13 = tpu.memref_slice %arg3[%multiple_of3A_12] : memref<322560xi32, #tpu.memory_space<hbm>> -> memref<80xi32, #tpu.memory_space<hbm>>
    tpu.enqueue_dma source(%dma_start3A_13 : memref<80xi32, #tpu.memory_space<hbm>>) target(%arg7 : memref<80xi32, #tpu.memory_space<vmem>>) target_semaphore(%arg17 : memref<!tpu.dma_semaphore, #tpu.memory_space<semaphore_mem>>)
    %dma_start3A_14 = tpu.memref_slice %arg4[%multiple_of3A_12] : memref<322560xi32, #tpu.memory_space<hbm>> -> memref<80xi32, #tpu.memory_space<hbm>>
    %dma_start3A_15 = tpu.memref_slice %arg4[%multiple_of3A_12] : memref<322560xi32, #tpu.memory_space<hbm>> -> memref<80xi32, #tpu.memory_space<hbm>>
    tpu.enqueue_dma source(%dma_start3A_15 : memref<80xi32, #tpu.memory_space<hbm>>) target(%arg10 : memref<80xi32, #tpu.memory_space<vmem>>) target_semaphore(%arg20 : memref<!tpu.dma_semaphore, #tpu.memory_space<semaphore_mem>>)
    %add3A_16 = arith.constant 80 : i32
    %add3A_17 = arith.addi %mul3A_9, %add3A_16 : i32
    %multiple_of3A_18 = tpu.assume_multiple %add3A_17, 8 : i32
    %dma_start3A_19 = tpu.memref_slice %arg3[%multiple_of3A_18] : memref<322560xi32, #tpu.memory_space<hbm>> -> memref<80xi32, #tpu.memory_space<hbm>>
    %dma_start3A_20 = tpu.memref_slice %arg3[%multiple_of3A_18] : memref<322560xi32, #tpu.memory_space<hbm>> -> memref<80xi32, #tpu.memory_space<hbm>>
    tpu.enqueue_dma source(%dma_start3A_20 : memref<80xi32, #tpu.memory_space<hbm>>) target(%arg8 : memref<80xi32, #tpu.memory_space<vmem>>) target_semaphore(%arg18 : memref<!tpu.dma_semaphore, #tpu.memory_space<semaphore_mem>>)
    %dma_start3A_21 = tpu.memref_slice %arg4[%multiple_of3A_18] : memref<322560xi32, #tpu.memory_space<hbm>> -> memref<80xi32, #tpu.memory_space<hbm>>
    %dma_start3A_22 = tpu.memref_slice %arg4[%multiple_of3A_18] : memref<322560xi32, #tpu.memory_space<hbm>> -> memref<80xi32, #tpu.memory_space<hbm>>
    tpu.enqueue_dma source(%dma_start3A_22 : memref<80xi32, #tpu.memory_space<hbm>>) target(%arg11 : memref<80xi32, #tpu.memory_space<vmem>>) target_semaphore(%arg21 : memref<!tpu.dma_semaphore, #tpu.memory_space<semaphore_mem>>)
    %add3A_23 = arith.constant 160 : i32
    %add3A_24 = arith.addi %mul3A_9, %add3A_23 : i32
    %multiple_of3A_25 = tpu.assume_multiple %add3A_24, 8 : i32
    %dma_start3A_26 = tpu.memref_slice %arg3[%multiple_of3A_25] : memref<322560xi32, #tpu.memory_space<hbm>> -> memref<80xi32, #tpu.memory_space<hbm>>
    %dma_start3A_27 = tpu.memref_slice %arg3[%multiple_of3A_25] : memref<322560xi32, #tpu.memory_space<hbm>> -> memref<80xi32, #tpu.memory_space<hbm>>
    tpu.enqueue_dma source(%dma_start3A_27 : memref<80xi32, #tpu.memory_space<hbm>>) target(%arg9 : memref<80xi32, #tpu.memory_space<vmem>>) target_semaphore(%arg19 : memref<!tpu.dma_semaphore, #tpu.memory_space<semaphore_mem>>)
    %dma_start3A_28 = tpu.memref_slice %arg4[%multiple_of3A_25] : memref<322560xi32, #tpu.memory_space<hbm>> -> memref<80xi32, #tpu.memory_space<hbm>>
    %dma_start3A_29 = tpu.memref_slice %arg4[%multiple_of3A_25] : memref<322560xi32, #tpu.memory_space<hbm>> -> memref<80xi32, #tpu.memory_space<hbm>>
    tpu.enqueue_dma source(%dma_start3A_29 : memref<80xi32, #tpu.memory_space<hbm>>) target(%arg12 : memref<80xi32, #tpu.memory_space<vmem>>) target_semaphore(%arg22 : memref<!tpu.dma_semaphore, #tpu.memory_space<semaphore_mem>>)
    %dma_wait3A = arith.constant 0 : i32
    %dma_wait3A_30 = tpu.memref_slice %arg3[%dma_wait3A] : memref<322560xi32, #tpu.memory_space<hbm>> -> memref<80xi32, #tpu.memory_space<hbm>>
    %dma_wait3A_31 = arith.constant 0 : i32
    %dma_wait3A_32 = tpu.memref_slice %arg3[%dma_wait3A_31] : memref<322560xi32, #tpu.memory_space<hbm>> -> memref<80xi32, #tpu.memory_space<hbm>>
    tpu.wait_dma2 semaphore(%arg17 : memref<!tpu.dma_semaphore, #tpu.memory_space<semaphore_mem>>) src(%dma_wait3A_32 : memref<80xi32, #tpu.memory_space<hbm>>) dst(%arg7 : memref<80xi32, #tpu.memory_space<vmem>>)
    %dma_wait3A_33 = arith.constant 0 : i32
    %dma_wait3A_34 = tpu.memref_slice %arg4[%dma_wait3A_33] : memref<322560xi32, #tpu.memory_space<hbm>> -> memref<80xi32, #tpu.memory_space<hbm>>
    %dma_wait3A_35 = arith.constant 0 : i32
    %dma_wait3A_36 = tpu.memref_slice %arg4[%dma_wait3A_35] : memref<322560xi32, #tpu.memory_space<hbm>> -> memref<80xi32, #tpu.memory_space<hbm>>
    tpu.wait_dma2 semaphore(%arg20 : memref<!tpu.dma_semaphore, #tpu.memory_space<semaphore_mem>>) src(%dma_wait3A_36 : memref<80xi32, #tpu.memory_space<hbm>>) dst(%arg10 : memref<80xi32, #tpu.memory_space<vmem>>)
    %dma_start3A_37 = arith.constant 0 : i32
    %dma_start3A_38 = arith.constant 0 : i32
    %dma_start3A_39 = tpu.memref_slice %arg2[%dma_start3A_37, %dma_start3A_38] : memref<10000x128xf32, #tpu.memory_space<hbm>> -> memref<10000x128xf32, #tpu.memory_space<hbm>>
    tpu.enqueue_indirect_dma source(%dma_start3A_39 : memref<10000x128xf32, #tpu.memory_space<hbm>>) target(%arg13 : memref<80x128xf32, #tpu.memory_space<vmem>>) offsets(%arg7 : memref<80xi32, #tpu.memory_space<vmem>>) semaphore(%arg23 : memref<!tpu.dma_semaphore, #tpu.memory_space<semaphore_mem>>)
    %dma_wait3A_40 = arith.constant 0 : i32
    %dma_wait3A_41 = tpu.memref_slice %arg3[%dma_wait3A_40] : memref<322560xi32, #tpu.memory_space<hbm>> -> memref<80xi32, #tpu.memory_space<hbm>>
    %dma_wait3A_42 = arith.constant 0 : i32
    %dma_wait3A_43 = tpu.memref_slice %arg3[%dma_wait3A_42] : memref<322560xi32, #tpu.memory_space<hbm>> -> memref<80xi32, #tpu.memory_space<hbm>>
    tpu.wait_dma2 semaphore(%arg18 : memref<!tpu.dma_semaphore, #tpu.memory_space<semaphore_mem>>) src(%dma_wait3A_43 : memref<80xi32, #tpu.memory_space<hbm>>) dst(%arg8 : memref<80xi32, #tpu.memory_space<vmem>>)
    %dma_wait3A_44 = arith.constant 0 : i32
    %dma_wait3A_45 = tpu.memref_slice %arg4[%dma_wait3A_44] : memref<322560xi32, #tpu.memory_space<hbm>> -> memref<80xi32, #tpu.memory_space<hbm>>
    %dma_wait3A_46 = arith.constant 0 : i32
    %dma_wait3A_47 = tpu.memref_slice %arg4[%dma_wait3A_46] : memref<322560xi32, #tpu.memory_space<hbm>> -> memref<80xi32, #tpu.memory_space<hbm>>
    tpu.wait_dma2 semaphore(%arg21 : memref<!tpu.dma_semaphore, #tpu.memory_space<semaphore_mem>>) src(%dma_wait3A_47 : memref<80xi32, #tpu.memory_space<hbm>>) dst(%arg11 : memref<80xi32, #tpu.memory_space<vmem>>)
    %dma_start3A_48 = arith.constant 0 : i32
    %dma_start3A_49 = arith.constant 0 : i32
    %dma_start3A_50 = tpu.memref_slice %arg2[%dma_start3A_48, %dma_start3A_49] : memref<10000x128xf32, #tpu.memory_space<hbm>> -> memref<10000x128xf32, #tpu.memory_space<hbm>>
    tpu.enqueue_indirect_dma source(%dma_start3A_50 : memref<10000x128xf32, #tpu.memory_space<hbm>>) target(%arg14 : memref<80x128xf32, #tpu.memory_space<vmem>>) offsets(%arg8 : memref<80xi32, #tpu.memory_space<vmem>>) semaphore(%arg24 : memref<!tpu.dma_semaphore, #tpu.memory_space<semaphore_mem>>)
    %scan3A_51 = arith.constant 0 : i32
    %scan3A_52 = arith.constant 0 : i32
    %scan3A_53 = arith.constant 41 : i32
    %scan3A_54 = arith.addi %scan3A_52, %scan3A_53 : i32
    %scan3A_55 = arith.constant 1 : i32
    scf.for %scan3A_93 = %scan3A_52 to %scan3A_54 step %scan3A_55  : i32 {
      %mul3A_94 = arith.constant 3 : i32
      %mul3A_95 = arith.muli %mul3A_94, %scan3A_93 : i32
      %dma_wait3A_96 = arith.constant 0 : i32
      %dma_wait3A_97 = tpu.memref_slice %arg3[%dma_wait3A_96] : memref<322560xi32, #tpu.memory_space<hbm>> -> memref<80xi32, #tpu.memory_space<hbm>>
      %dma_wait3A_98 = arith.constant 0 : i32
      %dma_wait3A_99 = tpu.memref_slice %arg3[%dma_wait3A_98] : memref<322560xi32, #tpu.memory_space<hbm>> -> memref<80xi32, #tpu.memory_space<hbm>>
      tpu.wait_dma2 semaphore(%arg19 : memref<!tpu.dma_semaphore, #tpu.memory_space<semaphore_mem>>) src(%dma_wait3A_99 : memref<80xi32, #tpu.memory_space<hbm>>) dst(%arg9 : memref<80xi32, #tpu.memory_space<vmem>>)
      %dma_wait3A_100 = arith.constant 0 : i32
      %dma_wait3A_101 = tpu.memref_slice %arg4[%dma_wait3A_100] : memref<322560xi32, #tpu.memory_space<hbm>> -> memref<80xi32, #tpu.memory_space<hbm>>
      %dma_wait3A_102 = arith.constant 0 : i32
      %dma_wait3A_103 = tpu.memref_slice %arg4[%dma_wait3A_102] : memref<322560xi32, #tpu.memory_space<hbm>> -> memref<80xi32, #tpu.memory_space<hbm>>
      tpu.wait_dma2 semaphore(%arg22 : memref<!tpu.dma_semaphore, #tpu.memory_space<semaphore_mem>>) src(%dma_wait3A_103 : memref<80xi32, #tpu.memory_space<hbm>>) dst(%arg12 : memref<80xi32, #tpu.memory_space<vmem>>)
      %dma_start3A_104 = arith.constant 0 : i32
      %dma_start3A_105 = arith.constant 0 : i32
      %dma_start3A_106 = tpu.memref_slice %arg2[%dma_start3A_104, %dma_start3A_105] : memref<10000x128xf32, #tpu.memory_space<hbm>> -> memref<10000x128xf32, #tpu.memory_space<hbm>>
      tpu.enqueue_indirect_dma source(%dma_start3A_106 : memref<10000x128xf32, #tpu.memory_space<hbm>>) target(%arg15 : memref<80x128xf32, #tpu.memory_space<vmem>>) offsets(%arg9 : memref<80xi32, #tpu.memory_space<vmem>>) semaphore(%arg25 : memref<!tpu.dma_semaphore, #tpu.memory_space<semaphore_mem>>)
      %dma_wait3A_107 = arith.constant 0 : i32
      %dma_wait3A_108 = arith.constant 0 : i32
      %dma_wait3A_109 = tpu.memref_slice %arg2[%dma_wait3A_107, %dma_wait3A_108] : memref<10000x128xf32, #tpu.memory_space<hbm>> -> memref<80x128xf32, #tpu.memory_space<hbm>>
      %dma_wait3A_110 = arith.constant 0 : i32
      %dma_wait3A_111 = arith.constant 0 : i32
      %dma_wait3A_112 = tpu.memref_slice %arg2[%dma_wait3A_110, %dma_wait3A_111] : memref<10000x128xf32, #tpu.memory_space<hbm>> -> memref<80x128xf32, #tpu.memory_space<hbm>>
      tpu.wait_dma2 semaphore(%arg23 : memref<!tpu.dma_semaphore, #tpu.memory_space<semaphore_mem>>) src(%dma_wait3A_112 : memref<80x128xf32, #tpu.memory_space<hbm>>) dst(%arg13 : memref<80x128xf32, #tpu.memory_space<vmem>>)
      "tpu.region"() ({
        %run_scoped3A = tpu.sem_alloc : memref<!tpu.dma_semaphore, #tpu.memory_space<semaphore_mem>>
        %dma_start3A_183 = arith.constant 0 : i32
        %dma_start3A_184 = arith.constant 0 : i32
        %dma_start3A_185 = tpu.memref_slice %arg16[%dma_start3A_183, %dma_start3A_184] : memref<10240x128xf32, #tpu.memory_space<vmem_shared>> -> memref<10240x128xf32, #tpu.memory_space<vmem_shared>>
        tpu.enqueue_indirect_dma source(%arg13 : memref<80x128xf32, #tpu.memory_space<vmem>>) target(%dma_start3A_185 : memref<10240x128xf32, #tpu.memory_space<vmem_shared>>) offsets(%arg10 : memref<80xi32, #tpu.memory_space<vmem>>) semaphore(%run_scoped3A : memref<!tpu.dma_semaphore, #tpu.memory_space<semaphore_mem>>) {add = true}
        %dma_wait3A_186 = arith.constant 0 : i32
        %dma_wait3A_187 = arith.constant 0 : i32
        %dma_wait3A_188 = tpu.memref_slice %arg16[%dma_wait3A_186, %dma_wait3A_187] : memref<10240x128xf32, #tpu.memory_space<vmem_shared>> -> memref<10240x128xf32, #tpu.memory_space<vmem_shared>>
        tpu.wait_indirect_dma semaphore(%run_scoped3A : memref<!tpu.dma_semaphore, #tpu.memory_space<semaphore_mem>>) src(%arg13 : memref<80x128xf32, #tpu.memory_space<vmem>>) dst(%dma_wait3A_188 : memref<10240x128xf32, #tpu.memory_space<vmem_shared>>)
        tpu.yield
      }) : () -> ()
      %add3A_113 = arith.constant 0 : i32
      %add3A_114 = arith.addi %mul3A_95, %add3A_113 : i32
      %add3A_115 = arith.constant 3 : i32
      %add3A_116 = arith.addi %add3A_114, %add3A_115 : i32
      %mul3A_117 = arith.constant 80 : i32
      %mul3A_118 = arith.muli %add3A_116, %mul3A_117 : i32
      %add3A_119 = arith.addi %mul3A_9, %mul3A_118 : i32
      %multiple_of3A_120 = tpu.assume_multiple %add3A_119, 8 : i32
      %dma_start3A_121 = tpu.memref_slice %arg3[%multiple_of3A_120] : memref<322560xi32, #tpu.memory_space<hbm>> -> memref<80xi32, #tpu.memory_space<hbm>>
      %dma_start3A_122 = tpu.memref_slice %arg3[%multiple_of3A_120] : memref<322560xi32, #tpu.memory_space<hbm>> -> memref<80xi32, #tpu.memory_space<hbm>>
      tpu.enqueue_dma source(%dma_start3A_122 : memref<80xi32, #tpu.memory_space<hbm>>) target(%arg7 : memref<80xi32, #tpu.memory_space<vmem>>) target_semaphore(%arg17 : memref<!tpu.dma_semaphore, #tpu.memory_space<semaphore_mem>>)
      %dma_start3A_123 = tpu.memref_slice %arg4[%multiple_of3A_120] : memref<322560xi32, #tpu.memory_space<hbm>> -> memref<80xi32, #tpu.memory_space<hbm>>
      %dma_start3A_124 = tpu.memref_slice %arg4[%multiple_of3A_120] : memref<322560xi32, #tpu.memory_space<hbm>> -> memref<80xi32, #tpu.memory_space<hbm>>
      tpu.enqueue_dma source(%dma_start3A_124 : memref<80xi32, #tpu.memory_space<hbm>>) target(%arg10 : memref<80xi32, #tpu.memory_space<vmem>>) target_semaphore(%arg20 : memref<!tpu.dma_semaphore, #tpu.memory_space<semaphore_mem>>)
      %dma_wait3A_125 = arith.constant 0 : i32
      %dma_wait3A_126 = tpu.memref_slice %arg3[%dma_wait3A_125] : memref<322560xi32, #tpu.memory_space<hbm>> -> memref<80xi32, #tpu.memory_space<hbm>>
      %dma_wait3A_127 = arith.constant 0 : i32
      %dma_wait3A_128 = tpu.memref_slice %arg3[%dma_wait3A_127] : memref<322560xi32, #tpu.memory_space<hbm>> -> memref<80xi32, #tpu.memory_space<hbm>>
      tpu.wait_dma2 semaphore(%arg17 : memref<!tpu.dma_semaphore, #tpu.memory_space<semaphore_mem>>) src(%dma_wait3A_128 : memref<80xi32, #tpu.memory_space<hbm>>) dst(%arg7 : memref<80xi32, #tpu.memory_space<vmem>>)
      %dma_wait3A_129 = arith.constant 0 : i32
      %dma_wait3A_130 = tpu.memref_slice %arg4[%dma_wait3A_129] : memref<322560xi32, #tpu.memory_space<hbm>> -> memref<80xi32, #tpu.memory_space<hbm>>
      %dma_wait3A_131 = arith.constant 0 : i32
      %dma_wait3A_132 = tpu.memref_slice %arg4[%dma_wait3A_131] : memref<322560xi32, #tpu.memory_space<hbm>> -> memref<80xi32, #tpu.memory_space<hbm>>
      tpu.wait_dma2 semaphore(%arg20 : memref<!tpu.dma_semaphore, #tpu.memory_space<semaphore_mem>>) src(%dma_wait3A_132 : memref<80xi32, #tpu.memory_space<hbm>>) dst(%arg10 : memref<80xi32, #tpu.memory_space<vmem>>)
      %dma_start3A_133 = arith.constant 0 : i32
      %dma_start3A_134 = arith.constant 0 : i32
      %dma_start3A_135 = tpu.memref_slice %arg2[%dma_start3A_133, %dma_start3A_134] : memref<10000x128xf32, #tpu.memory_space<hbm>> -> memref<10000x128xf32, #tpu.memory_space<hbm>>
      tpu.enqueue_indirect_dma source(%dma_start3A_135 : memref<10000x128xf32, #tpu.memory_space<hbm>>) target(%arg13 : memref<80x128xf32, #tpu.memory_space<vmem>>) offsets(%arg7 : memref<80xi32, #tpu.memory_space<vmem>>) semaphore(%arg23 : memref<!tpu.dma_semaphore, #tpu.memory_space<semaphore_mem>>)
      %dma_wait3A_136 = arith.constant 0 : i32
      %dma_wait3A_137 = arith.constant 0 : i32
      %dma_wait3A_138 = tpu.memref_slice %arg2[%dma_wait3A_136, %dma_wait3A_137] : memref<10000x128xf32, #tpu.memory_space<hbm>> -> memref<80x128xf32, #tpu.memory_space<hbm>>
      %dma_wait3A_139 = arith.constant 0 : i32
      %dma_wait3A_140 = arith.constant 0 : i32
      %dma_wait3A_141 = tpu.memref_slice %arg2[%dma_wait3A_139, %dma_wait3A_140] : memref<10000x128xf32, #tpu.memory_space<hbm>> -> memref<80x128xf32, #tpu.memory_space<hbm>>
      tpu.wait_dma2 semaphore(%arg24 : memref<!tpu.dma_semaphore, #tpu.memory_space<semaphore_mem>>) src(%dma_wait3A_141 : memref<80x128xf32, #tpu.memory_space<hbm>>) dst(%arg14 : memref<80x128xf32, #tpu.memory_space<vmem>>)
      "tpu.region"() ({
        %run_scoped3A = tpu.sem_alloc : memref<!tpu.dma_semaphore, #tpu.memory_space<semaphore_mem>>
        %dma_start3A_183 = arith.constant 0 : i32
        %dma_start3A_184 = arith.constant 0 : i32
        %dma_start3A_185 = tpu.memref_slice %arg16[%dma_start3A_183, %dma_start3A_184] : memref<10240x128xf32, #tpu.memory_space<vmem_shared>> -> memref<10240x128xf32, #tpu.memory_space<vmem_shared>>
        tpu.enqueue_indirect_dma source(%arg14 : memref<80x128xf32, #tpu.memory_space<vmem>>) target(%dma_start3A_185 : memref<10240x128xf32, #tpu.memory_space<vmem_shared>>) offsets(%arg11 : memref<80xi32, #tpu.memory_space<vmem>>) semaphore(%run_scoped3A : memref<!tpu.dma_semaphore, #tpu.memory_space<semaphore_mem>>) {add = true}
        %dma_wait3A_186 = arith.constant 0 : i32
        %dma_wait3A_187 = arith.constant 0 : i32
        %dma_wait3A_188 = tpu.memref_slice %arg16[%dma_wait3A_186, %dma_wait3A_187] : memref<10240x128xf32, #tpu.memory_space<vmem_shared>> -> memref<10240x128xf32, #tpu.memory_space<vmem_shared>>
        tpu.wait_indirect_dma semaphore(%run_scoped3A : memref<!tpu.dma_semaphore, #tpu.memory_space<semaphore_mem>>) src(%arg14 : memref<80x128xf32, #tpu.memory_space<vmem>>) dst(%dma_wait3A_188 : memref<10240x128xf32, #tpu.memory_space<vmem_shared>>)
        tpu.yield
      }) : () -> ()
      %add3A_142 = arith.constant 1 : i32
      %add3A_143 = arith.addi %mul3A_95, %add3A_142 : i32
      %add3A_144 = arith.constant 3 : i32
      %add3A_145 = arith.addi %add3A_143, %add3A_144 : i32
      %mul3A_146 = arith.constant 80 : i32
      %mul3A_147 = arith.muli %add3A_145, %mul3A_146 : i32
      %add3A_148 = arith.addi %mul3A_9, %mul3A_147 : i32
      %multiple_of3A_149 = tpu.assume_multiple %add3A_148, 8 : i32
      %dma_start3A_150 = tpu.memref_slice %arg3[%multiple_of3A_149] : memref<322560xi32, #tpu.memory_space<hbm>> -> memref<80xi32, #tpu.memory_space<hbm>>
      %dma_start3A_151 = tpu.memref_slice %arg3[%multiple_of3A_149] : memref<322560xi32, #tpu.memory_space<hbm>> -> memref<80xi32, #tpu.memory_space<hbm>>
      tpu.enqueue_dma source(%dma_start3A_151 : memref<80xi32, #tpu.memory_space<hbm>>) target(%arg8 : memref<80xi32, #tpu.memory_space<vmem>>) target_semaphore(%arg18 : memref<!tpu.dma_semaphore, #tpu.memory_space<semaphore_mem>>)
      %dma_start3A_152 = tpu.memref_slice %arg4[%multiple_of3A_149] : memref<322560xi32, #tpu.memory_space<hbm>> -> memref<80xi32, #tpu.memory_space<hbm>>
      %dma_start3A_153 = tpu.memref_slice %arg4[%multiple_of3A_149] : memref<322560xi32, #tpu.memory_space<hbm>> -> memref<80xi32, #tpu.memory_space<hbm>>
      tpu.enqueue_dma source(%dma_start3A_153 : memref<80xi32, #tpu.memory_space<hbm>>) target(%arg11 : memref<80xi32, #tpu.memory_space<vmem>>) target_semaphore(%arg21 : memref<!tpu.dma_semaphore, #tpu.memory_space<semaphore_mem>>)
      %dma_wait3A_154 = arith.constant 0 : i32
      %dma_wait3A_155 = tpu.memref_slice %arg3[%dma_wait3A_154] : memref<322560xi32, #tpu.memory_space<hbm>> -> memref<80xi32, #tpu.memory_space<hbm>>
      %dma_wait3A_156 = arith.constant 0 : i32
      %dma_wait3A_157 = tpu.memref_slice %arg3[%dma_wait3A_156] : memref<322560xi32, #tpu.memory_space<hbm>> -> memref<80xi32, #tpu.memory_space<hbm>>
      tpu.wait_dma2 semaphore(%arg18 : memref<!tpu.dma_semaphore, #tpu.memory_space<semaphore_mem>>) src(%dma_wait3A_157 : memref<80xi32, #tpu.memory_space<hbm>>) dst(%arg8 : memref<80xi32, #tpu.memory_space<vmem>>)
      %dma_wait3A_158 = arith.constant 0 : i32
      %dma_wait3A_159 = tpu.memref_slice %arg4[%dma_wait3A_158] : memref<322560xi32, #tpu.memory_space<hbm>> -> memref<80xi32, #tpu.memory_space<hbm>>
      %dma_wait3A_160 = arith.constant 0 : i32
      %dma_wait3A_161 = tpu.memref_slice %arg4[%dma_wait3A_160] : memref<322560xi32, #tpu.memory_space<hbm>> -> memref<80xi32, #tpu.memory_space<hbm>>
      tpu.wait_dma2 semaphore(%arg21 : memref<!tpu.dma_semaphore, #tpu.memory_space<semaphore_mem>>) src(%dma_wait3A_161 : memref<80xi32, #tpu.memory_space<hbm>>) dst(%arg11 : memref<80xi32, #tpu.memory_space<vmem>>)
      %dma_start3A_162 = arith.constant 0 : i32
      %dma_start3A_163 = arith.constant 0 : i32
      %dma_start3A_164 = tpu.memref_slice %arg2[%dma_start3A_162, %dma_start3A_163] : memref<10000x128xf32, #tpu.memory_space<hbm>> -> memref<10000x128xf32, #tpu.memory_space<hbm>>
      tpu.enqueue_indirect_dma source(%dma_start3A_164 : memref<10000x128xf32, #tpu.memory_space<hbm>>) target(%arg14 : memref<80x128xf32, #tpu.memory_space<vmem>>) offsets(%arg8 : memref<80xi32, #tpu.memory_space<vmem>>) semaphore(%arg24 : memref<!tpu.dma_semaphore, #tpu.memory_space<semaphore_mem>>)
      %dma_wait3A_165 = arith.constant 0 : i32
      %dma_wait3A_166 = arith.constant 0 : i32
      %dma_wait3A_167 = tpu.memref_slice %arg2[%dma_wait3A_165, %dma_wait3A_166] : memref<10000x128xf32, #tpu.memory_space<hbm>> -> memref<80x128xf32, #tpu.memory_space<hbm>>
      %dma_wait3A_168 = arith.constant 0 : i32
      %dma_wait3A_169 = arith.constant 0 : i32
      %dma_wait3A_170 = tpu.memref_slice %arg2[%dma_wait3A_168, %dma_wait3A_169] : memref<10000x128xf32, #tpu.memory_space<hbm>> -> memref<80x128xf32, #tpu.memory_space<hbm>>
      tpu.wait_dma2 semaphore(%arg25 : memref<!tpu.dma_semaphore, #tpu.memory_space<semaphore_mem>>) src(%dma_wait3A_170 : memref<80x128xf32, #tpu.memory_space<hbm>>) dst(%arg15 : memref<80x128xf32, #tpu.memory_space<vmem>>)
      "tpu.region"() ({
        %run_scoped3A = tpu.sem_alloc : memref<!tpu.dma_semaphore, #tpu.memory_space<semaphore_mem>>
        %dma_start3A_183 = arith.constant 0 : i32
        %dma_start3A_184 = arith.constant 0 : i32
        %dma_start3A_185 = tpu.memref_slice %arg16[%dma_start3A_183, %dma_start3A_184] : memref<10240x128xf32, #tpu.memory_space<vmem_shared>> -> memref<10240x128xf32, #tpu.memory_space<vmem_shared>>
        tpu.enqueue_indirect_dma source(%arg15 : memref<80x128xf32, #tpu.memory_space<vmem>>) target(%dma_start3A_185 : memref<10240x128xf32, #tpu.memory_space<vmem_shared>>) offsets(%arg12 : memref<80xi32, #tpu.memory_space<vmem>>) semaphore(%run_scoped3A : memref<!tpu.dma_semaphore, #tpu.memory_space<semaphore_mem>>) {add = true}
        %dma_wait3A_186 = arith.constant 0 : i32
        %dma_wait3A_187 = arith.constant 0 : i32
        %dma_wait3A_188 = tpu.memref_slice %arg16[%dma_wait3A_186, %dma_wait3A_187] : memref<10240x128xf32, #tpu.memory_space<vmem_shared>> -> memref<10240x128xf32, #tpu.memory_space<vmem_shared>>
        tpu.wait_indirect_dma semaphore(%run_scoped3A : memref<!tpu.dma_semaphore, #tpu.memory_space<semaphore_mem>>) src(%arg15 : memref<80x128xf32, #tpu.memory_space<vmem>>) dst(%dma_wait3A_188 : memref<10240x128xf32, #tpu.memory_space<vmem_shared>>)
        tpu.yield
      }) : () -> ()
      %add3A_171 = arith.constant 2 : i32
      %add3A_172 = arith.addi %mul3A_95, %add3A_171 : i32
      %add3A_173 = arith.constant 3 : i32
      %add3A_174 = arith.addi %add3A_172, %add3A_173 : i32
      %mul3A_175 = arith.constant 80 : i32
      %mul3A_176 = arith.muli %add3A_174, %mul3A_175 : i32
      %add3A_177 = arith.addi %mul3A_9, %mul3A_176 : i32
      %multiple_of3A_178 = tpu.assume_multiple %add3A_177, 8 : i32
      %dma_start3A_179 = tpu.memref_slice %arg3[%multiple_of3A_178] : memref<322560xi32, #tpu.memory_space<hbm>> -> memref<80xi32, #tpu.memory_space<hbm>>
      %dma_start3A_180 = tpu.memref_slice %arg3[%multiple_of3A_178] : memref<322560xi32, #tpu.memory_space<hbm>> -> memref<80xi32, #tpu.memory_space<hbm>>
      tpu.enqueue_dma source(%dma_start3A_180 : memref<80xi32, #tpu.memory_space<hbm>>) target(%arg9 : memref<80xi32, #tpu.memory_space<vmem>>) target_semaphore(%arg19 : memref<!tpu.dma_semaphore, #tpu.memory_space<semaphore_mem>>)
      %dma_start3A_181 = tpu.memref_slice %arg4[%multiple_of3A_178] : memref<322560xi32, #tpu.memory_space<hbm>> -> memref<80xi32, #tpu.memory_space<hbm>>
      %dma_start3A_182 = tpu.memref_slice %arg4[%multiple_of3A_178] : memref<322560xi32, #tpu.memory_space<hbm>> -> memref<80xi32, #tpu.memory_space<hbm>>
      tpu.enqueue_dma source(%dma_start3A_182 : memref<80xi32, #tpu.memory_space<hbm>>) target(%arg12 : memref<80xi32, #tpu.memory_space<vmem>>) target_semaphore(%arg22 : memref<!tpu.dma_semaphore, #tpu.memory_space<semaphore_mem>>)
    }
    %scan3A_56 = arith.constant 41 : i32
    %dma_wait3A_57 = arith.constant 0 : i32
    %dma_wait3A_58 = tpu.memref_slice %arg3[%dma_wait3A_57] : memref<322560xi32, #tpu.memory_space<hbm>> -> memref<80xi32, #tpu.memory_space<hbm>>
    %dma_wait3A_59 = arith.constant 0 : i32
    %dma_wait3A_60 = tpu.memref_slice %arg3[%dma_wait3A_59] : memref<322560xi32, #tpu.memory_space<hbm>> -> memref<80xi32, #tpu.memory_space<hbm>>
    tpu.wait_dma2 semaphore(%arg19 : memref<!tpu.dma_semaphore, #tpu.memory_space<semaphore_mem>>) src(%dma_wait3A_60 : memref<80xi32, #tpu.memory_space<hbm>>) dst(%arg9 : memref<80xi32, #tpu.memory_space<vmem>>)
    %dma_wait3A_61 = arith.constant 0 : i32
    %dma_wait3A_62 = tpu.memref_slice %arg4[%dma_wait3A_61] : memref<322560xi32, #tpu.memory_space<hbm>> -> memref<80xi32, #tpu.memory_space<hbm>>
    %dma_wait3A_63 = arith.constant 0 : i32
    %dma_wait3A_64 = tpu.memref_slice %arg4[%dma_wait3A_63] : memref<322560xi32, #tpu.memory_space<hbm>> -> memref<80xi32, #tpu.memory_space<hbm>>
    tpu.wait_dma2 semaphore(%arg22 : memref<!tpu.dma_semaphore, #tpu.memory_space<semaphore_mem>>) src(%dma_wait3A_64 : memref<80xi32, #tpu.memory_space<hbm>>) dst(%arg12 : memref<80xi32, #tpu.memory_space<vmem>>)
    %dma_start3A_65 = arith.constant 0 : i32
    %dma_start3A_66 = arith.constant 0 : i32
    %dma_start3A_67 = tpu.memref_slice %arg2[%dma_start3A_65, %dma_start3A_66] : memref<10000x128xf32, #tpu.memory_space<hbm>> -> memref<10000x128xf32, #tpu.memory_space<hbm>>
    tpu.enqueue_indirect_dma source(%dma_start3A_67 : memref<10000x128xf32, #tpu.memory_space<hbm>>) target(%arg15 : memref<80x128xf32, #tpu.memory_space<vmem>>) offsets(%arg9 : memref<80xi32, #tpu.memory_space<vmem>>) semaphore(%arg25 : memref<!tpu.dma_semaphore, #tpu.memory_space<semaphore_mem>>)
    %dma_wait3A_68 = arith.constant 0 : i32
    %dma_wait3A_69 = arith.constant 0 : i32
    %dma_wait3A_70 = tpu.memref_slice %arg2[%dma_wait3A_68, %dma_wait3A_69] : memref<10000x128xf32, #tpu.memory_space<hbm>> -> memref<80x128xf32, #tpu.memory_space<hbm>>
    %dma_wait3A_71 = arith.constant 0 : i32
    %dma_wait3A_72 = arith.constant 0 : i32
    %dma_wait3A_73 = tpu.memref_slice %arg2[%dma_wait3A_71, %dma_wait3A_72] : memref<10000x128xf32, #tpu.memory_space<hbm>> -> memref<80x128xf32, #tpu.memory_space<hbm>>
    tpu.wait_dma2 semaphore(%arg23 : memref<!tpu.dma_semaphore, #tpu.memory_space<semaphore_mem>>) src(%dma_wait3A_73 : memref<80x128xf32, #tpu.memory_space<hbm>>) dst(%arg13 : memref<80x128xf32, #tpu.memory_space<vmem>>)
    "tpu.region"() ({
      %run_scoped3A = tpu.sem_alloc : memref<!tpu.dma_semaphore, #tpu.memory_space<semaphore_mem>>
      %dma_start3A_93 = arith.constant 0 : i32
      %dma_start3A_94 = arith.constant 0 : i32
      %dma_start3A_95 = tpu.memref_slice %arg16[%dma_start3A_93, %dma_start3A_94] : memref<10240x128xf32, #tpu.memory_space<vmem_shared>> -> memref<10240x128xf32, #tpu.memory_space<vmem_shared>>
      tpu.enqueue_indirect_dma source(%arg13 : memref<80x128xf32, #tpu.memory_space<vmem>>) target(%dma_start3A_95 : memref<10240x128xf32, #tpu.memory_space<vmem_shared>>) offsets(%arg10 : memref<80xi32, #tpu.memory_space<vmem>>) semaphore(%run_scoped3A : memref<!tpu.dma_semaphore, #tpu.memory_space<semaphore_mem>>) {add = true}
      %dma_wait3A_96 = arith.constant 0 : i32
      %dma_wait3A_97 = arith.constant 0 : i32
      %dma_wait3A_98 = tpu.memref_slice %arg16[%dma_wait3A_96, %dma_wait3A_97] : memref<10240x128xf32, #tpu.memory_space<vmem_shared>> -> memref<10240x128xf32, #tpu.memory_space<vmem_shared>>
      tpu.wait_indirect_dma semaphore(%run_scoped3A : memref<!tpu.dma_semaphore, #tpu.memory_space<semaphore_mem>>) src(%arg13 : memref<80x128xf32, #tpu.memory_space<vmem>>) dst(%dma_wait3A_98 : memref<10240x128xf32, #tpu.memory_space<vmem_shared>>)
      tpu.yield
    }) : () -> ()
    %dma_wait3A_74 = arith.constant 0 : i32
    %dma_wait3A_75 = arith.constant 0 : i32
    %dma_wait3A_76 = tpu.memref_slice %arg2[%dma_wait3A_74, %dma_wait3A_75] : memref<10000x128xf32, #tpu.memory_space<hbm>> -> memref<80x128xf32, #tpu.memory_space<hbm>>
    %dma_wait3A_77 = arith.constant 0 : i32
    %dma_wait3A_78 = arith.constant 0 : i32
    %dma_wait3A_79 = tpu.memref_slice %arg2[%dma_wait3A_77, %dma_wait3A_78] : memref<10000x128xf32, #tpu.memory_space<hbm>> -> memref<80x128xf32, #tpu.memory_space<hbm>>
    tpu.wait_dma2 semaphore(%arg24 : memref<!tpu.dma_semaphore, #tpu.memory_space<semaphore_mem>>) src(%dma_wait3A_79 : memref<80x128xf32, #tpu.memory_space<hbm>>) dst(%arg14 : memref<80x128xf32, #tpu.memory_space<vmem>>)
    "tpu.region"() ({
      %run_scoped3A = tpu.sem_alloc : memref<!tpu.dma_semaphore, #tpu.memory_space<semaphore_mem>>
      %dma_start3A_93 = arith.constant 0 : i32
      %dma_start3A_94 = arith.constant 0 : i32
      %dma_start3A_95 = tpu.memref_slice %arg16[%dma_start3A_93, %dma_start3A_94] : memref<10240x128xf32, #tpu.memory_space<vmem_shared>> -> memref<10240x128xf32, #tpu.memory_space<vmem_shared>>
      tpu.enqueue_indirect_dma source(%arg14 : memref<80x128xf32, #tpu.memory_space<vmem>>) target(%dma_start3A_95 : memref<10240x128xf32, #tpu.memory_space<vmem_shared>>) offsets(%arg11 : memref<80xi32, #tpu.memory_space<vmem>>) semaphore(%run_scoped3A : memref<!tpu.dma_semaphore, #tpu.memory_space<semaphore_mem>>) {add = true}
      %dma_wait3A_96 = arith.constant 0 : i32
      %dma_wait3A_97 = arith.constant 0 : i32
      %dma_wait3A_98 = tpu.memref_slice %arg16[%dma_wait3A_96, %dma_wait3A_97] : memref<10240x128xf32, #tpu.memory_space<vmem_shared>> -> memref<10240x128xf32, #tpu.memory_space<vmem_shared>>
      tpu.wait_indirect_dma semaphore(%run_scoped3A : memref<!tpu.dma_semaphore, #tpu.memory_space<semaphore_mem>>) src(%arg14 : memref<80x128xf32, #tpu.memory_space<vmem>>) dst(%dma_wait3A_98 : memref<10240x128xf32, #tpu.memory_space<vmem_shared>>)
      tpu.yield
    }) : () -> ()
    %dma_wait3A_80 = arith.constant 0 : i32
    %dma_wait3A_81 = arith.constant 0 : i32
    %dma_wait3A_82 = tpu.memref_slice %arg2[%dma_wait3A_80, %dma_wait3A_81] : memref<10000x128xf32, #tpu.memory_space<hbm>> -> memref<80x128xf32, #tpu.memory_space<hbm>>
    %dma_wait3A_83 = arith.constant 0 : i32
    %dma_wait3A_84 = arith.constant 0 : i32
    %dma_wait3A_85 = tpu.memref_slice %arg2[%dma_wait3A_83, %dma_wait3A_84] : memref<10000x128xf32, #tpu.memory_space<hbm>> -> memref<80x128xf32, #tpu.memory_space<hbm>>
    tpu.wait_dma2 semaphore(%arg25 : memref<!tpu.dma_semaphore, #tpu.memory_space<semaphore_mem>>) src(%dma_wait3A_85 : memref<80x128xf32, #tpu.memory_space<hbm>>) dst(%arg15 : memref<80x128xf32, #tpu.memory_space<vmem>>)
    "tpu.region"() ({
      %run_scoped3A = tpu.sem_alloc : memref<!tpu.dma_semaphore, #tpu.memory_space<semaphore_mem>>
      %dma_start3A_93 = arith.constant 0 : i32
      %dma_start3A_94 = arith.constant 0 : i32
      %dma_start3A_95 = tpu.memref_slice %arg16[%dma_start3A_93, %dma_start3A_94] : memref<10240x128xf32, #tpu.memory_space<vmem_shared>> -> memref<10240x128xf32, #tpu.memory_space<vmem_shared>>
      tpu.enqueue_indirect_dma source(%arg15 : memref<80x128xf32, #tpu.memory_space<vmem>>) target(%dma_start3A_95 : memref<10240x128xf32, #tpu.memory_space<vmem_shared>>) offsets(%arg12 : memref<80xi32, #tpu.memory_space<vmem>>) semaphore(%run_scoped3A : memref<!tpu.dma_semaphore, #tpu.memory_space<semaphore_mem>>) {add = true}
      %dma_wait3A_96 = arith.constant 0 : i32
      %dma_wait3A_97 = arith.constant 0 : i32
      %dma_wait3A_98 = tpu.memref_slice %arg16[%dma_wait3A_96, %dma_wait3A_97] : memref<10240x128xf32, #tpu.memory_space<vmem_shared>> -> memref<10240x128xf32, #tpu.memory_space<vmem_shared>>
      tpu.wait_indirect_dma semaphore(%run_scoped3A : memref<!tpu.dma_semaphore, #tpu.memory_space<semaphore_mem>>) src(%arg15 : memref<80x128xf32, #tpu.memory_space<vmem>>) dst(%dma_wait3A_98 : memref<10240x128xf32, #tpu.memory_space<vmem_shared>>)
      tpu.yield
    }) : () -> ()
    %barrier3A_86 = arith.constant 0 : index
    tpu.barrier barrier_id(%barrier3A_86)
    %scan3A_87 = arith.constant 0 : i32
    %scan3A_88 = arith.constant 0 : i32
    %scan3A_89 = arith.constant 8 : i32
    %scan3A_90 = arith.addi %scan3A_88, %scan3A_89 : i32
    %scan3A_91 = arith.constant 1 : i32
    scf.for %scan3A_93 = %scan3A_88 to %scan3A_90 step %scan3A_91  : i32 {
      %mul3A_94 = arith.constant 80 : i32
      %mul3A_95 = arith.muli %scan3A_93, %mul3A_94 : i32
      %add3A_96 = arith.addi %multiple_of3A, %mul3A_95 : i32
      "tpu.region"() ({
        %run_scoped3A = tpu.sem_alloc : memref<!tpu.dma_semaphore, #tpu.memory_space<semaphore_mem>>
        %dma_start3A_100 = arith.constant 0 : i32
        %dma_start3A_101 = tpu.memref_slice %arg16[%add3A_96, %dma_start3A_100] : memref<10240x128xf32, #tpu.memory_space<vmem_shared>> -> memref<80x128xf32, #tpu.memory_space<vmem_shared>>
        %dma_start3A_102 = arith.constant 0 : i32
        %dma_start3A_103 = tpu.memref_slice %arg16[%add3A_96, %dma_start3A_102] : memref<10240x128xf32, #tpu.memory_space<vmem_shared>> -> memref<80x128xf32, #tpu.memory_space<vmem_shared>>
        tpu.enqueue_dma source(%dma_start3A_103 : memref<80x128xf32, #tpu.memory_space<vmem_shared>>) target(%arg13 : memref<80x128xf32, #tpu.memory_space<vmem>>) target_semaphore(%run_scoped3A : memref<!tpu.dma_semaphore, #tpu.memory_space<semaphore_mem>>)
        %dma_wait3A_104 = arith.constant 0 : i32
        %dma_wait3A_105 = tpu.memref_slice %arg16[%add3A_96, %dma_wait3A_104] : memref<10240x128xf32, #tpu.memory_space<vmem_shared>> -> memref<80x128xf32, #tpu.memory_space<vmem_shared>>
        %dma_wait3A_106 = arith.constant 0 : i32
        %dma_wait3A_107 = tpu.memref_slice %arg16[%add3A_96, %dma_wait3A_106] : memref<10240x128xf32, #tpu.memory_space<vmem_shared>> -> memref<80x128xf32, #tpu.memory_space<vmem_shared>>
        tpu.wait_dma2 semaphore(%run_scoped3A : memref<!tpu.dma_semaphore, #tpu.memory_space<semaphore_mem>>) src(%dma_wait3A_107 : memref<80x128xf32, #tpu.memory_space<vmem_shared>>) dst(%arg13 : memref<80x128xf32, #tpu.memory_space<vmem>>)
        tpu.yield
      }) : () -> ()
      %mul3A_97 = arith.constant 80 : i32
      %mul3A_98 = arith.muli %scan3A_93, %mul3A_97 : i32
      %add3A_99 = arith.addi %multiple_of3A, %mul3A_98 : i32
      "tpu.region"() ({
        %run_scoped3A = tpu.sem_alloc : memref<!tpu.dma_semaphore, #tpu.memory_space<semaphore_mem>>
        %dma_start3A_100 = arith.constant 0 : i32
        %dma_start3A_101 = tpu.memref_slice %arg6[%arg0, %add3A_99, %dma_start3A_100] : memref<2x10240x128xf32, #tpu.memory_space<hbm>> -> memref<1x80x128xf32, #tpu.memory_space<hbm>>
        %dma_start3A_102 = tpu.memref_squeeze %dma_start3A_101 : memref<1x80x128xf32, #tpu.memory_space<hbm>> -> memref<80x128xf32, #tpu.memory_space<hbm>>
        %dma_start3A_103 = arith.constant 0 : i32
        %dma_start3A_104 = tpu.memref_slice %arg6[%arg0, %add3A_99, %dma_start3A_103] : memref<2x10240x128xf32, #tpu.memory_space<hbm>> -> memref<1x80x128xf32, #tpu.memory_space<hbm>>
        %dma_start3A_105 = tpu.memref_squeeze %dma_start3A_104 : memref<1x80x128xf32, #tpu.memory_space<hbm>> -> memref<80x128xf32, #tpu.memory_space<hbm>>
        tpu.enqueue_dma source(%arg13 : memref<80x128xf32, #tpu.memory_space<vmem>>) target(%dma_start3A_105 : memref<80x128xf32, #tpu.memory_space<hbm>>) target_semaphore(%run_scoped3A : memref<!tpu.dma_semaphore, #tpu.memory_space<semaphore_mem>>)
        %dma_wait3A_106 = arith.constant 0 : i32
        %dma_wait3A_107 = tpu.memref_slice %arg6[%arg0, %add3A_99, %dma_wait3A_106] : memref<2x10240x128xf32, #tpu.memory_space<hbm>> -> memref<1x80x128xf32, #tpu.memory_space<hbm>>
        %dma_wait3A_108 = tpu.memref_squeeze %dma_wait3A_107 : memref<1x80x128xf32, #tpu.memory_space<hbm>> -> memref<80x128xf32, #tpu.memory_space<hbm>>
        %dma_wait3A_109 = arith.constant 0 : i32
        %dma_wait3A_110 = tpu.memref_slice %arg6[%arg0, %add3A_99, %dma_wait3A_109] : memref<2x10240x128xf32, #tpu.memory_space<hbm>> -> memref<1x80x128xf32, #tpu.memory_space<hbm>>
        %dma_wait3A_111 = tpu.memref_squeeze %dma_wait3A_110 : memref<1x80x128xf32, #tpu.memory_space<hbm>> -> memref<80x128xf32, #tpu.memory_space<hbm>>
        tpu.wait_dma2 semaphore(%run_scoped3A : memref<!tpu.dma_semaphore, #tpu.memory_space<semaphore_mem>>) src(%arg13 : memref<80x128xf32, #tpu.memory_space<vmem>>) dst(%dma_wait3A_111 : memref<80x128xf32, #tpu.memory_space<hbm>>)
        tpu.yield
      }) : () -> ()
    }
    %scan3A_92 = arith.constant 8 : i32
    return
  }
}

#map = affine_map<(d0, d1) -> (0, 0)>
#map1 = affine_map<(d0, d1) -> (0)>
#map2 = affine_map<(d0, d1) -> (0, 0, 0)>
module attributes {stable_mosaic.version = 14 : i64} {
  func.func @body(%arg0: i32, %arg1: i32, %arg2: memref<10000x128xf32, #tpu.memory_space<hbm>>, %arg3: memref<322560xi32, #tpu.memory_space<hbm>>, %arg4: memref<322560xi32, #tpu.memory_space<hbm>>, %arg5: memref<10240x128xf32, #tpu.memory_space<hbm>>, %arg6: memref<2x10240x128xf32, #tpu.memory_space<hbm>>, %arg7: memref<80xi32, #tpu.memory_space<vmem>>, %arg8: memref<80xi32, #tpu.memory_space<vmem>>, %arg9: memref<80xi32, #tpu.memory_space<vmem>>, %arg10: memref<80xi32, #tpu.memory_space<vmem>>, %arg11: memref<80xi32, #tpu.memory_space<vmem>>, %arg12: memref<80xi32, #tpu.memory_space<vmem>>, %arg13: memref<80x128xf32, #tpu.memory_space<vmem>>, %arg14: memref<80x128xf32, #tpu.memory_space<vmem>>, %arg15: memref<80x128xf32, #tpu.memory_space<vmem>>, %arg16: memref<10240x128xf32, #tpu.memory_space<vmem_shared>>, %arg17: memref<!tpu.dma_semaphore, #tpu.memory_space<semaphore_mem>>, %arg18: memref<!tpu.dma_semaphore, #tpu.memory_space<semaphore_mem>>, %arg19: memref<!tpu.dma_semaphore, #tpu.memory_space<semaphore_mem>>, %arg20: memref<!tpu.dma_semaphore, #tpu.memory_space<semaphore_mem>>, %arg21: memref<!tpu.dma_semaphore, #tpu.memory_space<semaphore_mem>>, %arg22: memref<!tpu.dma_semaphore, #tpu.memory_space<semaphore_mem>>, %arg23: memref<!tpu.dma_semaphore, #tpu.memory_space<semaphore_mem>>, %arg24: memref<!tpu.dma_semaphore, #tpu.memory_space<semaphore_mem>>, %arg25: memref<!tpu.dma_semaphore, #tpu.memory_space<semaphore_mem>>) attributes {dimension_semantics = [#tpu.dimension_semantics<core_parallel>, #tpu.dimension_semantics<subcore_parallel>], iteration_bounds = array<i64: 2, 16>, scalar_prefetch = 0 : i64, scratch_operands = 19 : i64, tpu.core_type = #tpu.core_type<sc_vector_subcore>, window_params = [{transform_indices = #map}, {transform_indices = #map1}, {transform_indices = #map1}, {transform_indices = #map}, {transform_indices = #map2}]} {
    %mul3A = arith.constant 2 : i32
    %mul3A_0 = arith.muli %arg1, %mul3A : i32
    %add3A = arith.addi %mul3A_0, %arg0 : i32
    %mul3A_1 = arith.constant 640 : i32
    %mul3A_2 = arith.muli %arg1, %mul3A_1 : i32
    %multiple_of3A = tpu.assume_multiple %mul3A_2, 8 : i32
    "tpu.region"() ({
      %run_scoped3A = tpu.sem_alloc : memref<!tpu.dma_semaphore, #tpu.memory_space<semaphore_mem>>
      %dma_start3A_93 = arith.constant 0 : i32
      %dma_start3A_94 = arith.constant 0 : i32
      %dma_start3A_95 = tpu.memref_slice %arg5[%dma_start3A_93, %dma_start3A_94] : memref<10240x128xf32, #tpu.memory_space<hbm>> -> memref<80x128xf32, #tpu.memory_space<hbm>>
      %dma_start3A_96 = arith.constant 0 : i32
      %dma_start3A_97 = arith.constant 0 : i32
      %dma_start3A_98 = tpu.memref_slice %arg5[%dma_start3A_96, %dma_start3A_97] : memref<10240x128xf32, #tpu.memory_space<hbm>> -> memref<80x128xf32, #tpu.memory_space<hbm>>
      tpu.enqueue_dma source(%dma_start3A_98 : memref<80x128xf32, #tpu.memory_space<hbm>>) target(%arg13 : memref<80x128xf32, #tpu.memory_space<vmem>>) target_semaphore(%run_scoped3A : memref<!tpu.dma_semaphore, #tpu.memory_space<semaphore_mem>>)
      %dma_wait3A_99 = arith.constant 0 : i32
      %dma_wait3A_100 = arith.constant 0 : i32
      %dma_wait3A_101 = tpu.memref_slice %arg5[%dma_wait3A_99, %dma_wait3A_100] : memref<10240x128xf32, #tpu.memory_space<hbm>> -> memref<80x128xf32, #tpu.memory_space<hbm>>
      %dma_wait3A_102 = arith.constant 0 : i32
      %dma_wait3A_103 = arith.constant 0 : i32
      %dma_wait3A_104 = tpu.memref_slice %arg5[%dma_wait3A_102, %dma_wait3A_103] : memref<10240x128xf32, #tpu.memory_space<hbm>> -> memref<80x128xf32, #tpu.memory_space<hbm>>
      tpu.wait_dma2 semaphore(%run_scoped3A : memref<!tpu.dma_semaphore, #tpu.memory_space<semaphore_mem>>) src(%dma_wait3A_104 : memref<80x128xf32, #tpu.memory_space<hbm>>) dst(%arg13 : memref<80x128xf32, #tpu.memory_space<vmem>>)
      tpu.yield
    }) : () -> ()
    %scan3A = arith.constant 0 : i32
    %scan3A_3 = arith.constant 0 : i32
    %scan3A_4 = arith.constant 8 : i32
    %scan3A_5 = arith.addi %scan3A_3, %scan3A_4 : i32
    %scan3A_6 = arith.constant 1 : i32
    scf.for %scan3A_93 = %scan3A_3 to %scan3A_5 step %scan3A_6  : i32 {
      %mul3A_94 = arith.constant 80 : i32
      %mul3A_95 = arith.muli %scan3A_93, %mul3A_94 : i32
      %add3A_96 = arith.addi %multiple_of3A, %mul3A_95 : i32
      "tpu.region"() ({
        %run_scoped3A = tpu.sem_alloc : memref<!tpu.dma_semaphore, #tpu.memory_space<semaphore_mem>>
        %dma_start3A_97 = arith.constant 0 : i32
        %dma_start3A_98 = tpu.memref_slice %arg16[%add3A_96, %dma_start3A_97] : memref<10240x128xf32, #tpu.memory_space<vmem_shared>> -> memref<80x128xf32, #tpu.memory_space<vmem_shared>>
        %dma_start3A_99 = arith.constant 0 : i32
        %dma_start3A_100 = tpu.memref_slice %arg16[%add3A_96, %dma_start3A_99] : memref<10240x128xf32, #tpu.memory_space<vmem_shared>> -> memref<80x128xf32, #tpu.memory_space<vmem_shared>>
        tpu.enqueue_dma source(%arg13 : memref<80x128xf32, #tpu.memory_space<vmem>>) target(%dma_start3A_100 : memref<80x128xf32, #tpu.memory_space<vmem_shared>>) target_semaphore(%run_scoped3A : memref<!tpu.dma_semaphore, #tpu.memory_space<semaphore_mem>>)
        %dma_wait3A_101 = arith.constant 0 : i32
        %dma_wait3A_102 = tpu.memref_slice %arg16[%add3A_96, %dma_wait3A_101] : memref<10240x128xf32, #tpu.memory_space<vmem_shared>> -> memref<80x128xf32, #tpu.memory_space<vmem_shared>>
        %dma_wait3A_103 = arith.constant 0 : i32
        %dma_wait3A_104 = tpu.memref_slice %arg16[%add3A_96, %dma_wait3A_103] : memref<10240x128xf32, #tpu.memory_space<vmem_shared>> -> memref<80x128xf32, #tpu.memory_space<vmem_shared>>
        tpu.wait_dma2 semaphore(%run_scoped3A : memref<!tpu.dma_semaphore, #tpu.memory_space<semaphore_mem>>) src(%arg13 : memref<80x128xf32, #tpu.memory_space<vmem>>) dst(%dma_wait3A_104 : memref<80x128xf32, #tpu.memory_space<vmem_shared>>)
        tpu.yield
      }) : () -> ()
    }
    %scan3A_7 = arith.constant 8 : i32
    %barrier3A = arith.constant 0 : index
    tpu.barrier barrier_id(%barrier3A)
    %mul3A_8 = arith.constant 10080 : i32
    %mul3A_9 = arith.muli %add3A, %mul3A_8 : i32
    %add3A_10 = arith.constant 0 : i32
    %add3A_11 = arith.addi %mul3A_9, %add3A_10 : i32
    %multiple_of3A_12 = tpu.assume_multiple %add3A_11, 8 : i32
    %dma_start3A = tpu.memref_slice %arg3[%multiple_of3A_12] : memref<322560xi32, #tpu.memory_space<hbm>> -> memref<80xi32, #tpu.memory_space<hbm>>
    %dma_start3A_13 = tpu.memref_slice %arg3[%multiple_of3A_12] : memref<322560xi32, #tpu.memory_space<hbm>> -> memref<80xi32, #tpu.memory_space<hbm>>
    tpu.enqueue_dma source(%dma_start3A_13 : memref<80xi32, #tpu.memory_space<hbm>>) target(%arg7 : memref<80xi32, #tpu.memory_space<vmem>>) target_semaphore(%arg17 : memref<!tpu.dma_semaphore, #tpu.memory_space<semaphore_mem>>)
    %dma_start3A_14 = tpu.memref_slice %arg4[%multiple_of3A_12] : memref<322560xi32, #tpu.memory_space<hbm>> -> memref<80xi32, #tpu.memory_space<hbm>>
    %dma_start3A_15 = tpu.memref_slice %arg4[%multiple_of3A_12] : memref<322560xi32, #tpu.memory_space<hbm>> -> memref<80xi32, #tpu.memory_space<hbm>>
    tpu.enqueue_dma source(%dma_start3A_15 : memref<80xi32, #tpu.memory_space<hbm>>) target(%arg10 : memref<80xi32, #tpu.memory_space<vmem>>) target_semaphore(%arg20 : memref<!tpu.dma_semaphore, #tpu.memory_space<semaphore_mem>>)
    %add3A_16 = arith.constant 80 : i32
    %add3A_17 = arith.addi %mul3A_9, %add3A_16 : i32
    %multiple_of3A_18 = tpu.assume_multiple %add3A_17, 8 : i32
    %dma_start3A_19 = tpu.memref_slice %arg3[%multiple_of3A_18] : memref<322560xi32, #tpu.memory_space<hbm>> -> memref<80xi32, #tpu.memory_space<hbm>>
    %dma_start3A_20 = tpu.memref_slice %arg3[%multiple_of3A_18] : memref<322560xi32, #tpu.memory_space<hbm>> -> memref<80xi32, #tpu.memory_space<hbm>>
    tpu.enqueue_dma source(%dma_start3A_20 : memref<80xi32, #tpu.memory_space<hbm>>) target(%arg8 : memref<80xi32, #tpu.memory_space<vmem>>) target_semaphore(%arg18 : memref<!tpu.dma_semaphore, #tpu.memory_space<semaphore_mem>>)
    %dma_start3A_21 = tpu.memref_slice %arg4[%multiple_of3A_18] : memref<322560xi32, #tpu.memory_space<hbm>> -> memref<80xi32, #tpu.memory_space<hbm>>
    %dma_start3A_22 = tpu.memref_slice %arg4[%multiple_of3A_18] : memref<322560xi32, #tpu.memory_space<hbm>> -> memref<80xi32, #tpu.memory_space<hbm>>
    tpu.enqueue_dma source(%dma_start3A_22 : memref<80xi32, #tpu.memory_space<hbm>>) target(%arg11 : memref<80xi32, #tpu.memory_space<vmem>>) target_semaphore(%arg21 : memref<!tpu.dma_semaphore, #tpu.memory_space<semaphore_mem>>)
    %add3A_23 = arith.constant 160 : i32
    %add3A_24 = arith.addi %mul3A_9, %add3A_23 : i32
    %multiple_of3A_25 = tpu.assume_multiple %add3A_24, 8 : i32
    %dma_start3A_26 = tpu.memref_slice %arg3[%multiple_of3A_25] : memref<322560xi32, #tpu.memory_space<hbm>> -> memref<80xi32, #tpu.memory_space<hbm>>
    %dma_start3A_27 = tpu.memref_slice %arg3[%multiple_of3A_25] : memref<322560xi32, #tpu.memory_space<hbm>> -> memref<80xi32, #tpu.memory_space<hbm>>
    tpu.enqueue_dma source(%dma_start3A_27 : memref<80xi32, #tpu.memory_space<hbm>>) target(%arg9 : memref<80xi32, #tpu.memory_space<vmem>>) target_semaphore(%arg19 : memref<!tpu.dma_semaphore, #tpu.memory_space<semaphore_mem>>)
    %dma_start3A_28 = tpu.memref_slice %arg4[%multiple_of3A_25] : memref<322560xi32, #tpu.memory_space<hbm>> -> memref<80xi32, #tpu.memory_space<hbm>>
    %dma_start3A_29 = tpu.memref_slice %arg4[%multiple_of3A_25] : memref<322560xi32, #tpu.memory_space<hbm>> -> memref<80xi32, #tpu.memory_space<hbm>>
    tpu.enqueue_dma source(%dma_start3A_29 : memref<80xi32, #tpu.memory_space<hbm>>) target(%arg12 : memref<80xi32, #tpu.memory_space<vmem>>) target_semaphore(%arg22 : memref<!tpu.dma_semaphore, #tpu.memory_space<semaphore_mem>>)
    %dma_wait3A = arith.constant 0 : i32
    %dma_wait3A_30 = tpu.memref_slice %arg3[%dma_wait3A] : memref<322560xi32, #tpu.memory_space<hbm>> -> memref<80xi32, #tpu.memory_space<hbm>>
    %dma_wait3A_31 = arith.constant 0 : i32
    %dma_wait3A_32 = tpu.memref_slice %arg3[%dma_wait3A_31] : memref<322560xi32, #tpu.memory_space<hbm>> -> memref<80xi32, #tpu.memory_space<hbm>>
    tpu.wait_dma2 semaphore(%arg17 : memref<!tpu.dma_semaphore, #tpu.memory_space<semaphore_mem>>) src(%dma_wait3A_32 : memref<80xi32, #tpu.memory_space<hbm>>) dst(%arg7 : memref<80xi32, #tpu.memory_space<vmem>>)
    %dma_wait3A_33 = arith.constant 0 : i32
    %dma_wait3A_34 = tpu.memref_slice %arg4[%dma_wait3A_33] : memref<322560xi32, #tpu.memory_space<hbm>> -> memref<80xi32, #tpu.memory_space<hbm>>
    %dma_wait3A_35 = arith.constant 0 : i32
    %dma_wait3A_36 = tpu.memref_slice %arg4[%dma_wait3A_35] : memref<322560xi32, #tpu.memory_space<hbm>> -> memref<80xi32, #tpu.memory_space<hbm>>
    tpu.wait_dma2 semaphore(%arg20 : memref<!tpu.dma_semaphore, #tpu.memory_space<semaphore_mem>>) src(%dma_wait3A_36 : memref<80xi32, #tpu.memory_space<hbm>>) dst(%arg10 : memref<80xi32, #tpu.memory_space<vmem>>)
    %dma_start3A_37 = arith.constant 0 : i32
    %dma_start3A_38 = arith.constant 0 : i32
    %dma_start3A_39 = tpu.memref_slice %arg2[%dma_start3A_37, %dma_start3A_38] : memref<10000x128xf32, #tpu.memory_space<hbm>> -> memref<10000x128xf32, #tpu.memory_space<hbm>>
    tpu.enqueue_indirect_dma source(%dma_start3A_39 : memref<10000x128xf32, #tpu.memory_space<hbm>>) target(%arg13 : memref<80x128xf32, #tpu.memory_space<vmem>>) offsets(%arg7 : memref<80xi32, #tpu.memory_space<vmem>>) semaphore(%arg23 : memref<!tpu.dma_semaphore, #tpu.memory_space<semaphore_mem>>)
    %dma_wait3A_40 = arith.constant 0 : i32
    %dma_wait3A_41 = tpu.memref_slice %arg3[%dma_wait3A_40] : memref<322560xi32, #tpu.memory_space<hbm>> -> memref<80xi32, #tpu.memory_space<hbm>>
    %dma_wait3A_42 = arith.constant 0 : i32
    %dma_wait3A_43 = tpu.memref_slice %arg3[%dma_wait3A_42] : memref<322560xi32, #tpu.memory_space<hbm>> -> memref<80xi32, #tpu.memory_space<hbm>>
    tpu.wait_dma2 semaphore(%arg18 : memref<!tpu.dma_semaphore, #tpu.memory_space<semaphore_mem>>) src(%dma_wait3A_43 : memref<80xi32, #tpu.memory_space<hbm>>) dst(%arg8 : memref<80xi32, #tpu.memory_space<vmem>>)
    %dma_wait3A_44 = arith.constant 0 : i32
    %dma_wait3A_45 = tpu.memref_slice %arg4[%dma_wait3A_44] : memref<322560xi32, #tpu.memory_space<hbm>> -> memref<80xi32, #tpu.memory_space<hbm>>
    %dma_wait3A_46 = arith.constant 0 : i32
    %dma_wait3A_47 = tpu.memref_slice %arg4[%dma_wait3A_46] : memref<322560xi32, #tpu.memory_space<hbm>> -> memref<80xi32, #tpu.memory_space<hbm>>
    tpu.wait_dma2 semaphore(%arg21 : memref<!tpu.dma_semaphore, #tpu.memory_space<semaphore_mem>>) src(%dma_wait3A_47 : memref<80xi32, #tpu.memory_space<hbm>>) dst(%arg11 : memref<80xi32, #tpu.memory_space<vmem>>)
    %dma_start3A_48 = arith.constant 0 : i32
    %dma_start3A_49 = arith.constant 0 : i32
    %dma_start3A_50 = tpu.memref_slice %arg2[%dma_start3A_48, %dma_start3A_49] : memref<10000x128xf32, #tpu.memory_space<hbm>> -> memref<10000x128xf32, #tpu.memory_space<hbm>>
    tpu.enqueue_indirect_dma source(%dma_start3A_50 : memref<10000x128xf32, #tpu.memory_space<hbm>>) target(%arg14 : memref<80x128xf32, #tpu.memory_space<vmem>>) offsets(%arg8 : memref<80xi32, #tpu.memory_space<vmem>>) semaphore(%arg24 : memref<!tpu.dma_semaphore, #tpu.memory_space<semaphore_mem>>)
    %scan3A_51 = arith.constant 0 : i32
    %scan3A_52 = arith.constant 0 : i32
    %scan3A_53 = arith.constant 41 : i32
    %scan3A_54 = arith.addi %scan3A_52, %scan3A_53 : i32
    %scan3A_55 = arith.constant 1 : i32
    scf.for %scan3A_93 = %scan3A_52 to %scan3A_54 step %scan3A_55  : i32 {
      %mul3A_94 = arith.constant 3 : i32
      %mul3A_95 = arith.muli %mul3A_94, %scan3A_93 : i32
      %dma_wait3A_96 = arith.constant 0 : i32
      %dma_wait3A_97 = tpu.memref_slice %arg3[%dma_wait3A_96] : memref<322560xi32, #tpu.memory_space<hbm>> -> memref<80xi32, #tpu.memory_space<hbm>>
      %dma_wait3A_98 = arith.constant 0 : i32
      %dma_wait3A_99 = tpu.memref_slice %arg3[%dma_wait3A_98] : memref<322560xi32, #tpu.memory_space<hbm>> -> memref<80xi32, #tpu.memory_space<hbm>>
      tpu.wait_dma2 semaphore(%arg19 : memref<!tpu.dma_semaphore, #tpu.memory_space<semaphore_mem>>) src(%dma_wait3A_99 : memref<80xi32, #tpu.memory_space<hbm>>) dst(%arg9 : memref<80xi32, #tpu.memory_space<vmem>>)
      %dma_wait3A_100 = arith.constant 0 : i32
      %dma_wait3A_101 = tpu.memref_slice %arg4[%dma_wait3A_100] : memref<322560xi32, #tpu.memory_space<hbm>> -> memref<80xi32, #tpu.memory_space<hbm>>
      %dma_wait3A_102 = arith.constant 0 : i32
      %dma_wait3A_103 = tpu.memref_slice %arg4[%dma_wait3A_102] : memref<322560xi32, #tpu.memory_space<hbm>> -> memref<80xi32, #tpu.memory_space<hbm>>
      tpu.wait_dma2 semaphore(%arg22 : memref<!tpu.dma_semaphore, #tpu.memory_space<semaphore_mem>>) src(%dma_wait3A_103 : memref<80xi32, #tpu.memory_space<hbm>>) dst(%arg12 : memref<80xi32, #tpu.memory_space<vmem>>)
      %dma_start3A_104 = arith.constant 0 : i32
      %dma_start3A_105 = arith.constant 0 : i32
      %dma_start3A_106 = tpu.memref_slice %arg2[%dma_start3A_104, %dma_start3A_105] : memref<10000x128xf32, #tpu.memory_space<hbm>> -> memref<10000x128xf32, #tpu.memory_space<hbm>>
      tpu.enqueue_indirect_dma source(%dma_start3A_106 : memref<10000x128xf32, #tpu.memory_space<hbm>>) target(%arg15 : memref<80x128xf32, #tpu.memory_space<vmem>>) offsets(%arg9 : memref<80xi32, #tpu.memory_space<vmem>>) semaphore(%arg25 : memref<!tpu.dma_semaphore, #tpu.memory_space<semaphore_mem>>)
      %dma_wait3A_107 = arith.constant 0 : i32
      %dma_wait3A_108 = arith.constant 0 : i32
      %dma_wait3A_109 = tpu.memref_slice %arg2[%dma_wait3A_107, %dma_wait3A_108] : memref<10000x128xf32, #tpu.memory_space<hbm>> -> memref<80x128xf32, #tpu.memory_space<hbm>>
      %dma_wait3A_110 = arith.constant 0 : i32
      %dma_wait3A_111 = arith.constant 0 : i32
      %dma_wait3A_112 = tpu.memref_slice %arg2[%dma_wait3A_110, %dma_wait3A_111] : memref<10000x128xf32, #tpu.memory_space<hbm>> -> memref<80x128xf32, #tpu.memory_space<hbm>>
      tpu.wait_dma2 semaphore(%arg23 : memref<!tpu.dma_semaphore, #tpu.memory_space<semaphore_mem>>) src(%dma_wait3A_112 : memref<80x128xf32, #tpu.memory_space<hbm>>) dst(%arg13 : memref<80x128xf32, #tpu.memory_space<vmem>>)
      "tpu.region"() ({
        %run_scoped3A = tpu.sem_alloc : memref<!tpu.dma_semaphore, #tpu.memory_space<semaphore_mem>>
        %dma_start3A_183 = arith.constant 0 : i32
        %dma_start3A_184 = arith.constant 0 : i32
        %dma_start3A_185 = tpu.memref_slice %arg16[%dma_start3A_183, %dma_start3A_184] : memref<10240x128xf32, #tpu.memory_space<vmem_shared>> -> memref<10240x128xf32, #tpu.memory_space<vmem_shared>>
        tpu.enqueue_indirect_dma source(%arg13 : memref<80x128xf32, #tpu.memory_space<vmem>>) target(%dma_start3A_185 : memref<10240x128xf32, #tpu.memory_space<vmem_shared>>) offsets(%arg10 : memref<80xi32, #tpu.memory_space<vmem>>) semaphore(%run_scoped3A : memref<!tpu.dma_semaphore, #tpu.memory_space<semaphore_mem>>) {add = true}
        %dma_wait3A_186 = arith.constant 0 : i32
        %dma_wait3A_187 = arith.constant 0 : i32
        %dma_wait3A_188 = tpu.memref_slice %arg16[%dma_wait3A_186, %dma_wait3A_187] : memref<10240x128xf32, #tpu.memory_space<vmem_shared>> -> memref<10240x128xf32, #tpu.memory_space<vmem_shared>>
        tpu.wait_indirect_dma semaphore(%run_scoped3A : memref<!tpu.dma_semaphore, #tpu.memory_space<semaphore_mem>>) src(%arg13 : memref<80x128xf32, #tpu.memory_space<vmem>>) dst(%dma_wait3A_188 : memref<10240x128xf32, #tpu.memory_space<vmem_shared>>)
        tpu.yield
      }) : () -> ()
      %add3A_113 = arith.constant 0 : i32
      %add3A_114 = arith.addi %mul3A_95, %add3A_113 : i32
      %add3A_115 = arith.constant 3 : i32
      %add3A_116 = arith.addi %add3A_114, %add3A_115 : i32
      %mul3A_117 = arith.constant 80 : i32
      %mul3A_118 = arith.muli %add3A_116, %mul3A_117 : i32
      %add3A_119 = arith.addi %mul3A_9, %mul3A_118 : i32
      %multiple_of3A_120 = tpu.assume_multiple %add3A_119, 8 : i32
      %dma_start3A_121 = tpu.memref_slice %arg3[%multiple_of3A_120] : memref<322560xi32, #tpu.memory_space<hbm>> -> memref<80xi32, #tpu.memory_space<hbm>>
      %dma_start3A_122 = tpu.memref_slice %arg3[%multiple_of3A_120] : memref<322560xi32, #tpu.memory_space<hbm>> -> memref<80xi32, #tpu.memory_space<hbm>>
      tpu.enqueue_dma source(%dma_start3A_122 : memref<80xi32, #tpu.memory_space<hbm>>) target(%arg7 : memref<80xi32, #tpu.memory_space<vmem>>) target_semaphore(%arg17 : memref<!tpu.dma_semaphore, #tpu.memory_space<semaphore_mem>>)
      %dma_start3A_123 = tpu.memref_slice %arg4[%multiple_of3A_120] : memref<322560xi32, #tpu.memory_space<hbm>> -> memref<80xi32, #tpu.memory_space<hbm>>
      %dma_start3A_124 = tpu.memref_slice %arg4[%multiple_of3A_120] : memref<322560xi32, #tpu.memory_space<hbm>> -> memref<80xi32, #tpu.memory_space<hbm>>
      tpu.enqueue_dma source(%dma_start3A_124 : memref<80xi32, #tpu.memory_space<hbm>>) target(%arg10 : memref<80xi32, #tpu.memory_space<vmem>>) target_semaphore(%arg20 : memref<!tpu.dma_semaphore, #tpu.memory_space<semaphore_mem>>)
      %dma_wait3A_125 = arith.constant 0 : i32
      %dma_wait3A_126 = tpu.memref_slice %arg3[%dma_wait3A_125] : memref<322560xi32, #tpu.memory_space<hbm>> -> memref<80xi32, #tpu.memory_space<hbm>>
      %dma_wait3A_127 = arith.constant 0 : i32
      %dma_wait3A_128 = tpu.memref_slice %arg3[%dma_wait3A_127] : memref<322560xi32, #tpu.memory_space<hbm>> -> memref<80xi32, #tpu.memory_space<hbm>>
      tpu.wait_dma2 semaphore(%arg17 : memref<!tpu.dma_semaphore, #tpu.memory_space<semaphore_mem>>) src(%dma_wait3A_128 : memref<80xi32, #tpu.memory_space<hbm>>) dst(%arg7 : memref<80xi32, #tpu.memory_space<vmem>>)
      %dma_wait3A_129 = arith.constant 0 : i32
      %dma_wait3A_130 = tpu.memref_slice %arg4[%dma_wait3A_129] : memref<322560xi32, #tpu.memory_space<hbm>> -> memref<80xi32, #tpu.memory_space<hbm>>
      %dma_wait3A_131 = arith.constant 0 : i32
      %dma_wait3A_132 = tpu.memref_slice %arg4[%dma_wait3A_131] : memref<322560xi32, #tpu.memory_space<hbm>> -> memref<80xi32, #tpu.memory_space<hbm>>
      tpu.wait_dma2 semaphore(%arg20 : memref<!tpu.dma_semaphore, #tpu.memory_space<semaphore_mem>>) src(%dma_wait3A_132 : memref<80xi32, #tpu.memory_space<hbm>>) dst(%arg10 : memref<80xi32, #tpu.memory_space<vmem>>)
      %dma_start3A_133 = arith.constant 0 : i32
      %dma_start3A_134 = arith.constant 0 : i32
      %dma_start3A_135 = tpu.memref_slice %arg2[%dma_start3A_133, %dma_start3A_134] : memref<10000x128xf32, #tpu.memory_space<hbm>> -> memref<10000x128xf32, #tpu.memory_space<hbm>>
      tpu.enqueue_indirect_dma source(%dma_start3A_135 : memref<10000x128xf32, #tpu.memory_space<hbm>>) target(%arg13 : memref<80x128xf32, #tpu.memory_space<vmem>>) offsets(%arg7 : memref<80xi32, #tpu.memory_space<vmem>>) semaphore(%arg23 : memref<!tpu.dma_semaphore, #tpu.memory_space<semaphore_mem>>)
      %dma_wait3A_136 = arith.constant 0 : i32
      %dma_wait3A_137 = arith.constant 0 : i32
      %dma_wait3A_138 = tpu.memref_slice %arg2[%dma_wait3A_136, %dma_wait3A_137] : memref<10000x128xf32, #tpu.memory_space<hbm>> -> memref<80x128xf32, #tpu.memory_space<hbm>>
      %dma_wait3A_139 = arith.constant 0 : i32
      %dma_wait3A_140 = arith.constant 0 : i32
      %dma_wait3A_141 = tpu.memref_slice %arg2[%dma_wait3A_139, %dma_wait3A_140] : memref<10000x128xf32, #tpu.memory_space<hbm>> -> memref<80x128xf32, #tpu.memory_space<hbm>>
      tpu.wait_dma2 semaphore(%arg24 : memref<!tpu.dma_semaphore, #tpu.memory_space<semaphore_mem>>) src(%dma_wait3A_141 : memref<80x128xf32, #tpu.memory_space<hbm>>) dst(%arg14 : memref<80x128xf32, #tpu.memory_space<vmem>>)
      "tpu.region"() ({
        %run_scoped3A = tpu.sem_alloc : memref<!tpu.dma_semaphore, #tpu.memory_space<semaphore_mem>>
        %dma_start3A_183 = arith.constant 0 : i32
        %dma_start3A_184 = arith.constant 0 : i32
        %dma_start3A_185 = tpu.memref_slice %arg16[%dma_start3A_183, %dma_start3A_184] : memref<10240x128xf32, #tpu.memory_space<vmem_shared>> -> memref<10240x128xf32, #tpu.memory_space<vmem_shared>>
        tpu.enqueue_indirect_dma source(%arg14 : memref<80x128xf32, #tpu.memory_space<vmem>>) target(%dma_start3A_185 : memref<10240x128xf32, #tpu.memory_space<vmem_shared>>) offsets(%arg11 : memref<80xi32, #tpu.memory_space<vmem>>) semaphore(%run_scoped3A : memref<!tpu.dma_semaphore, #tpu.memory_space<semaphore_mem>>) {add = true}
        %dma_wait3A_186 = arith.constant 0 : i32
        %dma_wait3A_187 = arith.constant 0 : i32
        %dma_wait3A_188 = tpu.memref_slice %arg16[%dma_wait3A_186, %dma_wait3A_187] : memref<10240x128xf32, #tpu.memory_space<vmem_shared>> -> memref<10240x128xf32, #tpu.memory_space<vmem_shared>>
        tpu.wait_indirect_dma semaphore(%run_scoped3A : memref<!tpu.dma_semaphore, #tpu.memory_space<semaphore_mem>>) src(%arg14 : memref<80x128xf32, #tpu.memory_space<vmem>>) dst(%dma_wait3A_188 : memref<10240x128xf32, #tpu.memory_space<vmem_shared>>)
        tpu.yield
      }) : () -> ()
      %add3A_142 = arith.constant 1 : i32
      %add3A_143 = arith.addi %mul3A_95, %add3A_142 : i32
      %add3A_144 = arith.constant 3 : i32
      %add3A_145 = arith.addi %add3A_143, %add3A_144 : i32
      %mul3A_146 = arith.constant 80 : i32
      %mul3A_147 = arith.muli %add3A_145, %mul3A_146 : i32
      %add3A_148 = arith.addi %mul3A_9, %mul3A_147 : i32
      %multiple_of3A_149 = tpu.assume_multiple %add3A_148, 8 : i32
      %dma_start3A_150 = tpu.memref_slice %arg3[%multiple_of3A_149] : memref<322560xi32, #tpu.memory_space<hbm>> -> memref<80xi32, #tpu.memory_space<hbm>>
      %dma_start3A_151 = tpu.memref_slice %arg3[%multiple_of3A_149] : memref<322560xi32, #tpu.memory_space<hbm>> -> memref<80xi32, #tpu.memory_space<hbm>>
      tpu.enqueue_dma source(%dma_start3A_151 : memref<80xi32, #tpu.memory_space<hbm>>) target(%arg8 : memref<80xi32, #tpu.memory_space<vmem>>) target_semaphore(%arg18 : memref<!tpu.dma_semaphore, #tpu.memory_space<semaphore_mem>>)
      %dma_start3A_152 = tpu.memref_slice %arg4[%multiple_of3A_149] : memref<322560xi32, #tpu.memory_space<hbm>> -> memref<80xi32, #tpu.memory_space<hbm>>
      %dma_start3A_153 = tpu.memref_slice %arg4[%multiple_of3A_149] : memref<322560xi32, #tpu.memory_space<hbm>> -> memref<80xi32, #tpu.memory_space<hbm>>
      tpu.enqueue_dma source(%dma_start3A_153 : memref<80xi32, #tpu.memory_space<hbm>>) target(%arg11 : memref<80xi32, #tpu.memory_space<vmem>>) target_semaphore(%arg21 : memref<!tpu.dma_semaphore, #tpu.memory_space<semaphore_mem>>)
      %dma_wait3A_154 = arith.constant 0 : i32
      %dma_wait3A_155 = tpu.memref_slice %arg3[%dma_wait3A_154] : memref<322560xi32, #tpu.memory_space<hbm>> -> memref<80xi32, #tpu.memory_space<hbm>>
      %dma_wait3A_156 = arith.constant 0 : i32
      %dma_wait3A_157 = tpu.memref_slice %arg3[%dma_wait3A_156] : memref<322560xi32, #tpu.memory_space<hbm>> -> memref<80xi32, #tpu.memory_space<hbm>>
      tpu.wait_dma2 semaphore(%arg18 : memref<!tpu.dma_semaphore, #tpu.memory_space<semaphore_mem>>) src(%dma_wait3A_157 : memref<80xi32, #tpu.memory_space<hbm>>) dst(%arg8 : memref<80xi32, #tpu.memory_space<vmem>>)
      %dma_wait3A_158 = arith.constant 0 : i32
      %dma_wait3A_159 = tpu.memref_slice %arg4[%dma_wait3A_158] : memref<322560xi32, #tpu.memory_space<hbm>> -> memref<80xi32, #tpu.memory_space<hbm>>
      %dma_wait3A_160 = arith.constant 0 : i32
      %dma_wait3A_161 = tpu.memref_slice %arg4[%dma_wait3A_160] : memref<322560xi32, #tpu.memory_space<hbm>> -> memref<80xi32, #tpu.memory_space<hbm>>
      tpu.wait_dma2 semaphore(%arg21 : memref<!tpu.dma_semaphore, #tpu.memory_space<semaphore_mem>>) src(%dma_wait3A_161 : memref<80xi32, #tpu.memory_space<hbm>>) dst(%arg11 : memref<80xi32, #tpu.memory_space<vmem>>)
      %dma_start3A_162 = arith.constant 0 : i32
      %dma_start3A_163 = arith.constant 0 : i32
      %dma_start3A_164 = tpu.memref_slice %arg2[%dma_start3A_162, %dma_start3A_163] : memref<10000x128xf32, #tpu.memory_space<hbm>> -> memref<10000x128xf32, #tpu.memory_space<hbm>>
      tpu.enqueue_indirect_dma source(%dma_start3A_164 : memref<10000x128xf32, #tpu.memory_space<hbm>>) target(%arg14 : memref<80x128xf32, #tpu.memory_space<vmem>>) offsets(%arg8 : memref<80xi32, #tpu.memory_space<vmem>>) semaphore(%arg24 : memref<!tpu.dma_semaphore, #tpu.memory_space<semaphore_mem>>)
      %dma_wait3A_165 = arith.constant 0 : i32
      %dma_wait3A_166 = arith.constant 0 : i32
      %dma_wait3A_167 = tpu.memref_slice %arg2[%dma_wait3A_165, %dma_wait3A_166] : memref<10000x128xf32, #tpu.memory_space<hbm>> -> memref<80x128xf32, #tpu.memory_space<hbm>>
      %dma_wait3A_168 = arith.constant 0 : i32
      %dma_wait3A_169 = arith.constant 0 : i32
      %dma_wait3A_170 = tpu.memref_slice %arg2[%dma_wait3A_168, %dma_wait3A_169] : memref<10000x128xf32, #tpu.memory_space<hbm>> -> memref<80x128xf32, #tpu.memory_space<hbm>>
      tpu.wait_dma2 semaphore(%arg25 : memref<!tpu.dma_semaphore, #tpu.memory_space<semaphore_mem>>) src(%dma_wait3A_170 : memref<80x128xf32, #tpu.memory_space<hbm>>) dst(%arg15 : memref<80x128xf32, #tpu.memory_space<vmem>>)
      "tpu.region"() ({
        %run_scoped3A = tpu.sem_alloc : memref<!tpu.dma_semaphore, #tpu.memory_space<semaphore_mem>>
        %dma_start3A_183 = arith.constant 0 : i32
        %dma_start3A_184 = arith.constant 0 : i32
        %dma_start3A_185 = tpu.memref_slice %arg16[%dma_start3A_183, %dma_start3A_184] : memref<10240x128xf32, #tpu.memory_space<vmem_shared>> -> memref<10240x128xf32, #tpu.memory_space<vmem_shared>>
        tpu.enqueue_indirect_dma source(%arg15 : memref<80x128xf32, #tpu.memory_space<vmem>>) target(%dma_start3A_185 : memref<10240x128xf32, #tpu.memory_space<vmem_shared>>) offsets(%arg12 : memref<80xi32, #tpu.memory_space<vmem>>) semaphore(%run_scoped3A : memref<!tpu.dma_semaphore, #tpu.memory_space<semaphore_mem>>) {add = true}
        %dma_wait3A_186 = arith.constant 0 : i32
        %dma_wait3A_187 = arith.constant 0 : i32
        %dma_wait3A_188 = tpu.memref_slice %arg16[%dma_wait3A_186, %dma_wait3A_187] : memref<10240x128xf32, #tpu.memory_space<vmem_shared>> -> memref<10240x128xf32, #tpu.memory_space<vmem_shared>>
        tpu.wait_indirect_dma semaphore(%run_scoped3A : memref<!tpu.dma_semaphore, #tpu.memory_space<semaphore_mem>>) src(%arg15 : memref<80x128xf32, #tpu.memory_space<vmem>>) dst(%dma_wait3A_188 : memref<10240x128xf32, #tpu.memory_space<vmem_shared>>)
        tpu.yield
      }) : () -> ()
      %add3A_171 = arith.constant 2 : i32
      %add3A_172 = arith.addi %mul3A_95, %add3A_171 : i32
      %add3A_173 = arith.constant 3 : i32
      %add3A_174 = arith.addi %add3A_172, %add3A_173 : i32
      %mul3A_175 = arith.constant 80 : i32
      %mul3A_176 = arith.muli %add3A_174, %mul3A_175 : i32
      %add3A_177 = arith.addi %mul3A_9, %mul3A_176 : i32
      %multiple_of3A_178 = tpu.assume_multiple %add3A_177, 8 : i32
      %dma_start3A_179 = tpu.memref_slice %arg3[%multiple_of3A_178] : memref<322560xi32, #tpu.memory_space<hbm>> -> memref<80xi32, #tpu.memory_space<hbm>>
      %dma_start3A_180 = tpu.memref_slice %arg3[%multiple_of3A_178] : memref<322560xi32, #tpu.memory_space<hbm>> -> memref<80xi32, #tpu.memory_space<hbm>>
      tpu.enqueue_dma source(%dma_start3A_180 : memref<80xi32, #tpu.memory_space<hbm>>) target(%arg9 : memref<80xi32, #tpu.memory_space<vmem>>) target_semaphore(%arg19 : memref<!tpu.dma_semaphore, #tpu.memory_space<semaphore_mem>>)
      %dma_start3A_181 = tpu.memref_slice %arg4[%multiple_of3A_178] : memref<322560xi32, #tpu.memory_space<hbm>> -> memref<80xi32, #tpu.memory_space<hbm>>
      %dma_start3A_182 = tpu.memref_slice %arg4[%multiple_of3A_178] : memref<322560xi32, #tpu.memory_space<hbm>> -> memref<80xi32, #tpu.memory_space<hbm>>
      tpu.enqueue_dma source(%dma_start3A_182 : memref<80xi32, #tpu.memory_space<hbm>>) target(%arg12 : memref<80xi32, #tpu.memory_space<vmem>>) target_semaphore(%arg22 : memref<!tpu.dma_semaphore, #tpu.memory_space<semaphore_mem>>)
    }
    %scan3A_56 = arith.constant 41 : i32
    %dma_wait3A_57 = arith.constant 0 : i32
    %dma_wait3A_58 = tpu.memref_slice %arg3[%dma_wait3A_57] : memref<322560xi32, #tpu.memory_space<hbm>> -> memref<80xi32, #tpu.memory_space<hbm>>
    %dma_wait3A_59 = arith.constant 0 : i32
    %dma_wait3A_60 = tpu.memref_slice %arg3[%dma_wait3A_59] : memref<322560xi32, #tpu.memory_space<hbm>> -> memref<80xi32, #tpu.memory_space<hbm>>
    tpu.wait_dma2 semaphore(%arg19 : memref<!tpu.dma_semaphore, #tpu.memory_space<semaphore_mem>>) src(%dma_wait3A_60 : memref<80xi32, #tpu.memory_space<hbm>>) dst(%arg9 : memref<80xi32, #tpu.memory_space<vmem>>)
    %dma_wait3A_61 = arith.constant 0 : i32
    %dma_wait3A_62 = tpu.memref_slice %arg4[%dma_wait3A_61] : memref<322560xi32, #tpu.memory_space<hbm>> -> memref<80xi32, #tpu.memory_space<hbm>>
    %dma_wait3A_63 = arith.constant 0 : i32
    %dma_wait3A_64 = tpu.memref_slice %arg4[%dma_wait3A_63] : memref<322560xi32, #tpu.memory_space<hbm>> -> memref<80xi32, #tpu.memory_space<hbm>>
    tpu.wait_dma2 semaphore(%arg22 : memref<!tpu.dma_semaphore, #tpu.memory_space<semaphore_mem>>) src(%dma_wait3A_64 : memref<80xi32, #tpu.memory_space<hbm>>) dst(%arg12 : memref<80xi32, #tpu.memory_space<vmem>>)
    %dma_start3A_65 = arith.constant 0 : i32
    %dma_start3A_66 = arith.constant 0 : i32
    %dma_start3A_67 = tpu.memref_slice %arg2[%dma_start3A_65, %dma_start3A_66] : memref<10000x128xf32, #tpu.memory_space<hbm>> -> memref<10000x128xf32, #tpu.memory_space<hbm>>
    tpu.enqueue_indirect_dma source(%dma_start3A_67 : memref<10000x128xf32, #tpu.memory_space<hbm>>) target(%arg15 : memref<80x128xf32, #tpu.memory_space<vmem>>) offsets(%arg9 : memref<80xi32, #tpu.memory_space<vmem>>) semaphore(%arg25 : memref<!tpu.dma_semaphore, #tpu.memory_space<semaphore_mem>>)
    %dma_wait3A_68 = arith.constant 0 : i32
    %dma_wait3A_69 = arith.constant 0 : i32
    %dma_wait3A_70 = tpu.memref_slice %arg2[%dma_wait3A_68, %dma_wait3A_69] : memref<10000x128xf32, #tpu.memory_space<hbm>> -> memref<80x128xf32, #tpu.memory_space<hbm>>
    %dma_wait3A_71 = arith.constant 0 : i32
    %dma_wait3A_72 = arith.constant 0 : i32
    %dma_wait3A_73 = tpu.memref_slice %arg2[%dma_wait3A_71, %dma_wait3A_72] : memref<10000x128xf32, #tpu.memory_space<hbm>> -> memref<80x128xf32, #tpu.memory_space<hbm>>
    tpu.wait_dma2 semaphore(%arg23 : memref<!tpu.dma_semaphore, #tpu.memory_space<semaphore_mem>>) src(%dma_wait3A_73 : memref<80x128xf32, #tpu.memory_space<hbm>>) dst(%arg13 : memref<80x128xf32, #tpu.memory_space<vmem>>)
    "tpu.region"() ({
      %run_scoped3A = tpu.sem_alloc : memref<!tpu.dma_semaphore, #tpu.memory_space<semaphore_mem>>
      %dma_start3A_93 = arith.constant 0 : i32
      %dma_start3A_94 = arith.constant 0 : i32
      %dma_start3A_95 = tpu.memref_slice %arg16[%dma_start3A_93, %dma_start3A_94] : memref<10240x128xf32, #tpu.memory_space<vmem_shared>> -> memref<10240x128xf32, #tpu.memory_space<vmem_shared>>
      tpu.enqueue_indirect_dma source(%arg13 : memref<80x128xf32, #tpu.memory_space<vmem>>) target(%dma_start3A_95 : memref<10240x128xf32, #tpu.memory_space<vmem_shared>>) offsets(%arg10 : memref<80xi32, #tpu.memory_space<vmem>>) semaphore(%run_scoped3A : memref<!tpu.dma_semaphore, #tpu.memory_space<semaphore_mem>>) {add = true}
      %dma_wait3A_96 = arith.constant 0 : i32
      %dma_wait3A_97 = arith.constant 0 : i32
      %dma_wait3A_98 = tpu.memref_slice %arg16[%dma_wait3A_96, %dma_wait3A_97] : memref<10240x128xf32, #tpu.memory_space<vmem_shared>> -> memref<10240x128xf32, #tpu.memory_space<vmem_shared>>
      tpu.wait_indirect_dma semaphore(%run_scoped3A : memref<!tpu.dma_semaphore, #tpu.memory_space<semaphore_mem>>) src(%arg13 : memref<80x128xf32, #tpu.memory_space<vmem>>) dst(%dma_wait3A_98 : memref<10240x128xf32, #tpu.memory_space<vmem_shared>>)
      tpu.yield
    }) : () -> ()
    %dma_wait3A_74 = arith.constant 0 : i32
    %dma_wait3A_75 = arith.constant 0 : i32
    %dma_wait3A_76 = tpu.memref_slice %arg2[%dma_wait3A_74, %dma_wait3A_75] : memref<10000x128xf32, #tpu.memory_space<hbm>> -> memref<80x128xf32, #tpu.memory_space<hbm>>
    %dma_wait3A_77 = arith.constant 0 : i32
    %dma_wait3A_78 = arith.constant 0 : i32
    %dma_wait3A_79 = tpu.memref_slice %arg2[%dma_wait3A_77, %dma_wait3A_78] : memref<10000x128xf32, #tpu.memory_space<hbm>> -> memref<80x128xf32, #tpu.memory_space<hbm>>
    tpu.wait_dma2 semaphore(%arg24 : memref<!tpu.dma_semaphore, #tpu.memory_space<semaphore_mem>>) src(%dma_wait3A_79 : memref<80x128xf32, #tpu.memory_space<hbm>>) dst(%arg14 : memref<80x128xf32, #tpu.memory_space<vmem>>)
    "tpu.region"() ({
      %run_scoped3A = tpu.sem_alloc : memref<!tpu.dma_semaphore, #tpu.memory_space<semaphore_mem>>
      %dma_start3A_93 = arith.constant 0 : i32
      %dma_start3A_94 = arith.constant 0 : i32
      %dma_start3A_95 = tpu.memref_slice %arg16[%dma_start3A_93, %dma_start3A_94] : memref<10240x128xf32, #tpu.memory_space<vmem_shared>> -> memref<10240x128xf32, #tpu.memory_space<vmem_shared>>
      tpu.enqueue_indirect_dma source(%arg14 : memref<80x128xf32, #tpu.memory_space<vmem>>) target(%dma_start3A_95 : memref<10240x128xf32, #tpu.memory_space<vmem_shared>>) offsets(%arg11 : memref<80xi32, #tpu.memory_space<vmem>>) semaphore(%run_scoped3A : memref<!tpu.dma_semaphore, #tpu.memory_space<semaphore_mem>>) {add = true}
      %dma_wait3A_96 = arith.constant 0 : i32
      %dma_wait3A_97 = arith.constant 0 : i32
      %dma_wait3A_98 = tpu.memref_slice %arg16[%dma_wait3A_96, %dma_wait3A_97] : memref<10240x128xf32, #tpu.memory_space<vmem_shared>> -> memref<10240x128xf32, #tpu.memory_space<vmem_shared>>
      tpu.wait_indirect_dma semaphore(%run_scoped3A : memref<!tpu.dma_semaphore, #tpu.memory_space<semaphore_mem>>) src(%arg14 : memref<80x128xf32, #tpu.memory_space<vmem>>) dst(%dma_wait3A_98 : memref<10240x128xf32, #tpu.memory_space<vmem_shared>>)
      tpu.yield
    }) : () -> ()
    %dma_wait3A_80 = arith.constant 0 : i32
    %dma_wait3A_81 = arith.constant 0 : i32
    %dma_wait3A_82 = tpu.memref_slice %arg2[%dma_wait3A_80, %dma_wait3A_81] : memref<10000x128xf32, #tpu.memory_space<hbm>> -> memref<80x128xf32, #tpu.memory_space<hbm>>
    %dma_wait3A_83 = arith.constant 0 : i32
    %dma_wait3A_84 = arith.constant 0 : i32
    %dma_wait3A_85 = tpu.memref_slice %arg2[%dma_wait3A_83, %dma_wait3A_84] : memref<10000x128xf32, #tpu.memory_space<hbm>> -> memref<80x128xf32, #tpu.memory_space<hbm>>
    tpu.wait_dma2 semaphore(%arg25 : memref<!tpu.dma_semaphore, #tpu.memory_space<semaphore_mem>>) src(%dma_wait3A_85 : memref<80x128xf32, #tpu.memory_space<hbm>>) dst(%arg15 : memref<80x128xf32, #tpu.memory_space<vmem>>)
    "tpu.region"() ({
      %run_scoped3A = tpu.sem_alloc : memref<!tpu.dma_semaphore, #tpu.memory_space<semaphore_mem>>
      %dma_start3A_93 = arith.constant 0 : i32
      %dma_start3A_94 = arith.constant 0 : i32
      %dma_start3A_95 = tpu.memref_slice %arg16[%dma_start3A_93, %dma_start3A_94] : memref<10240x128xf32, #tpu.memory_space<vmem_shared>> -> memref<10240x128xf32, #tpu.memory_space<vmem_shared>>
      tpu.enqueue_indirect_dma source(%arg15 : memref<80x128xf32, #tpu.memory_space<vmem>>) target(%dma_start3A_95 : memref<10240x128xf32, #tpu.memory_space<vmem_shared>>) offsets(%arg12 : memref<80xi32, #tpu.memory_space<vmem>>) semaphore(%run_scoped3A : memref<!tpu.dma_semaphore, #tpu.memory_space<semaphore_mem>>) {add = true}
      %dma_wait3A_96 = arith.constant 0 : i32
      %dma_wait3A_97 = arith.constant 0 : i32
      %dma_wait3A_98 = tpu.memref_slice %arg16[%dma_wait3A_96, %dma_wait3A_97] : memref<10240x128xf32, #tpu.memory_space<vmem_shared>> -> memref<10240x128xf32, #tpu.memory_space<vmem_shared>>
      tpu.wait_indirect_dma semaphore(%run_scoped3A : memref<!tpu.dma_semaphore, #tpu.memory_space<semaphore_mem>>) src(%arg15 : memref<80x128xf32, #tpu.memory_space<vmem>>) dst(%dma_wait3A_98 : memref<10240x128xf32, #tpu.memory_space<vmem_shared>>)
      tpu.yield
    }) : () -> ()
    %barrier3A_86 = arith.constant 0 : index
    tpu.barrier barrier_id(%barrier3A_86)
    %scan3A_87 = arith.constant 0 : i32
    %scan3A_88 = arith.constant 0 : i32
    %scan3A_89 = arith.constant 8 : i32
    %scan3A_90 = arith.addi %scan3A_88, %scan3A_89 : i32
    %scan3A_91 = arith.constant 1 : i32
    scf.for %scan3A_93 = %scan3A_88 to %scan3A_90 step %scan3A_91  : i32 {
      %mul3A_94 = arith.constant 80 : i32
      %mul3A_95 = arith.muli %scan3A_93, %mul3A_94 : i32
      %add3A_96 = arith.addi %multiple_of3A, %mul3A_95 : i32
      "tpu.region"() ({
        %run_scoped3A = tpu.sem_alloc : memref<!tpu.dma_semaphore, #tpu.memory_space<semaphore_mem>>
        %dma_start3A_100 = arith.constant 0 : i32
        %dma_start3A_101 = tpu.memref_slice %arg16[%add3A_96, %dma_start3A_100] : memref<10240x128xf32, #tpu.memory_space<vmem_shared>> -> memref<80x128xf32, #tpu.memory_space<vmem_shared>>
        %dma_start3A_102 = arith.constant 0 : i32
        %dma_start3A_103 = tpu.memref_slice %arg16[%add3A_96, %dma_start3A_102] : memref<10240x128xf32, #tpu.memory_space<vmem_shared>> -> memref<80x128xf32, #tpu.memory_space<vmem_shared>>
        tpu.enqueue_dma source(%dma_start3A_103 : memref<80x128xf32, #tpu.memory_space<vmem_shared>>) target(%arg13 : memref<80x128xf32, #tpu.memory_space<vmem>>) target_semaphore(%run_scoped3A : memref<!tpu.dma_semaphore, #tpu.memory_space<semaphore_mem>>)
        %dma_wait3A_104 = arith.constant 0 : i32
        %dma_wait3A_105 = tpu.memref_slice %arg16[%add3A_96, %dma_wait3A_104] : memref<10240x128xf32, #tpu.memory_space<vmem_shared>> -> memref<80x128xf32, #tpu.memory_space<vmem_shared>>
        %dma_wait3A_106 = arith.constant 0 : i32
        %dma_wait3A_107 = tpu.memref_slice %arg16[%add3A_96, %dma_wait3A_106] : memref<10240x128xf32, #tpu.memory_space<vmem_shared>> -> memref<80x128xf32, #tpu.memory_space<vmem_shared>>
        tpu.wait_dma2 semaphore(%run_scoped3A : memref<!tpu.dma_semaphore, #tpu.memory_space<semaphore_mem>>) src(%dma_wait3A_107 : memref<80x128xf32, #tpu.memory_space<vmem_shared>>) dst(%arg13 : memref<80x128xf32, #tpu.memory_space<vmem>>)
        tpu.yield
      }) : () -> ()
      %mul3A_97 = arith.constant 80 : i32
      %mul3A_98 = arith.muli %scan3A_93, %mul3A_97 : i32
      %add3A_99 = arith.addi %multiple_of3A, %mul3A_98 : i32
      "tpu.region"() ({
        %run_scoped3A = tpu.sem_alloc : memref<!tpu.dma_semaphore, #tpu.memory_space<semaphore_mem>>
        %dma_start3A_100 = arith.constant 0 : i32
        %dma_start3A_101 = tpu.memref_slice %arg6[%arg0, %add3A_99, %dma_start3A_100] : memref<2x10240x128xf32, #tpu.memory_space<hbm>> -> memref<1x80x128xf32, #tpu.memory_space<hbm>>
        %dma_start3A_102 = tpu.memref_squeeze %dma_start3A_101 : memref<1x80x128xf32, #tpu.memory_space<hbm>> -> memref<80x128xf32, #tpu.memory_space<hbm>>
        %dma_start3A_103 = arith.constant 0 : i32
        %dma_start3A_104 = tpu.memref_slice %arg6[%arg0, %add3A_99, %dma_start3A_103] : memref<2x10240x128xf32, #tpu.memory_space<hbm>> -> memref<1x80x128xf32, #tpu.memory_space<hbm>>
        %dma_start3A_105 = tpu.memref_squeeze %dma_start3A_104 : memref<1x80x128xf32, #tpu.memory_space<hbm>> -> memref<80x128xf32, #tpu.memory_space<hbm>>
        tpu.enqueue_dma source(%arg13 : memref<80x128xf32, #tpu.memory_space<vmem>>) target(%dma_start3A_105 : memref<80x128xf32, #tpu.memory_space<hbm>>) target_semaphore(%run_scoped3A : memref<!tpu.dma_semaphore, #tpu.memory_space<semaphore_mem>>)
        %dma_wait3A_106 = arith.constant 0 : i32
        %dma_wait3A_107 = tpu.memref_slice %arg6[%arg0, %add3A_99, %dma_wait3A_106] : memref<2x10240x128xf32, #tpu.memory_space<hbm>> -> memref<1x80x128xf32, #tpu.memory_space<hbm>>
        %dma_wait3A_108 = tpu.memref_squeeze %dma_wait3A_107 : memref<1x80x128xf32, #tpu.memory_space<hbm>> -> memref<80x128xf32, #tpu.memory_space<hbm>>
        %dma_wait3A_109 = arith.constant 0 : i32
        %dma_wait3A_110 = tpu.memref_slice %arg6[%arg0, %add3A_99, %dma_wait3A_109] : memref<2x10240x128xf32, #tpu.memory_space<hbm>> -> memref<1x80x128xf32, #tpu.memory_space<hbm>>
        %dma_wait3A_111 = tpu.memref_squeeze %dma_wait3A_110 : memref<1x80x128xf32, #tpu.memory_space<hbm>> -> memref<80x128xf32, #tpu.memory_space<hbm>>
        tpu.wait_dma2 semaphore(%run_scoped3A : memref<!tpu.dma_semaphore, #tpu.memory_space<semaphore_mem>>) src(%arg13 : memref<80x128xf32, #tpu.memory_space<vmem>>) dst(%dma_wait3A_111 : memref<80x128xf32, #tpu.memory_space<hbm>>)
        tpu.yield
      }) : () -> ()
    }
    %scan3A_92 = arith.constant 8 : i32
    return
  }
}

module attributes {stable_mosaic.version = 14 : i64} {
  func.func @_tc_body(%arg0: i32, %arg1: memref<1000x128xf32, #tpu.memory_space<vmem>>, %arg2: memref<1000x128xf32, #tpu.memory_space<vmem>>, %arg3: memref<1000x128xf32, #tpu.memory_space<vmem>>, %arg4: memref<1000x16xf32, #tpu.memory_space<vmem>>, %arg5: memref<1000x16xf32, #tpu.memory_space<vmem>>, %arg6: memref<128x128xf32, #tpu.memory_space<vmem>>, %arg7: memref<128x128xf32, #tpu.memory_space<vmem>>, %arg8: memref<1x128xf32, #tpu.memory_space<vmem>>, %arg9: memref<1x128xf32, #tpu.memory_space<vmem>>, %arg10: memref<1x128xf32, #tpu.memory_space<vmem>>, %arg11: memref<1000x128xf32, #tpu.memory_space<vmem>>) attributes {dimension_semantics = [#tpu.dimension_semantics<arbitrary>], iteration_bounds = array<i64: 10>, scalar_prefetch = 0 : i64, scratch_operands = 0 : i64, tpu.core_type = #tpu.core_type<tc>, window_params = [{transform_indices = @transform_0, window_bounds = array<i64: 1000, 128>}, {transform_indices = @transform_1, window_bounds = array<i64: 1000, 128>}, {transform_indices = @transform_2, window_bounds = array<i64: 1000, 128>}, {transform_indices = @transform_3, window_bounds = array<i64: 1000, 16>}, {transform_indices = @transform_4, window_bounds = array<i64: 1000, 16>}, {pipeline_mode = #tpu.pipeline_mode<synchronous>, transform_indices = @transform_5, window_bounds = array<i64: 128, 128>}, {pipeline_mode = #tpu.pipeline_mode<synchronous>, transform_indices = @transform_6, window_bounds = array<i64: 128, 128>}, {pipeline_mode = #tpu.pipeline_mode<synchronous>, transform_indices = @transform_7, window_bounds = array<i64: 1, 128>}, {pipeline_mode = #tpu.pipeline_mode<synchronous>, transform_indices = @transform_8, window_bounds = array<i64: 1, 128>}, {pipeline_mode = #tpu.pipeline_mode<synchronous>, transform_indices = @transform_9, window_bounds = array<i64: 1, 128>}, {transform_indices = @transform_10, window_bounds = array<i64: 1000, 128>}]} {
    %get3A = arith.constant 0 : index
    %get3A_0 = arith.constant 0 : index
    %get3A_1 = vector.load %arg1[%get3A, %get3A_0] : memref<1000x128xf32, #tpu.memory_space<vmem>>, vector<1000x128xf32>
    %get3A_2 = arith.constant 0 : index
    %get3A_3 = arith.constant 0 : index
    %get3A_4 = vector.load %arg2[%get3A_2, %get3A_3] : memref<1000x128xf32, #tpu.memory_space<vmem>>, vector<1000x128xf32>
    %get3A_5 = arith.constant 0 : index
    %get3A_6 = arith.constant 0 : index
    %get3A_7 = vector.load %arg3[%get3A_5, %get3A_6] : memref<1000x128xf32, #tpu.memory_space<vmem>>, vector<1000x128xf32>
    %add3A = arith.addf %get3A_4, %get3A_7 : vector<1000x128xf32>
    %get3A_8 = arith.constant 0 : index
    %get3A_9 = arith.constant 0 : index
    %get3A_10 = vector.load %arg4[%get3A_8, %get3A_9] : memref<1000x16xf32, #tpu.memory_space<vmem>>, vector<1000x1xf32>
    %get3A_11 = arith.constant 0 : index
    %get3A_12 = arith.constant 0 : index
    %get3A_13 = vector.load %arg5[%get3A_11, %get3A_12] : memref<1000x16xf32, #tpu.memory_space<vmem>>, vector<1000x1xf32>
    %add3A_14 = arith.addf %get3A_10, %get3A_13 : vector<1000x1xf32>
    %max3A = arith.constant 1.000000e+00 : f32
    %max3A_15 = vector.broadcast %max3A : f32 to vector<1000x1xf32>
    %max3A_16 = arith.maximumf %add3A_14, %max3A_15 : vector<1000x1xf32>
    %div3A = arith.constant 1.000000e+00 : f32
    %div3A_17 = vector.broadcast %div3A : f32 to vector<1000x1xf32>
    %div3A_18 = arith.divf %div3A_17, %max3A_16 : vector<1000x1xf32>
    %mul3A = vector.broadcast %div3A_18 : vector<1000x1xf32> to vector<1000x128xf32>
    %mul3A_19 = arith.mulf %add3A, %mul3A : vector<1000x128xf32>
    %get3A_20 = arith.constant 0 : index
    %get3A_21 = arith.constant 0 : index
    %get3A_22 = vector.load %arg6[%get3A_20, %get3A_21] : memref<128x128xf32, #tpu.memory_space<vmem>>, vector<128x128xf32>
    %dot_general3A = arith.constant dense<0.000000e+00> : vector<1000x128xf32>
    %dot_general3A_23 = tpu.matmul %get3A_1, %get3A_22, %dot_general3A {dimension_numbers = #tpu.dot_dimension_numbers<[1], [0], [0], [1], [0, 0, 1, 1], [], []>, transpose_lhs_hint = false} : vector<1000x128xf32>, vector<128x128xf32>, vector<1000x128xf32> -> vector<1000x128xf32>
    %get3A_24 = arith.constant 0 : index
    %get3A_25 = arith.constant 0 : index
    %get3A_26 = vector.load %arg7[%get3A_24, %get3A_25] : memref<128x128xf32, #tpu.memory_space<vmem>>, vector<128x128xf32>
    %dot_general3A_27 = arith.constant dense<0.000000e+00> : vector<1000x128xf32>
    %dot_general3A_28 = tpu.matmul %mul3A_19, %get3A_26, %dot_general3A_27 {dimension_numbers = #tpu.dot_dimension_numbers<[1], [0], [0], [1], [0, 0, 1, 1], [], []>, transpose_lhs_hint = false} : vector<1000x128xf32>, vector<128x128xf32>, vector<1000x128xf32> -> vector<1000x128xf32>
    %add3A_29 = arith.addf %dot_general3A_23, %dot_general3A_28 : vector<1000x128xf32>
    %get3A_30 = arith.constant 0 : index
    %get3A_31 = arith.constant 0 : index
    %get3A_32 = vector.load %arg8[%get3A_30, %get3A_31] : memref<1x128xf32, #tpu.memory_space<vmem>>, vector<1x128xf32>
    %add3A_33 = vector.broadcast %get3A_32 : vector<1x128xf32> to vector<1000x128xf32>
    %add3A_34 = arith.addf %add3A_29, %add3A_33 : vector<1000x128xf32>
    %reduce_sum3A = arith.constant dense<0.000000e+00> : vector<1000xf32>
    %reduce_sum3A_35 = vector.multi_reduction <add>, %add3A_34, %reduce_sum3A [1] : vector<1000x128xf32> to vector<1000xf32>
    %broadcast_in_dim3A = vector.shape_cast %reduce_sum3A_35 : vector<1000xf32> to vector<1000x1xf32>
    %div3A_36 = arith.constant 1.280000e+02 : f32
    %div3A_37 = vector.broadcast %div3A_36 : f32 to vector<1000x1xf32>
    %div3A_38 = arith.divf %broadcast_in_dim3A, %div3A_37 : vector<1000x1xf32>
    %sub3A = vector.broadcast %div3A_38 : vector<1000x1xf32> to vector<1000x128xf32>
    %sub3A_39 = arith.subf %add3A_34, %sub3A : vector<1000x128xf32>
    %integer_pow3A = arith.mulf %sub3A_39, %sub3A_39 : vector<1000x128xf32>
    %reduce_sum3A_40 = arith.constant dense<0.000000e+00> : vector<1000xf32>
    %reduce_sum3A_41 = vector.multi_reduction <add>, %integer_pow3A, %reduce_sum3A_40 [1] : vector<1000x128xf32> to vector<1000xf32>
    %broadcast_in_dim3A_42 = vector.shape_cast %reduce_sum3A_41 : vector<1000xf32> to vector<1000x1xf32>
    %div3A_43 = arith.constant 1.280000e+02 : f32
    %div3A_44 = vector.broadcast %div3A_43 : f32 to vector<1000x1xf32>
    %div3A_45 = arith.divf %broadcast_in_dim3A_42, %div3A_44 : vector<1000x1xf32>
    %sub3A_46 = vector.broadcast %div3A_38 : vector<1000x1xf32> to vector<1000x128xf32>
    %sub3A_47 = arith.subf %add3A_34, %sub3A_46 : vector<1000x128xf32>
    %add3A_48 = arith.constant 9.99999974E-6 : f32
    %add3A_49 = vector.broadcast %add3A_48 : f32 to vector<1000x1xf32>
    %add3A_50 = arith.addf %div3A_45, %add3A_49 : vector<1000x1xf32>
    %rsqrt3A = math.rsqrt %add3A_50 : vector<1000x1xf32>
    %mul3A_51 = vector.broadcast %rsqrt3A : vector<1000x1xf32> to vector<1000x128xf32>
    %mul3A_52 = arith.mulf %sub3A_47, %mul3A_51 : vector<1000x128xf32>
    %get3A_53 = arith.constant 0 : index
    %get3A_54 = arith.constant 0 : index
    %get3A_55 = vector.load %arg9[%get3A_53, %get3A_54] : memref<1x128xf32, #tpu.memory_space<vmem>>, vector<1x128xf32>
    %mul3A_56 = vector.broadcast %get3A_55 : vector<1x128xf32> to vector<1000x128xf32>
    %mul3A_57 = arith.mulf %mul3A_52, %mul3A_56 : vector<1000x128xf32>
    %get3A_58 = arith.constant 0 : index
    %get3A_59 = arith.constant 0 : index
    %get3A_60 = vector.load %arg10[%get3A_58, %get3A_59] : memref<1x128xf32, #tpu.memory_space<vmem>>, vector<1x128xf32>
    %add3A_61 = vector.broadcast %get3A_60 : vector<1x128xf32> to vector<1000x128xf32>
    %add3A_62 = arith.addf %mul3A_57, %add3A_61 : vector<1000x128xf32>
    %swap3A = arith.constant 0 : index
    %swap3A_63 = arith.constant 0 : index
    %swap3A_64 = vector.load %arg11[%swap3A, %swap3A_63] : memref<1000x128xf32, #tpu.memory_space<vmem>>, vector<1000x128xf32>
    tpu.vector_store %arg11[%swap3A, %swap3A_63], %add3A_62 {strides = array<i32>} : memref<1000x128xf32, #tpu.memory_space<vmem>>, vector<1000x128xf32>,
    return
  }
  func.func @transform_0(%arg0: i32) -> (i32, i32) {
    %c0_i32 = arith.constant 0 : i32
    %c0_i32_0 = arith.constant 0 : i32
    return %arg0, %c0_i32 : i32, i32
  }
  func.func @transform_1(%arg0: i32) -> (i32, i32) {
    %c0_i32 = arith.constant 0 : i32
    %c0_i32_0 = arith.constant 0 : i32
    return %arg0, %c0_i32 : i32, i32
  }
  func.func @transform_2(%arg0: i32) -> (i32, i32) {
    %c0_i32 = arith.constant 0 : i32
    %c0_i32_0 = arith.constant 0 : i32
    return %arg0, %c0_i32 : i32, i32
  }
  func.func @transform_3(%arg0: i32) -> (i32, i32) {
    %c0_i32 = arith.constant 0 : i32
    %c0_i32_0 = arith.constant 0 : i32
    return %arg0, %c0_i32 : i32, i32
  }
  func.func @transform_4(%arg0: i32) -> (i32, i32) {
    %c0_i32 = arith.constant 0 : i32
    %c0_i32_0 = arith.constant 0 : i32
    return %arg0, %c0_i32 : i32, i32
  }
  func.func @transform_5(%arg0: i32) -> (i32, i32) {
    %c0_i32 = arith.constant 0 : i32
    %c0_i32_0 = arith.constant 0 : i32
    %c0_i32_1 = arith.constant 0 : i32
    return %c0_i32, %c0_i32_0 : i32, i32
  }
  func.func @transform_6(%arg0: i32) -> (i32, i32) {
    %c0_i32 = arith.constant 0 : i32
    %c0_i32_0 = arith.constant 0 : i32
    %c0_i32_1 = arith.constant 0 : i32
    return %c0_i32, %c0_i32_0 : i32, i32
  }
  func.func @transform_7(%arg0: i32) -> (i32, i32) {
    %c0_i32 = arith.constant 0 : i32
    %c0_i32_0 = arith.constant 0 : i32
    %c0_i32_1 = arith.constant 0 : i32
    return %c0_i32, %c0_i32_0 : i32, i32
  }
  func.func @transform_8(%arg0: i32) -> (i32, i32) {
    %c0_i32 = arith.constant 0 : i32
    %c0_i32_0 = arith.constant 0 : i32
    %c0_i32_1 = arith.constant 0 : i32
    return %c0_i32, %c0_i32_0 : i32, i32
  }
  func.func @transform_9(%arg0: i32) -> (i32, i32) {
    %c0_i32 = arith.constant 0 : i32
    %c0_i32_0 = arith.constant 0 : i32
    %c0_i32_1 = arith.constant 0 : i32
    return %c0_i32, %c0_i32_0 : i32, i32
  }
  func.func @transform_10(%arg0: i32) -> (i32, i32) {
    %c0_i32 = arith.constant 0 : i32
    %c0_i32_0 = arith.constant 0 : i32
    return %arg0, %c0_i32 : i32, i32
  }
}

module attributes {stable_mosaic.version = 14 : i64} {
  func.func @_tc_body(%arg0: i32, %arg1: memref<1000x128xf32, #tpu.memory_space<vmem>>, %arg2: memref<1000x128xf32, #tpu.memory_space<vmem>>, %arg3: memref<1000x128xf32, #tpu.memory_space<vmem>>, %arg4: memref<1000x16xf32, #tpu.memory_space<vmem>>, %arg5: memref<1000x16xf32, #tpu.memory_space<vmem>>, %arg6: memref<128x128xf32, #tpu.memory_space<vmem>>, %arg7: memref<128x128xf32, #tpu.memory_space<vmem>>, %arg8: memref<1x128xf32, #tpu.memory_space<vmem>>, %arg9: memref<1x128xf32, #tpu.memory_space<vmem>>, %arg10: memref<1x128xf32, #tpu.memory_space<vmem>>, %arg11: memref<1000x128xf32, #tpu.memory_space<vmem>>) attributes {dimension_semantics = [#tpu.dimension_semantics<arbitrary>], iteration_bounds = array<i64: 10>, scalar_prefetch = 0 : i64, scratch_operands = 0 : i64, tpu.core_type = #tpu.core_type<tc>, window_params = [{transform_indices = @transform_0, window_bounds = array<i64: 1000, 128>}, {transform_indices = @transform_1, window_bounds = array<i64: 1000, 128>}, {transform_indices = @transform_2, window_bounds = array<i64: 1000, 128>}, {transform_indices = @transform_3, window_bounds = array<i64: 1000, 16>}, {transform_indices = @transform_4, window_bounds = array<i64: 1000, 16>}, {pipeline_mode = #tpu.pipeline_mode<synchronous>, transform_indices = @transform_5, window_bounds = array<i64: 128, 128>}, {pipeline_mode = #tpu.pipeline_mode<synchronous>, transform_indices = @transform_6, window_bounds = array<i64: 128, 128>}, {pipeline_mode = #tpu.pipeline_mode<synchronous>, transform_indices = @transform_7, window_bounds = array<i64: 1, 128>}, {pipeline_mode = #tpu.pipeline_mode<synchronous>, transform_indices = @transform_8, window_bounds = array<i64: 1, 128>}, {pipeline_mode = #tpu.pipeline_mode<synchronous>, transform_indices = @transform_9, window_bounds = array<i64: 1, 128>}, {transform_indices = @transform_10, window_bounds = array<i64: 1000, 128>}]} {
    %get3A = arith.constant 0 : index
    %get3A_0 = arith.constant 0 : index
    %get3A_1 = vector.load %arg1[%get3A, %get3A_0] : memref<1000x128xf32, #tpu.memory_space<vmem>>, vector<1000x128xf32>
    %get3A_2 = arith.constant 0 : index
    %get3A_3 = arith.constant 0 : index
    %get3A_4 = vector.load %arg2[%get3A_2, %get3A_3] : memref<1000x128xf32, #tpu.memory_space<vmem>>, vector<1000x128xf32>
    %get3A_5 = arith.constant 0 : index
    %get3A_6 = arith.constant 0 : index
    %get3A_7 = vector.load %arg3[%get3A_5, %get3A_6] : memref<1000x128xf32, #tpu.memory_space<vmem>>, vector<1000x128xf32>
    %add3A = arith.addf %get3A_4, %get3A_7 : vector<1000x128xf32>
    %get3A_8 = arith.constant 0 : index
    %get3A_9 = arith.constant 0 : index
    %get3A_10 = vector.load %arg4[%get3A_8, %get3A_9] : memref<1000x16xf32, #tpu.memory_space<vmem>>, vector<1000x1xf32>
    %get3A_11 = arith.constant 0 : index
    %get3A_12 = arith.constant 0 : index
    %get3A_13 = vector.load %arg5[%get3A_11, %get3A_12] : memref<1000x16xf32, #tpu.memory_space<vmem>>, vector<1000x1xf32>
    %add3A_14 = arith.addf %get3A_10, %get3A_13 : vector<1000x1xf32>
    %max3A = arith.constant 1.000000e+00 : f32
    %max3A_15 = vector.broadcast %max3A : f32 to vector<1000x1xf32>
    %max3A_16 = arith.maximumf %add3A_14, %max3A_15 : vector<1000x1xf32>
    %div3A = arith.constant 1.000000e+00 : f32
    %div3A_17 = vector.broadcast %div3A : f32 to vector<1000x1xf32>
    %div3A_18 = arith.divf %div3A_17, %max3A_16 : vector<1000x1xf32>
    %mul3A = vector.broadcast %div3A_18 : vector<1000x1xf32> to vector<1000x128xf32>
    %mul3A_19 = arith.mulf %add3A, %mul3A : vector<1000x128xf32>
    %get3A_20 = arith.constant 0 : index
    %get3A_21 = arith.constant 0 : index
    %get3A_22 = vector.load %arg6[%get3A_20, %get3A_21] : memref<128x128xf32, #tpu.memory_space<vmem>>, vector<128x128xf32>
    %dot_general3A = arith.constant dense<0.000000e+00> : vector<1000x128xf32>
    %dot_general3A_23 = tpu.matmul %get3A_1, %get3A_22, %dot_general3A {dimension_numbers = #tpu.dot_dimension_numbers<[1], [0], [0], [1], [0, 0, 1, 1], [], []>, transpose_lhs_hint = false} : vector<1000x128xf32>, vector<128x128xf32>, vector<1000x128xf32> -> vector<1000x128xf32>
    %get3A_24 = arith.constant 0 : index
    %get3A_25 = arith.constant 0 : index
    %get3A_26 = vector.load %arg7[%get3A_24, %get3A_25] : memref<128x128xf32, #tpu.memory_space<vmem>>, vector<128x128xf32>
    %dot_general3A_27 = arith.constant dense<0.000000e+00> : vector<1000x128xf32>
    %dot_general3A_28 = tpu.matmul %mul3A_19, %get3A_26, %dot_general3A_27 {dimension_numbers = #tpu.dot_dimension_numbers<[1], [0], [0], [1], [0, 0, 1, 1], [], []>, transpose_lhs_hint = false} : vector<1000x128xf32>, vector<128x128xf32>, vector<1000x128xf32> -> vector<1000x128xf32>
    %add3A_29 = arith.addf %dot_general3A_23, %dot_general3A_28 : vector<1000x128xf32>
    %get3A_30 = arith.constant 0 : index
    %get3A_31 = arith.constant 0 : index
    %get3A_32 = vector.load %arg8[%get3A_30, %get3A_31] : memref<1x128xf32, #tpu.memory_space<vmem>>, vector<1x128xf32>
    %add3A_33 = vector.broadcast %get3A_32 : vector<1x128xf32> to vector<1000x128xf32>
    %add3A_34 = arith.addf %add3A_29, %add3A_33 : vector<1000x128xf32>
    %max3A_35 = arith.constant 0.000000e+00 : f32
    %max3A_36 = vector.broadcast %max3A_35 : f32 to vector<1000x128xf32>
    %max3A_37 = arith.maximumf %add3A_34, %max3A_36 : vector<1000x128xf32>
    %reduce_sum3A = arith.constant dense<0.000000e+00> : vector<1000xf32>
    %reduce_sum3A_38 = vector.multi_reduction <add>, %max3A_37, %reduce_sum3A [1] : vector<1000x128xf32> to vector<1000xf32>
    %broadcast_in_dim3A = vector.shape_cast %reduce_sum3A_38 : vector<1000xf32> to vector<1000x1xf32>
    %div3A_39 = arith.constant 1.280000e+02 : f32
    %div3A_40 = vector.broadcast %div3A_39 : f32 to vector<1000x1xf32>
    %div3A_41 = arith.divf %broadcast_in_dim3A, %div3A_40 : vector<1000x1xf32>
    %sub3A = vector.broadcast %div3A_41 : vector<1000x1xf32> to vector<1000x128xf32>
    %sub3A_42 = arith.subf %max3A_37, %sub3A : vector<1000x128xf32>
    %integer_pow3A = arith.mulf %sub3A_42, %sub3A_42 : vector<1000x128xf32>
    %reduce_sum3A_43 = arith.constant dense<0.000000e+00> : vector<1000xf32>
    %reduce_sum3A_44 = vector.multi_reduction <add>, %integer_pow3A, %reduce_sum3A_43 [1] : vector<1000x128xf32> to vector<1000xf32>
    %broadcast_in_dim3A_45 = vector.shape_cast %reduce_sum3A_44 : vector<1000xf32> to vector<1000x1xf32>
    %div3A_46 = arith.constant 1.280000e+02 : f32
    %div3A_47 = vector.broadcast %div3A_46 : f32 to vector<1000x1xf32>
    %div3A_48 = arith.divf %broadcast_in_dim3A_45, %div3A_47 : vector<1000x1xf32>
    %sub3A_49 = vector.broadcast %div3A_41 : vector<1000x1xf32> to vector<1000x128xf32>
    %sub3A_50 = arith.subf %max3A_37, %sub3A_49 : vector<1000x128xf32>
    %add3A_51 = arith.constant 9.99999974E-6 : f32
    %add3A_52 = vector.broadcast %add3A_51 : f32 to vector<1000x1xf32>
    %add3A_53 = arith.addf %div3A_48, %add3A_52 : vector<1000x1xf32>
    %rsqrt3A = math.rsqrt %add3A_53 : vector<1000x1xf32>
    %mul3A_54 = vector.broadcast %rsqrt3A : vector<1000x1xf32> to vector<1000x128xf32>
    %mul3A_55 = arith.mulf %sub3A_50, %mul3A_54 : vector<1000x128xf32>
    %get3A_56 = arith.constant 0 : index
    %get3A_57 = arith.constant 0 : index
    %get3A_58 = vector.load %arg9[%get3A_56, %get3A_57] : memref<1x128xf32, #tpu.memory_space<vmem>>, vector<1x128xf32>
    %mul3A_59 = vector.broadcast %get3A_58 : vector<1x128xf32> to vector<1000x128xf32>
    %mul3A_60 = arith.mulf %mul3A_55, %mul3A_59 : vector<1000x128xf32>
    %get3A_61 = arith.constant 0 : index
    %get3A_62 = arith.constant 0 : index
    %get3A_63 = vector.load %arg10[%get3A_61, %get3A_62] : memref<1x128xf32, #tpu.memory_space<vmem>>, vector<1x128xf32>
    %add3A_64 = vector.broadcast %get3A_63 : vector<1x128xf32> to vector<1000x128xf32>
    %add3A_65 = arith.addf %mul3A_60, %add3A_64 : vector<1000x128xf32>
    %swap3A = arith.constant 0 : index
    %swap3A_66 = arith.constant 0 : index
    %swap3A_67 = vector.load %arg11[%swap3A, %swap3A_66] : memref<1000x128xf32, #tpu.memory_space<vmem>>, vector<1000x128xf32>
    tpu.vector_store %arg11[%swap3A, %swap3A_66], %add3A_65 {strides = array<i32>} : memref<1000x128xf32, #tpu.memory_space<vmem>>, vector<1000x128xf32>,
    return
  }
  func.func @transform_0(%arg0: i32) -> (i32, i32) {
    %c0_i32 = arith.constant 0 : i32
    %c0_i32_0 = arith.constant 0 : i32
    return %arg0, %c0_i32 : i32, i32
  }
  func.func @transform_1(%arg0: i32) -> (i32, i32) {
    %c0_i32 = arith.constant 0 : i32
    %c0_i32_0 = arith.constant 0 : i32
    return %arg0, %c0_i32 : i32, i32
  }
  func.func @transform_2(%arg0: i32) -> (i32, i32) {
    %c0_i32 = arith.constant 0 : i32
    %c0_i32_0 = arith.constant 0 : i32
    return %arg0, %c0_i32 : i32, i32
  }
  func.func @transform_3(%arg0: i32) -> (i32, i32) {
    %c0_i32 = arith.constant 0 : i32
    %c0_i32_0 = arith.constant 0 : i32
    return %arg0, %c0_i32 : i32, i32
  }
  func.func @transform_4(%arg0: i32) -> (i32, i32) {
    %c0_i32 = arith.constant 0 : i32
    %c0_i32_0 = arith.constant 0 : i32
    return %arg0, %c0_i32 : i32, i32
  }
  func.func @transform_5(%arg0: i32) -> (i32, i32) {
    %c0_i32 = arith.constant 0 : i32
    %c0_i32_0 = arith.constant 0 : i32
    %c0_i32_1 = arith.constant 0 : i32
    return %c0_i32, %c0_i32_0 : i32, i32
  }
  func.func @transform_6(%arg0: i32) -> (i32, i32) {
    %c0_i32 = arith.constant 0 : i32
    %c0_i32_0 = arith.constant 0 : i32
    %c0_i32_1 = arith.constant 0 : i32
    return %c0_i32, %c0_i32_0 : i32, i32
  }
  func.func @transform_7(%arg0: i32) -> (i32, i32) {
    %c0_i32 = arith.constant 0 : i32
    %c0_i32_0 = arith.constant 0 : i32
    %c0_i32_1 = arith.constant 0 : i32
    return %c0_i32, %c0_i32_0 : i32, i32
  }
  func.func @transform_8(%arg0: i32) -> (i32, i32) {
    %c0_i32 = arith.constant 0 : i32
    %c0_i32_0 = arith.constant 0 : i32
    %c0_i32_1 = arith.constant 0 : i32
    return %c0_i32, %c0_i32_0 : i32, i32
  }
  func.func @transform_9(%arg0: i32) -> (i32, i32) {
    %c0_i32 = arith.constant 0 : i32
    %c0_i32_0 = arith.constant 0 : i32
    %c0_i32_1 = arith.constant 0 : i32
    return %c0_i32, %c0_i32_0 : i32, i32
  }
  func.func @transform_10(%arg0: i32) -> (i32, i32) {
    %c0_i32 = arith.constant 0 : i32
    %c0_i32_0 = arith.constant 0 : i32
    return %arg0, %c0_i32 : i32, i32
  }
}

</mosaic_0001>

<sc_bundles>
// kernel: kernel.10.cloned.1.call-start
scs
__scs_entry_jumppad:
0x0: {  	(pc) =	sbr.rel $0x88, $3  }
0x1: {  	(tag) =	ssettag $0x0;
	lr =	simm.s32 $0x1  }
0x2: {  	[smem:$0x3F97] =	sst lr;
	_ =	strace $0xD0000000  }
0x3: {  	_ = 	snop  }
0x4: {  	_ = 	snop  }
0x5: {  	_ = 	snop  }
0x6: {  	_ = 	snop  }
0x7: {  	_ = 	snop  }
__scs_overlays_trampoline_lowered:
0x8: {  	[smem:$0x3FA6] =	sst s0  }
0x9: {  	[smem:$0x3FA7] =	sst s1  }
0xa: {  	[smem:$0x3FA8] =	sst s2  }
0xb: {  	[smem:$0x3FA9] =	sst s3  }
0xc: {  	[smem:$0x3FAA] =	sst s4  }
0xd: {  	[smem:$0x3FAB] =	sst s5  }
0xe: {  	[smem:$0x3FAC] =	sst s6  }
0xf: {  	[smem:$0x3FAD] =	sst s7  }
0x10: {  	[smem:$0x3FAE] =	sst s8  }
0x11: {  	[smem:$0x3FAF] =	sst s9;
	s0 =	simm.s32 @!p0 $0x0  }
0x12: {  	s1 =	sld [smem:$0x3F95];
	s0 =	simm.s32 @p0 $0x1  }
0x13: {  	[smem:$0x3FB0] =	sst s0;
	s0 =	simm.s32 @!p1 $0x0  }
0x14: {  	s2 =	sld [smem:$0x3F94];
	s0 =	simm.s32 @p1 $0x1  }
0x15: {  	[smem:$0x3FB1] =	sst s0;
	s0 =	simm.s32 @!p2 $0x0  }
0x16: {  	s3 =	sld [smem:$0x3FDB];
	s0 =	simm.s32 @p2 $0x1  }
0x17: {  	s4 =	simm.s32 $0x1BF5;
	[smem:$0x3FB3] =	sst s0  }
0x18: {  	s0 =	sld [smem:$0x3F96];
	_ =	swait.ge [sflag:s4], $0x0  }
0x19: {  	s7 =	sld [smem:$0x3F97]  }
0x1a: {  	s8 =	sadd.s32 $0xFFFFE003, lr  }
0x1b: {  	s9 =	sadd.s32 $0xFFFFFEF7, lr;
	s5 =	simm.s32 $0xFFFFFFFF;
	p2 =	slt.u32 s8, $0xFFFFF086  }
0x1c: {  	p1 =	slt.u32 s9, $0xF7A;
	s5 =	simm.s32 @!p2 $0x0  }
0x1d: {  	s5 =	simm.s32 @p1 $0x1;
	p0 =	seq.s32 s7, s2  }
0x1e: {  	s7 =	smul.u32 @!p0 $0xF7A, s2;
	p2 =	seq.s32 @!p0 s5, $0x0  }
0x1f: {  	s9 =	smul.u32 $0xF7A, s1;
	s8 =	simm.s32 @!p0 $0x1BF5;
	p2 =	por !p2, p0  }
0x20: {  	[sflag:s8] =	ssyncset.s32 @!p0 $0xFFFFF086;
	s6 =	sadd.s32 @!p0 s3, s7;
	s7 =	simm.s32 @!p0 $0x108  }
0x21: {  	s3 =	sadd.s32 s3, s9;
	s6 =	sadd.s32 @!p0 $0x88, s6;
	s7 =	simm.s32 @p2 $0x1082  }
0x22: {  	[simem:s7], [sflag:s8] =	dma.local @!p0 [hbm:s6], $0xF7A  }
0x23: {  	s9 =	sor.u32 $0xD0000000, s2;
	s6 =	simm.s32 $0x108;
	_ =	swait.ge @!p0 [sflag:s8], $0x0  }
0x24: {  	s3 =	sadd.s32 $0x88, s3;
	s6 =	simm.s32 @!p1 $0x1082;
	[sflag:s4] =	ssyncset.s32 $0xFFFFF086  }
0x25: {  	[simem:s6], [sflag:s4] =	dma.local [hbm:s3], $0xF7A  }
0x26: {  	[smem:$0x3F97] =	sst s1;
	(tag) =	ssettag s2;
	_ =	strace s9  }
0x27: {  	s1 =	sld [smem:$0x3FA7]  }
0x28: {  	s2 =	sld [smem:$0x3FA8]  }
0x29: {  	s4 =	sld [smem:$0x3FAA]  }
0x2a: {  	p0 =	seq.s32 s5, $0x0;
	s5 =	sld [smem:$0x3FAB]  }
0x2b: {  	s6 =	sld [smem:$0x3FAC]  }
0x2c: {  	s7 =	sld [smem:$0x3FAD]  }
0x2d: {  	s3 =	simm.s32 $0x108;
	s8 =	sld [smem:$0x3FAE]  }
0x2e: {  	s3 =	simm.s32 @!p0 $0x1082;
	s9 =	sld [smem:$0x3FAF]  }
0x2f: {  	lr =	sadd.s32 s0, s3;
	s0 =	sld [smem:$0x3FA6]  }
0x30: {  	s3 =	sld [smem:$0x3FA9]  }
0x31: {  	[smem:$0x3FB2] =	sst s10  }
0x32: {  	s10 =	sld [smem:$0x3FB0];
	_ =	sdelay $0x3  }
0x33: {  	p0 =	seq.s32 s10, $0x1;
	s10 =	sld [smem:$0x3FB2];
	_ =	sdelay $0x3  }
0x34: {  	[smem:$0x3FB2] =	sst s10  }
0x35: {  	s10 =	sld [smem:$0x3FB1];
	_ =	sdelay $0x3  }
0x36: {  	p1 =	seq.s32 s10, $0x1;
	s10 =	sld [smem:$0x3FB2];
	_ =	sdelay $0x3  }
0x37: {  	[smem:$0x3FB2] =	sst s10  }
0x38: {  	s10 =	sld [smem:$0x3FB3]  }
0x39: {  	_ = 	snop;
	(pc) =	sbr.ind lr, $3  }
0x3a: {  	_ = 	snop  }
0x3b: {  	_ = 	snop  }
0x3c: {  	p2 =	seq.s32 s10, $0x1;
	s10 =	sld [smem:$0x3FB2]  }
0x3d: {  	_ =	shalt  }
0x3e: {  	_ =	shalt  }
0x3f: {  	_ =	shalt  }
0x40: {  	_ =	shalt  }
0x41: {  	_ =	shalt  }
0x42: {  	_ =	shalt  }
0x43: {  	_ =	shalt  }
0x44: {  	_ =	shalt  }
0x45: {  	_ =	shalt  }
0x46: {  	_ =	shalt  }
0x47: {  	_ =	shalt  }
0x48: {  	_ =	shalt  }
0x49: {  	_ =	shalt  }
0x4a: {  	_ =	shalt  }
0x4b: {  	_ =	shalt  }
0x4c: {  	_ =	shalt  }
0x4d: {  	_ =	shalt  }
0x4e: {  	_ =	shalt  }
0x4f: {  	_ =	shalt  }
0x50: {  	_ =	shalt  }
0x51: {  	_ =	shalt  }
0x52: {  	_ =	shalt  }
0x53: {  	_ =	shalt  }
0x54: {  	_ =	shalt  }
0x55: {  	_ =	shalt  }
0x56: {  	_ =	shalt  }
0x57: {  	_ =	shalt  }
0x58: {  	_ =	shalt  }
0x59: {  	_ =	shalt  }
0x5a: {  	_ =	shalt  }
0x5b: {  	_ =	shalt  }
0x5c: {  	_ =	shalt  }
0x5d: {  	_ =	shalt  }
0x5e: {  	_ =	shalt  }
0x5f: {  	_ =	shalt  }
0x60: {  	_ =	shalt  }
0x61: {  	_ =	shalt  }
0x62: {  	_ =	shalt  }
0x63: {  	_ =	shalt  }
0x64: {  	_ =	shalt  }
0x65: {  	_ =	shalt  }
0x66: {  	_ =	shalt  }
0x67: {  	_ =	shalt  }
0x68: {  	_ =	shalt  }
0x69: {  	_ =	shalt  }
0x6a: {  	_ =	shalt  }
0x6b: {  	_ =	shalt  }
0x6c: {  	_ =	shalt  }
0x6d: {  	_ =	shalt  }
0x6e: {  	_ =	shalt  }
0x6f: {  	_ =	shalt  }
0x70: {  	_ =	shalt  }
0x71: {  	_ =	shalt  }
0x72: {  	_ =	shalt  }
0x73: {  	_ =	shalt  }
0x74: {  	_ =	shalt  }
0x75: {  	_ =	shalt  }
0x76: {  	_ =	shalt  }
0x77: {  	_ =	shalt  }
0x78: {  	_ =	shalt  }
0x79: {  	_ =	shalt  }
0x7a: {  	_ =	shalt  }
0x7b: {  	_ =	shalt  }
0x7c: {  	_ =	shalt  }
0x7d: {  	_ =	shalt  }
0x7e: {  	_ =	shalt  }
0x7f: {  	_ =	shalt  }
0x80: {  	_ =	shalt  }
0x81: {  	_ =	shalt  }
0x82: {  	_ =	shalt  }
0x83: {  	_ =	shalt  }
0x84: {  	_ =	shalt  }
0x85: {  	_ =	shalt  }
0x86: {  	_ =	shalt  }
0x87: {  	_ =	shalt  }
.Lfunc_end0:
.L_simem_size_0:
called_computation.1_lowered:
.L_overlay_start_0:
0x88: {  	s2 =	sld [smem:$0x3FD9]  }
0x89: {  	s3 =	sld [smem:$0x3FFE];
	_ =	sdelay $0x1  }
0x8a: {  	s1 =	srdreg.scid  }
0x8b: {  	s0 =	sand.u32 $0x1, s1  }
0x8c: {  	s17 =	sshll.u32 s0, $0xA;
	s2 =	sadd.s32 s3, s2  }
0x8d: {  	s2 =	sadd.s32 s2, s17  }
0x8e: {  	[smem:$0x3FBE] =	sst s2  }
0x8f: {  	_ = 	snop  }
0x90: {  	s18 =	sld [smem:$0x3FC9];
	(tm) =	ssettm $0x1  }
0x91: {  	s19 =	sld [smem:$0x3FFB];
	_ =	sdelay $0x3  }
0x92: {  	_ =	strace s19  }
0x93: {  	s2 =	sld [smem:$0x3FFC];
	_ =	sdelay $0x3  }
0x94: {  	_ =	strace s2  }
0x95: {  	s2 =	sld [smem:$0x3FFD];
	_ =	sdelay $0x3  }
0x96: {  	_ =	strace s2  }
0x97: {  	_ =	strace $0x8FFFFFFF  }
0x98: {  	s20 =	sld [smem:$0x3FDB];
	_ =	sdelay $0x1  }
0x99: {  	s4 =	simm.s32 $_scs_section_size  }
0x9a: {  	s5 =	simm.s32 $_size__tile_overlayer_lowered;
	s6 =	simm.s32 $_tile_overlayer_lowered  }
0x9b: {  	s7 =	simm.s32 $0x1BFF;
	s21 =	sshll.u32 s6, $0x1;
	s4 =	sadd.s32 s4, s20  }
0x9c: {  	s22 =	simm.s32 $0x0;
	s5 =	sshll.u32 s5, $0x1;
	s6 =	sadd.s32 s21, s4  }
0x9d: {  	[timem:s22], [sflag:s7] =	dma.local [hbm:s6], s5  }
0x9e: {  	_ =	swait.ge [sflag:s7], s5  }
0x9f: {  	s5 =	ssub.s32 $0x0, s5;
	[sflag:s7] =	ssyncset.done $0x0  }
0xa0: {  	[sflag:s7] =	ssyncadd.s32 s5;
	_ =	sdelay $0x1  }
0xa1: {  	s23 =	simm.s32 $0x1B8B  }
0xa2: {  	_ =	swait.ge [sflag:s23], $0x1  }
0xa3: {  	[sflag:s23] =	ssyncset.done $0x0  }
0xa4: {  	[sflag:s23] =	ssyncadd.s32 $0xFFFFFFFF  }
0xa5: {  	s5 =	sld [smem:$0x0]  }
0xa6: {  	s6 =	sand.u32 $0xFFFFFFFE, s1  }
0xa7: {  	p0 =	sne.s32 s1, s6  }
0xa8: {  	s6 =	sshll.u32 @p0 s6, $0xE  }
0xa9: {  	s6 =	sadd.s32 @p0 $0x11B8D, s6;
	s7 =	sshll.u32 @p0 s5, $0x11  }
0xaa: {  	s6 =	sor.u32 @p0 s7, s6  }
0xab: {  	[sflag:s6] =	ssyncadd.remote.s32 @p0 $0x1;
	_ =	sdelay $0x1  }
0xac: {  	s6 =	simm.s32 @p0 $0x1B8D  }
0xad: {  	_ =	swait.eq @p0 [sflag:s6], $0x1  }
0xae: {  	[sflag:s6] =	ssyncadd.s32 @p0 $0xFFFFFFFF  }
0xaf: {  	s7 =	sshll.u32 @!p0 s1, $0xE  }
0xb0: {  	s7 =	sor.u32 @!p0 $0x4000, s7;
	s6 =	simm.s32 @!p0 $0x1B8D  }
0xb1: {  	s5 =	sshll.u32 @!p0 s5, $0x11;
	s7 =	sadd.s32 @!p0 $0x11B8D, s7;
	_ =	swait.eq @!p0 [sflag:s6], $0x1  }
0xb2: {  	s5 =	sor.u32 @!p0 s5, s7;
	[sflag:s6] =	ssyncadd.s32 @!p0 $0xFFFFFFFF  }
0xb3: {  	s25 =	simm.s32 $0x1B8E;
	s24 =	sld [smem:$0x3FFE];
	[sflag:s5] =	ssyncadd.remote.s32 @!p0 $0x1  }
0xb4: {  	s26 =	simm.s32 $execute0_lowered;
	[smem:$0x3FD2] =	sst s25  }
0xb5: {  	s6 =	sshll.u32 s26, $0x1;
	_ =	strace $0x80000049;
	[dreg:$0x1] =	wrdreg $0xFFFFFFFF  }
0xb6: {  	s28 =	simm.s32 $_size_execute0_lowered;
	s4 =	sadd.s32 s4, s6;
	[dreg:$0x0] =	wrdreg $0x0  }
0xb7: {  	s6 =	sshll.u32 s28, $0x1;
	[dreg:$0x2] =	wrdreg s4  }
0xb8: {  	[dreg:$0x3] =	wrdreg s6  }
0xb9: {  	[dreg:$0x4] =	wrdreg $0xC0  }
0xba: {  	_ =	task [dreg:s22], $0x5FFFF  }
0xbb: {  	[dreg:$0x1] =	wrdreg $0xFFFFFFFF  }
0xbc: {  	[dreg:$0x0] =	wrdreg $0x60  }
0xbd: {  	[dreg:$0x2] =	wrdreg s18  }
0xbe: {  	[dreg:$0x3] =	wrdreg s24  }
0xbf: {  	[dreg:$0x4] =	wrdreg $0x79E00  }
0xc0: {  	[dreg:$0x5] =	wrdreg $0xA  }
0xc1: {  	_ =	task.clear_ibuf [dreg:s22], $0x6FFFF;
	_ =	strace $0x90000049  }
0xc2: {  	s29 =	simm.s32 $0xA;
	_ =	strace $0x8000004B  }
0xc3: {  	_ =	swait.ge [sflag:s29], $0x1  }
0xc4: {  	[sflag:s29] =	ssyncadd.s32 $0xFFFFFFFF  }
0xc5: {  	_ =	strace $0x9000004B  }
0xc6: {  	_ =	sfence  }
0xc7: {  	s30 =	sld [smem:$0x0];
	_ =	sdelay $0x2  }
0xc8: {  	s31 =	sshll.u32 s1, $0xD;
	s1 =	sshrl.u32 s1, $0x2  }
0xc9: {  	s4 =	sand.u32 $0x4000, s31;
	s1 =	sadd.s32 s1, s30  }
0xca: {  	s0 =	sor.u32 s4, s0;
	s1 =	sshll.u32 s1, $0x11  }
0xcb: {  	s0 =	sor.u32 s1, s0  }
0xcc: {  	s0 =	sadd.s32 $0x8F2B, s0  }
0xcd: {  	[sflag:s0] =	ssyncadd.remote.s32 $0x1  }
0xce: {  	_ =	sfence.sel $0xFFFF  }
0xcf: {  	[dreg:$0x0] =	wrdreg $0xFFFFFFFF;
	(pc) =	sbr.abs _section_cstart, $3  }
0xd0: {  	[dreg:$0x1] =	wrdreg $0xFFFFFFFF  }
0xd1: {  	_ =	task.clear_ibuf [dreg:s22], $0x2FFFF;
	_ =	strace $0x9FFFFFFF  }
0xd2: {  	(tm) =	ssettm $0x7FFFFFFF  }
0xd3: {  	_ =	shalt  }
tec
execute0_lowered:
.L_overlay_start_1:
0x0: {  	(tag) =	ssettag $0x1  }
0x1: {  	s1 =	rddreg [dreg:$0x0]  }
0x2: {  	s0 =	rddreg [dreg:$0x1]  }
0x3: {  	s2 =	rddreg [dreg:$0x2]  }
0x4: {  	s3 =	srdreg.scid;
	s21 =	stileid.u32  }
0x5: {  	s4 =	simm.s32 $0x0;
	s7 =	sand.u32 $0x1, s3;
	s3 =	smul.u32 $0x14000, s21  }
0x6: {  	[smem:$0x7FF] =	sst s4;
	s5 =	sadd.s32 $0x2E00, s0;
	s18 =	smul.u32 $0x4EC0, s21  }
0x7: {  	s24 =	sshll.u32 s21, $0x1;
	s10 =	sadd.s32 $0x43C00, s0;
	s21 =	smul.u32 $0x50000, s21  }
0x8: {  	_ =	strace $0x8000004A;
	s6 =	ssub.s32 $0x2, s7;
	s9 =	sor.u32 s7, s24  }
0x9: {  	s8 =	sshrl.u32 s6, $0x1;
	s11 =	sor.u32 $0x2800, s3;
	s12 =	sadd.s32 $0x5000, s3  }
0xa: {  	s14 =	sadd.s32 $0x7800, s3;
	s15 =	sadd.s32 $0xA000, s3;
	s16 =	sadd.s32 $0xC800, s3  }
0xb: {  	s17 =	sadd.s32 $0xF000, s3;
	s6 =	ssub.s32 s6, s8;
	s30 =	sadd.s32 s14, s2  }
0xc: {  	s8 =	smul.u32 $0x2760, s9;
	s31 =	sadd.s32 s15, s2;
	[dreg:$0x1a] =	wrdreg s30  }
0xd: {  	s9 =	smul.u32 $0x140000, s7;
	s28 =	sadd.s32 s11, s2;
	[dreg:$0x1b] =	wrdreg s31  }
0xe: {  	s7 =	smul.u32 $0x2760, s7;
	s29 =	sadd.s32 s12, s2;
	[smem:$0x7FD] =	sst s28  }
0xf: {  	s13 =	sadd.s32 s9, s3;
	s19 =	sadd.s32 s9, s11;
	s26 =	sadd.s32 s9, s12  }
0x10: {  	s7 =	sadd.s32 s7, s18;
	s22 =	sadd.s32 s9, s14;
	s23 =	sadd.s32 s9, s15  }
0x11: {  	s13 =	sshrl.u32 s13, $0x3;
	s25 =	sshrl.u32 s19, $0x3;
	s20 =	sshrl.u32 s26, $0x3  }
0x12: {  	s18 =	sadd.s32 $0x190, s7;
	s19 =	sadd.s32 $0x11800, s3;
	s3 =	sadd.s32 s3, s2  }
0x13: {  	s24 =	sshrl.u32 s23, $0x3;
	s13 =	sadd.s32 s10, s13;
	[dreg:$0x17] =	wrdreg s3  }
0x14: {  	s26 =	sadd.s32 s9, s16;
	s3 =	sadd.s32 s17, s2;
	[dreg:$0x8] =	wrdreg s13  }
0x15: {  	s18 =	sshrl.u32 s18, $0x3;
	s13 =	sadd.s32 s10, s25;
	[dreg:$0x1d] =	wrdreg s3  }
0x16: {  	s25 =	sadd.s32 s18, s5;
	[dreg:$0x9] =	wrdreg s13;
	s13 =	sadd.s32 s10, s20  }
0x17: {  	[dreg:$0x4] =	wrdreg s25;
	s20 =	sadd.s32 s9, s17;
	s9 =	sadd.s32 s9, s19  }
0x18: {  	s25 =	sadd.s32 $0x140, s7;
	[dreg:$0xa] =	wrdreg s13;
	s13 =	sshrl.u32 s22, $0x3  }
0x19: {  	s23 =	sshrl.u32 s20, $0x3;
	s20 =	sshrl.u32 s25, $0x3;
	s25 =	smax.u32 s6, $0x1  }
0x1a: {  	s9 =	sshrl.u32 s9, $0x3;
	s13 =	sadd.s32 s10, s13;
	[dreg:$0x18] =	wrdreg s25  }
0x1b: {  	s8 =	sshrl.u32 s8, $0x3;
	s9 =	sadd.s32 s10, s9;
	[dreg:$0xb] =	wrdreg s13  }
0x1c: {  	s22 =	sshrl.u32 s26, $0x3;
	s26 =	sadd.s32 s20, s5;
	[dreg:$0xf] =	wrdreg s9  }
0x1d: {  	s11 =	simm.s32 $0xA0;
	s25 =	sadd.s32 s19, s2;
	[dreg:$0x6] =	wrdreg s26  }
0x1e: {  	s12 =	simm.s32 $0x190;
	s13 =	sadd.s32 s10, s24;
	[dreg:$0x1e] =	wrdreg s25  }
0x1f: {  	s14 =	simm.s32 $0x1;
	s24 =	sadd.s32 s10, s23;
	[dreg:$0xc] =	wrdreg s13  }
0x20: {  	s15 =	simm.s32 $0x4;
	s23 =	sadd.s32 s5, s8;
	[dreg:$0xe] =	wrdreg s24  }
0x21: {  	s17 =	simm.s32 $0x5;
	s26 =	sadd.s32 $0xF0, s7;
	[dreg:$0x14] =	wrdreg s23  }
0x22: {  	s6 =	simm.s32 $0x1E0;
	s13 =	sadd.s32 s10, s22;
	[dreg:$0x1f] =	wrdreg s26  }
0x23: {  	s19 =	simm.s32 $0x3;
	s26 =	simm.s32 $0x0;
	[dreg:$0xd] =	wrdreg s13  }
0x24: {  	s13 =	sadd.s32 $0x11E00, s0;
	s0 =	sadd.s32 $0x1BC00, s0;
	[smem:$0x7FC] =	sst s26  }
0x25: {  	s7 =	simm.s32 $0xA;
	s18 =	sadd.s32 s18, s13;
	[dreg:$0x10] =	wrdreg s0  }
0x26: {  	s9 =	simm.s32 $0x50;
	s10 =	sadd.s32 s20, s13;
	[dreg:$0x5] =	wrdreg s18  }
0x27: {  	s22 =	sadd.s32 s13, s8;
	[dreg:$0x7] =	wrdreg s10;
	s18 =	sadd.s32 $0xA, s8  }
0x28: {  	s23 =	simm.s32 $0x8;
	[dreg:$0x13] =	wrdreg s22;
	s20 =	sadd.s32 s13, s18  }
0x29: {  	s8 =	sadd.s32 $0x14, s8;
	s0 =	sadd.s32 s5, s18;
	[dreg:$0x11] =	wrdreg s20  }
0x2a: {  	s10 =	simm.s32 $0x140;
	s24 =	sadd.s32 s13, s8;
	[dreg:$0x12] =	wrdreg s0  }
0x2b: {  	s22 =	simm.s32 $0x7;
	s8 =	sadd.s32 s5, s8;
	[dreg:$0x15] =	wrdreg s24  }
0x2c: {  	s18 =	simm.s32 $0x29E0;
	[dreg:$0x16] =	wrdreg s8;
	s0 =	sshrl.u32 s21, $0x2  }
0x2d: {  	s8 =	simm.s32 $0xF0;
	s20 =	simm.s32 $0x6;
	s0 =	sadd.s32 s0, s2  }
0x2e: {  	s21 =	simm.s32 $0x51E0;
	[dreg:$0x19] =	wrdreg s0;
	s0 =	sadd.s32 s16, s2  }
0x2f: {  	s24 =	simm.s32 $0x9;
	s16 =	simm.s32 $0x2;
	[dreg:$0x1c] =	wrdreg s0  }
.LBB2_1:
0x30: {  	s26 =	rddreg [dreg:$0x10]  }
0x31: {  	[tilespmem:s6], [sflag:$0xA] =	stream.linear.gather [hbm4b:s26+s4], $0x2800, $0x38;
	[tilespmem:$0x1B9E0] =	vst v63  }
0x32: {  	_ =	swait.ge [sflag:s7], $0x2800  }
0x33: {  	[sflag:s7] =	ssyncset.done $0x0  }
0x34: {  	s26 =	rddreg [dreg:$0x19];
	[sflag:s7] =	ssyncadd.s32 $0xFFFFD800  }
0x35: {  	[spmem:s26] =	stream.linear.scatter [tilespmem:s6], [sflag:$0xA], $0x2800, $0x38;
	[tilespmem:$0x1B9E0] =	vst v63  }
0x36: {  	_ =	swait.ge [sflag:s7], $0x2800  }
0x37: {  	[sflag:s7] =	ssyncset.done $0x0  }
0x38: {  	[sflag:s7] =	ssyncadd.s32 $0xFFFFD800  }
0x39: {  	[spmem:s28] =	stream.linear.scatter [tilespmem:s6], [sflag:$0xA], $0x2800, $0x38;
	[tilespmem:$0x1B9E0] =	vst v63  }
0x3a: {  	_ =	swait.ge [sflag:s7], $0x2800  }
0x3b: {  	[sflag:s7] =	ssyncset.done $0x0  }
0x3c: {  	[sflag:s7] =	ssyncadd.s32 $0xFFFFD800  }
0x3d: {  	[spmem:s29] =	stream.linear.scatter [tilespmem:s6], [sflag:$0xA], $0x2800, $0x38;
	[tilespmem:$0x1B9E0] =	vst v63  }
0x3e: {  	_ =	swait.ge [sflag:s7], $0x2800  }
0x3f: {  	[sflag:s7] =	ssyncset.done $0x0  }
0x40: {  	[sflag:s7] =	ssyncadd.s32 $0xFFFFD800  }
0x41: {  	[spmem:s30] =	stream.linear.scatter [tilespmem:s6], [sflag:$0xA], $0x2800, $0x38;
	[tilespmem:$0x1B9E0] =	vst v63  }
0x42: {  	_ =	swait.ge [sflag:s7], $0x2800  }
0x43: {  	[sflag:s7] =	ssyncset.done $0x0  }
0x44: {  	[sflag:s7] =	ssyncadd.s32 $0xFFFFD800  }
0x45: {  	[spmem:s31] =	stream.linear.scatter [tilespmem:s6], [sflag:$0xA], $0x2800, $0x38;
	[tilespmem:$0x1B9E0] =	vst v63  }
0x46: {  	_ =	swait.ge [sflag:s7], $0x2800  }
0x47: {  	[sflag:s7] =	ssyncset.done $0x0  }
0x48: {  	s26 =	smov.u32 s0;
	[sflag:s7] =	ssyncadd.s32 $0xFFFFD800  }
0x49: {  	[spmem:s26] =	stream.linear.scatter [tilespmem:s6], [sflag:$0xA], $0x2800, $0x38;
	[tilespmem:$0x1B9E0] =	vst v63  }
0x4a: {  	_ =	swait.ge [sflag:s7], $0x2800  }
0x4b: {  	[sflag:s7] =	ssyncset.done $0x0  }
0x4c: {  	s0 =	smov.u32 s28;
	s28 =	smov.u32 s3;
	[sflag:s7] =	ssyncadd.s32 $0xFFFFD800  }
0x4d: {  	[spmem:s28] =	stream.linear.scatter [tilespmem:s6], [sflag:$0xA], $0x2800, $0x38;
	[tilespmem:$0x1B9E0] =	vst v63  }
0x4e: {  	_ =	swait.ge [sflag:s7], $0x2800  }
0x4f: {  	[sflag:s7] =	ssyncset.done $0x0  }
0x50: {  	[sflag:s7] =	ssyncadd.s32 $0xFFFFD800  }
0x51: {  	[spmem:s25] =	stream.linear.scatter [tilespmem:s6], [sflag:$0xA], $0x2800, $0x38;
	[tilespmem:$0x1B9E0] =	vst v63  }
0x52: {  	_ =	swait.ge [sflag:s7], $0x2800  }
0x53: {  	[sflag:s7] =	ssyncset.done $0x0  }
0x54: {  	[sflag:s7] =	ssyncadd.s32 $0xFFFFD800  }
0x55: {  	[bflag:$0x0] =	sbarrier.arrive $0xFFFF  }
0x56: {  	s30 =	rddreg [dreg:$0x13]  }
0x57: {  	[tilespmem:s4], [sflag:$0x1] =	stream.linear.gather [hbm4b:s30+s4], $0x50, $0x38;
	[tilespmem:$0x1B9E0] =	vst v63  }
0x58: {  	s31 =	rddreg [dreg:$0x14]  }
0x59: {  	[tilespmem:s8], [sflag:$0x4] =	stream.linear.gather [hbm4b:s31+s4], $0x50, $0x38;
	[tilespmem:$0x1B9E0] =	vst v63  }
0x5a: {  	s25 =	rddreg [dreg:$0x11]  }
0x5b: {  	[tilespmem:s9], [sflag:$0x2] =	stream.linear.gather [hbm4b:s25+s4], $0x50, $0x38;
	[tilespmem:$0x1B9E0] =	vst v63  }
0x5c: {  	s30 =	rddreg [dreg:$0x12]  }
0x5d: {  	[tilespmem:s10], [sflag:$0x5] =	stream.linear.gather [hbm4b:s30+s4], $0x50, $0x38;
	[tilespmem:$0x1B9E0] =	vst v63  }
0x5e: {  	s31 =	rddreg [dreg:$0x15]  }
0x5f: {  	[tilespmem:s11], [sflag:$0x3] =	stream.linear.gather [hbm4b:s31+s4], $0x50, $0x38;
	[tilespmem:$0x1B9E0] =	vst v63  }
0x60: {  	s25 =	rddreg [dreg:$0x16]  }
0x61: {  	[tilespmem:s12], [sflag:$0x6] =	stream.linear.gather [hbm4b:s25+s4], $0x50, $0x38;
	[tilespmem:$0x1B9E0] =	vst v63  }
0x62: {  	_ =	swait.ge [sflag:s14], $0x50  }
0x63: {  	[sflag:s14] =	ssyncset.done $0x0  }
0x64: {  	[sflag:s14] =	ssyncadd.s32 $0xFFFFFFB0  }
0x65: {  	_ =	swait.ge [sflag:s15], $0x50  }
0x66: {  	[sflag:s15] =	ssyncset.done $0x0  }
0x67: {  	[sflag:s15] =	ssyncadd.s32 $0xFFFFFFB0  }
0x68: {  	[tilespmem:s6], [sflag:$0x7] =	stream.indirect.gather [hbm4b:s1+s9], $0x80, s4, s9, $0xb8;
	[tilespmem:$0x1B9E0] =	vst v63  }
0x69: {  	_ =	swait.ge [sflag:s16], $0x50  }
0x6a: {  	[sflag:s16] =	ssyncset.done $0x0  }
0x6b: {  	[sflag:s16] =	ssyncadd.s32 $0xFFFFFFB0  }
0x6c: {  	_ =	swait.ge [sflag:s17], $0x50  }
0x6d: {  	[sflag:s17] =	ssyncset.done $0x0  }
0x6e: {  	[sflag:s17] =	ssyncadd.s32 $0xFFFFFFB0  }
0x6f: {  	[tilespmem:s18], [sflag:$0x8] =	stream.indirect.gather [hbm4b:s1+s9], $0x80, s9, s9, $0xb8;
	[tilespmem:$0x1B9E0] =	vst v63  }
0x70: {  	_ =	swait.ge [sflag:s19], $0x50  }
0x71: {  	[sflag:s19] =	ssyncset.done $0x0  }
0x72: {  	[sflag:s19] =	ssyncadd.s32 $0xFFFFFFB0  }
0x73: {  	_ =	swait.ge [sflag:s20], $0x50  }
0x74: {  	[sflag:s20] =	ssyncset.done $0x0  }
0x75: {  	[sflag:s20] =	ssyncadd.s32 $0xFFFFFFB0  }
0x76: {  	[tilespmem:s21], [sflag:$0x9] =	stream.indirect.gather [hbm4b:s1+s9], $0x80, s11, s9, $0xb8;
	[tilespmem:$0x1B9E0] =	vst v63  }
0x77: {  	_ =	swait.ge [sflag:s22], $0x2800  }
0x78: {  	[sflag:s22] =	ssyncset.done $0x0  }
0x79: {  	[sflag:s22] =	ssyncadd.s32 $0xFFFFD800  }
0x7a: {  	[spmem:s2] =	stream.indirect.scatter.add.f32 [tilespmem:s6], [sflag:$0xA], $0x80, s8, s9, $0xb8;
	[tilespmem:$0x1B9E0] =	vst v63  }
0x7b: {  	_ =	swait.ge [sflag:s7], $0x2800  }
0x7c: {  	s25 =	rddreg [dreg:$0x1f]  }
0x7d: {  	[sflag:s7] =	ssyncset.done $0x0;
	s30 =	sshrl.u32 s25, $0x3  }
0x7e: {  	[sflag:s7] =	ssyncadd.s32 $0xFFFFD800;
	s28 =	sadd.s32 s13, s30  }
0x7f: {  	[tilespmem:s4], [sflag:$0x1] =	stream.linear.gather [hbm4b:s28+s4], $0x50, $0x38;
	[tilespmem:$0x1B9E0] =	vst v63  }
0x80: {  	s26 =	sadd.s32 s5, s30  }
0x81: {  	[tilespmem:s8], [sflag:$0x4] =	stream.linear.gather [hbm4b:s26+s4], $0x50, $0x38;
	[tilespmem:$0x1B9E0] =	vst v63  }
0x82: {  	_ =	swait.ge [sflag:s14], $0x50  }
0x83: {  	[sflag:s14] =	ssyncset.done $0x0  }
0x84: {  	[sflag:s14] =	ssyncadd.s32 $0xFFFFFFB0  }
0x85: {  	_ =	swait.ge [sflag:s15], $0x50  }
0x86: {  	[sflag:s15] =	ssyncset.done $0x0  }
0x87: {  	[sflag:s15] =	ssyncadd.s32 $0xFFFFFFB0  }
0x88: {  	[tilespmem:s6], [sflag:$0x7] =	stream.indirect.gather [hbm4b:s1+s9], $0x80, s4, s9, $0xb8;
	[tilespmem:$0x1B9E0] =	vst v63  }
0x89: {  	_ =	swait.ge [sflag:s23], $0x2800  }
0x8a: {  	[sflag:s23] =	ssyncset.done $0x0  }
0x8b: {  	[sflag:s23] =	ssyncadd.s32 $0xFFFFD800  }
0x8c: {  	[spmem:s2] =	stream.indirect.scatter.add.f32 [tilespmem:s18], [sflag:$0xA], $0x80, s10, s9, $0xb8;
	[tilespmem:$0x1B9E0] =	vst v63  }
0x8d: {  	_ =	swait.ge [sflag:s7], $0x2800  }
0x8e: {  	s31 =	rddreg [dreg:$0x7];
	[sflag:s7] =	ssyncset.done $0x0  }
0x8f: {  	s28 =	rddreg [dreg:$0x6];
	[sflag:s7] =	ssyncadd.s32 $0xFFFFD800;
	s26 =	sadd.s32 $0x0, s31  }
0x90: {  	[tilespmem:s9], [sflag:$0x2] =	stream.linear.gather [hbm4b:s26+s4], $0x50, $0x38;
	[tilespmem:$0x1B9E0] =	vst v63  }
0x91: {  	s30 =	sadd.s32 $0x0, s28  }
0x92: {  	[tilespmem:s10], [sflag:$0x5] =	stream.linear.gather [hbm4b:s30+s4], $0x50, $0x38;
	[tilespmem:$0x1B9E0] =	vst v63  }
0x93: {  	_ =	swait.ge [sflag:s16], $0x50  }
0x94: {  	[sflag:s16] =	ssyncset.done $0x0  }
0x95: {  	[sflag:s16] =	ssyncadd.s32 $0xFFFFFFB0  }
0x96: {  	_ =	swait.ge [sflag:s17], $0x50  }
0x97: {  	[sflag:s17] =	ssyncset.done $0x0  }
0x98: {  	[sflag:s17] =	ssyncadd.s32 $0xFFFFFFB0  }
0x99: {  	[tilespmem:s18], [sflag:$0x8] =	stream.indirect.gather [hbm4b:s1+s9], $0x80, s9, s9, $0xb8;
	[tilespmem:$0x1B9E0] =	vst v63  }
0x9a: {  	_ =	swait.ge [sflag:s24], $0x2800  }
0x9b: {  	[sflag:s24] =	ssyncset.done $0x0  }
0x9c: {  	[sflag:s24] =	ssyncadd.s32 $0xFFFFD800  }
0x9d: {  	[spmem:s2] =	stream.indirect.scatter.add.f32 [tilespmem:s21], [sflag:$0xA], $0x80, s12, s9, $0xb8;
	[tilespmem:$0x1B9E0] =	vst v63  }
0x9e: {  	_ =	swait.ge [sflag:s7], $0x2800  }
0x9f: {  	s3 =	smov.u32 s29;
	s31 =	rddreg [dreg:$0x5];
	[sflag:s7] =	ssyncset.done $0x0  }
0xa0: {  	s28 =	rddreg [dreg:$0x4];
	[sflag:s7] =	ssyncadd.s32 $0xFFFFD800;
	s26 =	sadd.s32 $0x0, s31  }
0xa1: {  	[tilespmem:s11], [sflag:$0x3] =	stream.linear.gather [hbm4b:s26+s4], $0x50, $0x38;
	[tilespmem:$0x1B9E0] =	vst v63  }
0xa2: {  	s29 =	sadd.s32 $0x0, s28;
	s28 =	sadd.s32 $0xF0, s25;
	s26 =	simm.s32 $0x1E  }
.LBB2_2:
0xa3: {  	[tilespmem:s12], [sflag:$0x6] =	stream.linear.gather [hbm4b:s29+s4], $0x50, $0x38;
	[tilespmem:$0x1B9E0] =	vst v63  }
0xa4: {  	_ =	swait.ge [sflag:s19], $0x50  }
0xa5: {  	[sflag:s19] =	ssyncset.done $0x0  }
0xa6: {  	[sflag:s19] =	ssyncadd.s32 $0xFFFFFFB0  }
0xa7: {  	_ =	swait.ge [sflag:s20], $0x50  }
0xa8: {  	[sflag:s20] =	ssyncset.done $0x0  }
0xa9: {  	[sflag:s20] =	ssyncadd.s32 $0xFFFFFFB0  }
0xaa: {  	[tilespmem:s21], [sflag:$0x9] =	stream.indirect.gather [hbm4b:s1+s9], $0x80, s11, s9, $0xb8;
	[tilespmem:$0x1B9E0] =	vst v63  }
0xab: {  	_ =	swait.ge [sflag:s22], $0x2800  }
0xac: {  	[sflag:s22] =	ssyncset.done $0x0  }
0xad: {  	[sflag:s22] =	ssyncadd.s32 $0xFFFFD800  }
0xae: {  	[spmem:s2] =	stream.indirect.scatter.add.f32 [tilespmem:s6], [sflag:$0xA], $0x80, s8, s9, $0xb8;
	[tilespmem:$0x1B9E0] =	vst v63  }
0xaf: {  	_ =	swait.ge [sflag:s7], $0x2800  }
0xb0: {  	s30 =	sshrl.u32 s28, $0x3;
	[sflag:s7] =	ssyncset.done $0x0  }
0xb1: {  	s31 =	sadd.s32 s13, s30;
	[sflag:s7] =	ssyncadd.s32 $0xFFFFD800  }
0xb2: {  	[tilespmem:s4], [sflag:$0x1] =	stream.linear.gather [hbm4b:s31+s4], $0x50, $0x38;
	[tilespmem:$0x1B9E0] =	vst v63  }
0xb3: {  	s30 =	sadd.s32 s5, s30  }
0xb4: {  	[tilespmem:s8], [sflag:$0x4] =	stream.linear.gather [hbm4b:s30+s4], $0x50, $0x38;
	[tilespmem:$0x1B9E0] =	vst v63  }
0xb5: {  	_ =	swait.ge [sflag:s14], $0x50  }
0xb6: {  	[sflag:s14] =	ssyncset.done $0x0  }
0xb7: {  	[sflag:s14] =	ssyncadd.s32 $0xFFFFFFB0  }
0xb8: {  	_ =	swait.ge [sflag:s15], $0x50  }
0xb9: {  	[sflag:s15] =	ssyncset.done $0x0  }
0xba: {  	[sflag:s15] =	ssyncadd.s32 $0xFFFFFFB0  }
0xbb: {  	[tilespmem:s6], [sflag:$0x7] =	stream.indirect.gather [hbm4b:s1+s9], $0x80, s4, s9, $0xb8;
	[tilespmem:$0x1B9E0] =	vst v63  }
0xbc: {  	_ =	swait.ge [sflag:s23], $0x2800  }
0xbd: {  	[sflag:s23] =	ssyncset.done $0x0  }
0xbe: {  	[sflag:s23] =	ssyncadd.s32 $0xFFFFD800  }
0xbf: {  	[spmem:s2] =	stream.indirect.scatter.add.f32 [tilespmem:s18], [sflag:$0xA], $0x80, s10, s9, $0xb8;
	[tilespmem:$0x1B9E0] =	vst v63  }
0xc0: {  	_ =	swait.ge [sflag:s7], $0x2800  }
0xc1: {  	s29 =	smov.u32 s26;
	s30 =	rddreg [dreg:$0x7];
	[sflag:s7] =	ssyncset.done $0x0  }
0xc2: {  	s25 =	rddreg [dreg:$0x6];
	[sflag:s7] =	ssyncadd.s32 $0xFFFFD800;
	s30 =	sadd.s32 s29, s30  }
0xc3: {  	[tilespmem:s9], [sflag:$0x2] =	stream.linear.gather [hbm4b:s30+s4], $0x50, $0x38;
	[tilespmem:$0x1B9E0] =	vst v63  }
0xc4: {  	s31 =	sadd.s32 s29, s25  }
0xc5: {  	[tilespmem:s10], [sflag:$0x5] =	stream.linear.gather [hbm4b:s31+s4], $0x50, $0x38;
	[tilespmem:$0x1B9E0] =	vst v63  }
0xc6: {  	_ =	swait.ge [sflag:s16], $0x50  }
0xc7: {  	[sflag:s16] =	ssyncset.done $0x0  }
0xc8: {  	[sflag:s16] =	ssyncadd.s32 $0xFFFFFFB0  }
0xc9: {  	_ =	swait.ge [sflag:s17], $0x50  }
0xca: {  	[sflag:s17] =	ssyncset.done $0x0  }
0xcb: {  	[sflag:s17] =	ssyncadd.s32 $0xFFFFFFB0  }
0xcc: {  	[tilespmem:s18], [sflag:$0x8] =	stream.indirect.gather [hbm4b:s1+s9], $0x80, s9, s9, $0xb8;
	[tilespmem:$0x1B9E0] =	vst v63  }
0xcd: {  	_ =	swait.ge [sflag:s24], $0x2800  }
0xce: {  	[sflag:s24] =	ssyncset.done $0x0  }
0xcf: {  	p0 =	sne.s32 s26, $0x4B0;
	[sflag:s24] =	ssyncadd.s32 $0xFFFFD800  }
0xd0: {  	[spmem:s2] =	stream.indirect.scatter.add.f32 [tilespmem:s21], [sflag:$0xA], $0x80, s12, s9, $0xb8;
	[tilespmem:$0x1B9E0] =	vst v63  }
.Ltmp0:
0xd1: {  	_ =	swait.ge [sflag:s7], $0x2800;
	(pc) =	sbr.rel @p0 .LBB2_2-.Ltmp0, $4  }
0xd2: {  	s26 =	sadd.s32 $0x1E, s26;
	s30 =	rddreg [dreg:$0x5]  }
0xd3: {  	s28 =	sadd.s32 $0xF0, s28;
	s25 =	rddreg [dreg:$0x4];
	[sflag:s7] =	ssyncset.done $0x0  }
0xd4: {  	[sflag:s7] =	ssyncadd.s32 $0xFFFFD800;
	s30 =	sadd.s32 s29, s30;
	s29 =	sadd.s32 s29, s25  }
0xd5: {  	[tilespmem:s11], [sflag:$0x3] =	stream.linear.gather [hbm4b:s30+s4], $0x50, $0x38;
	[tilespmem:$0x1B9E0] =	vst v63  }
0xd6: {  	[tilespmem:s12], [sflag:$0x6] =	stream.linear.gather [hbm4b:s29+s4], $0x50, $0x38;
	[tilespmem:$0x1B9E0] =	vst v63  }
0xd7: {  	_ =	swait.ge [sflag:s19], $0x50  }
0xd8: {  	[sflag:s19] =	ssyncset.done $0x0  }
0xd9: {  	[sflag:s19] =	ssyncadd.s32 $0xFFFFFFB0  }
0xda: {  	_ =	swait.ge [sflag:s20], $0x50  }
0xdb: {  	[sflag:s20] =	ssyncset.done $0x0  }
0xdc: {  	[sflag:s20] =	ssyncadd.s32 $0xFFFFFFB0  }
0xdd: {  	[tilespmem:s21], [sflag:$0x9] =	stream.indirect.gather [hbm4b:s1+s9], $0x80, s11, s9, $0xb8;
	[tilespmem:$0x1B9E0] =	vst v63  }
0xde: {  	_ =	swait.ge [sflag:s22], $0x2800  }
0xdf: {  	[sflag:s22] =	ssyncset.done $0x0  }
0xe0: {  	[sflag:s22] =	ssyncadd.s32 $0xFFFFD800  }
0xe1: {  	[spmem:s2] =	stream.indirect.scatter.add.f32 [tilespmem:s6], [sflag:$0xA], $0x80, s8, s9, $0xb8;
	[tilespmem:$0x1B9E0] =	vst v63  }
0xe2: {  	_ =	swait.ge [sflag:s7], $0x2800  }
0xe3: {  	[sflag:s7] =	ssyncset.done $0x0  }
0xe4: {  	[sflag:s7] =	ssyncadd.s32 $0xFFFFD800  }
0xe5: {  	_ =	swait.ge [sflag:s23], $0x2800  }
0xe6: {  	[sflag:s23] =	ssyncset.done $0x0  }
0xe7: {  	[sflag:s23] =	ssyncadd.s32 $0xFFFFD800  }
0xe8: {  	[spmem:s2] =	stream.indirect.scatter.add.f32 [tilespmem:s18], [sflag:$0xA], $0x80, s10, s9, $0xb8;
	[tilespmem:$0x1B9E0] =	vst v63  }
0xe9: {  	_ =	swait.ge [sflag:s7], $0x2800  }
0xea: {  	[sflag:s7] =	ssyncset.done $0x0  }
0xeb: {  	[sflag:s7] =	ssyncadd.s32 $0xFFFFD800  }
0xec: {  	_ =	swait.ge [sflag:s24], $0x2800  }
0xed: {  	[sflag:s24] =	ssyncset.done $0x0  }
0xee: {  	[sflag:s24] =	ssyncadd.s32 $0xFFFFD800  }
0xef: {  	[spmem:s2] =	stream.indirect.scatter.add.f32 [tilespmem:s21], [sflag:$0xA], $0x80, s12, s9, $0xb8;
	[tilespmem:$0x1B9E0] =	vst v63  }
0xf0: {  	_ =	swait.ge [sflag:s7], $0x2800  }
0xf1: {  	[sflag:s7] =	ssyncset.done $0x0  }
0xf2: {  	[sflag:s7] =	ssyncadd.s32 $0xFFFFD800  }
0xf3: {  	[bflag:$0x0] =	sbarrier.arrive $0xFFFF  }
0xf4: {  	s26 =	rddreg [dreg:$0x17]  }
0xf5: {  	[tilespmem:s6], [sflag:$0xA] =	stream.linear.gather [spmem:s26], $0x2800, $0x38;
	[tilespmem:$0x1B9E0] =	vst v63  }
0xf6: {  	_ =	swait.ge [sflag:s7], $0x2800  }
0xf7: {  	[sflag:s7] =	ssyncset.done $0x0  }
0xf8: {  	s25 =	rddreg [dreg:$0x8];
	[sflag:s7] =	ssyncadd.s32 $0xFFFFD800  }
0xf9: {  	[hbm4b:s25+s4] =	stream.linear.scatter [tilespmem:s6], [sflag:$0xA], $0x2800, $0x38;
	[tilespmem:$0x1B9E0] =	vst v63  }
0xfa: {  	_ =	swait.ge [sflag:s7], $0x2800  }
0xfb: {  	[sflag:s7] =	ssyncset.done $0x0  }
0xfc: {  	[sflag:s7] =	ssyncadd.s32 $0xFFFFD800  }
0xfd: {  	[tilespmem:s6], [sflag:$0xA] =	stream.linear.gather [spmem:s0], $0x2800, $0x38;
	[tilespmem:$0x1B9E0] =	vst v63  }
0xfe: {  	_ =	swait.ge [sflag:s7], $0x2800  }
0xff: {  	[sflag:s7] =	ssyncset.done $0x0  }
0x100: {  	s0 =	rddreg [dreg:$0x9];
	[sflag:s7] =	ssyncadd.s32 $0xFFFFD800  }
0x101: {  	[hbm4b:s0+s4] =	stream.linear.scatter [tilespmem:s6], [sflag:$0xA], $0x2800, $0x38;
	[tilespmem:$0x1B9E0] =	vst v63  }
0x102: {  	_ =	swait.ge [sflag:s7], $0x2800  }
0x103: {  	[sflag:s7] =	ssyncset.done $0x0  }
0x104: {  	[sflag:s7] =	ssyncadd.s32 $0xFFFFD800  }
0x105: {  	[tilespmem:s6], [sflag:$0xA] =	stream.linear.gather [spmem:s3], $0x2800, $0x38;
	[tilespmem:$0x1B9E0] =	vst v63  }
0x106: {  	_ =	swait.ge [sflag:s7], $0x2800  }
0x107: {  	[sflag:s7] =	ssyncset.done $0x0  }
0x108: {  	s29 =	smov.u32 s3;
	s3 =	rddreg [dreg:$0xa];
	[sflag:s7] =	ssyncadd.s32 $0xFFFFD800  }
0x109: {  	[hbm4b:s3+s4] =	stream.linear.scatter [tilespmem:s6], [sflag:$0xA], $0x2800, $0x38;
	[tilespmem:$0x1B9E0] =	vst v63  }
0x10a: {  	_ =	swait.ge [sflag:s7], $0x2800  }
0x10b: {  	[sflag:s7] =	ssyncset.done $0x0  }
0x10c: {  	s30 =	rddreg [dreg:$0x1a];
	[sflag:s7] =	ssyncadd.s32 $0xFFFFD800  }
0x10d: {  	[tilespmem:s6], [sflag:$0xA] =	stream.linear.gather [spmem:s30], $0x2800, $0x38;
	[tilespmem:$0x1B9E0] =	vst v63  }
0x10e: {  	_ =	swait.ge [sflag:s7], $0x2800  }
0x10f: {  	[sflag:s7] =	ssyncset.done $0x0  }
0x110: {  	s25 =	rddreg [dreg:$0xb];
	[sflag:s7] =	ssyncadd.s32 $0xFFFFD800  }
0x111: {  	[hbm4b:s25+s4] =	stream.linear.scatter [tilespmem:s6], [sflag:$0xA], $0x2800, $0x38;
	[tilespmem:$0x1B9E0] =	vst v63  }
0x112: {  	_ =	swait.ge [sflag:s7], $0x2800  }
0x113: {  	[sflag:s7] =	ssyncset.done $0x0  }
0x114: {  	s31 =	rddreg [dreg:$0x1b];
	[sflag:s7] =	ssyncadd.s32 $0xFFFFD800  }
0x115: {  	[tilespmem:s6], [sflag:$0xA] =	stream.linear.gather [spmem:s31], $0x2800, $0x38;
	[tilespmem:$0x1B9E0] =	vst v63  }
0x116: {  	_ =	swait.ge [sflag:s7], $0x2800  }
0x117: {  	[sflag:s7] =	ssyncset.done $0x0  }
0x118: {  	s0 =	rddreg [dreg:$0xc];
	[sflag:s7] =	ssyncadd.s32 $0xFFFFD800  }
0x119: {  	[hbm4b:s0+s4] =	stream.linear.scatter [tilespmem:s6], [sflag:$0xA], $0x2800, $0x38;
	[tilespmem:$0x1B9E0] =	vst v63  }
0x11a: {  	_ =	swait.ge [sflag:s7], $0x2800  }
0x11b: {  	[sflag:s7] =	ssyncset.done $0x0  }
0x11c: {  	s0 =	rddreg [dreg:$0x1c];
	[sflag:s7] =	ssyncadd.s32 $0xFFFFD800  }
0x11d: {  	[tilespmem:s6], [sflag:$0xA] =	stream.linear.gather [spmem:s0], $0x2800, $0x38;
	[tilespmem:$0x1B9E0] =	vst v63  }
0x11e: {  	_ =	swait.ge [sflag:s7], $0x2800  }
0x11f: {  	[sflag:s7] =	ssyncset.done $0x0  }
0x120: {  	s3 =	rddreg [dreg:$0xd];
	[sflag:s7] =	ssyncadd.s32 $0xFFFFD800  }
0x121: {  	[hbm4b:s3+s4] =	stream.linear.scatter [tilespmem:s6], [sflag:$0xA], $0x2800, $0x38;
	[tilespmem:$0x1B9E0] =	vst v63  }
0x122: {  	_ =	swait.ge [sflag:s7], $0x2800  }
0x123: {  	[sflag:s7] =	ssyncset.done $0x0  }
0x124: {  	s3 =	rddreg [dreg:$0x1d];
	[sflag:s7] =	ssyncadd.s32 $0xFFFFD800  }
0x125: {  	[tilespmem:s6], [sflag:$0xA] =	stream.linear.gather [spmem:s3], $0x2800, $0x38;
	[tilespmem:$0x1B9E0] =	vst v63  }
0x126: {  	_ =	swait.ge [sflag:s7], $0x2800  }
0x127: {  	[sflag:s7] =	ssyncset.done $0x0  }
0x128: {  	s25 =	rddreg [dreg:$0xe];
	[sflag:s7] =	ssyncadd.s32 $0xFFFFD800  }
0x129: {  	[hbm4b:s25+s4] =	stream.linear.scatter [tilespmem:s6], [sflag:$0xA], $0x2800, $0x38;
	[tilespmem:$0x1B9E0] =	vst v63  }
0x12a: {  	_ =	swait.ge [sflag:s7], $0x2800  }
0x12b: {  	[sflag:s7] =	ssyncset.done $0x0  }
0x12c: {  	s25 =	rddreg [dreg:$0x1e];
	[sflag:s7] =	ssyncadd.s32 $0xFFFFD800  }
0x12d: {  	[tilespmem:s6], [sflag:$0xA] =	stream.linear.gather [spmem:s25], $0x2800, $0x38;
	[tilespmem:$0x1B9E0] =	vst v63  }
0x12e: {  	_ =	swait.ge [sflag:s7], $0x2800  }
0x12f: {  	[sflag:s7] =	ssyncset.done $0x0  }
0x130: {  	s26 =	rddreg [dreg:$0xf];
	[sflag:s7] =	ssyncadd.s32 $0xFFFFD800  }
0x131: {  	[hbm4b:s26+s4] =	stream.linear.scatter [tilespmem:s6], [sflag:$0xA], $0x2800, $0x38;
	[tilespmem:$0x1B9E0] =	vst v63  }
0x132: {  	_ =	swait.ge [sflag:s7], $0x2800  }
0x133: {  	s28 =	sld [smem:$0x7FC];
	_ =	sdelay $0x2  }
0x134: {  	s26 =	rddreg [dreg:$0x18];
	s28 =	sadd.s32 $0x1, s28  }
0x135: {  	p0 =	sne.s32 s28, s26  }
.Ltmp1:
0x136: {  	_ = 	snop;
	(pc) =	sbr.rel @p0 .LBB2_1-.Ltmp1, $3  }
0x137: {  	_ =	sdelay $0x1  }
0x138: {  	[sflag:s7] =	ssyncset.done $0x0;
	[smem:$0x7FC] =	sst s28  }
0x139: {  	[sflag:s7] =	ssyncadd.s32 $0xFFFFD800;
	s28 =	sld [smem:$0x7FD]  }
0x13a: {  	_ =	sfence.sel $0x180000  }
0x13b: {  	[bflag:$0x0] =	sbarrier.arrive $0xFFFF  }
0x13c: {  	_ =	strace $0x9000004A  }
0x13d: {  	s0 =	stileid.u32;
	[bflag:$0x2] =	sbarrier.arrive $0xFFFF  }
0x13e: {  	p0 =	sne.s32 s0, $0x0;
	s0 =	rddreg [dreg:$0x3]  }
0x13f: {  	s0 =	sadd.s32 @!p0 $0x100000, s0  }
0x140: {  	[sflag:s0] =	ssyncadd.tile.s32 @!p0 $0x1;
	_ =	shalt  }
.Lfunc_end2:
_tile_overlayer_lowered:
.L_overlay_start_2:
0x141: {  	(tag) =	ssettag $0x2  }
0x142: {  	s0 =	rddreg [dreg:$0x0];
	s2 =	stileid.u32  }
0x143: {  	s1 =	rddreg [dreg:$0x1];
	p0 =	sne.s32 s2, $0x0  }
0x144: {  	s3 =	rddreg [dreg:$0x2];
	[bflag:$0x3] =	sbarrier.arrive $0xFFFF;
	s2 =	simm.s32 @!p0 $0x1C0A  }
0x145: {  	[timem:s3], [sflag:s2] =	dma.local @!p0 [hbm:s0], s1  }
0x146: {  	s0 =	simm.s32 @!p0 $0xA  }
0x147: {  	_ =	swait.ge @!p0 [sflag:s0], s1  }
0x148: {  	s1 =	ssub.s32 @!p0 $0x0, s1;
	[sflag:s0] =	ssyncset.done @!p0 $0x0  }
0x149: {  	[sflag:s0] =	ssyncadd.s32 @!p0 s1  }
0x14a: {  	[bflag:$0x3] =	sbarrier.arrive $0xFFFF  }
0x14b: {  	_ =	shalt  }

// kernel: kernel.13.cloned.1.call-start
scs
__scs_entry_jumppad:
0x0: {  	(pc) =	sbr.rel $0x88, $3  }
0x1: {  	(tag) =	ssettag $0x0;
	lr =	simm.s32 $0x1  }
0x2: {  	[smem:$0x3F97] =	sst lr;
	_ =	strace $0xD0000000  }
0x3: {  	_ = 	snop  }
0x4: {  	_ = 	snop  }
0x5: {  	_ = 	snop  }
0x6: {  	_ = 	snop  }
0x7: {  	_ = 	snop  }
__scs_overlays_trampoline_lowered:
0x8: {  	[smem:$0x3FA6] =	sst s0  }
0x9: {  	[smem:$0x3FA7] =	sst s1  }
0xa: {  	[smem:$0x3FA8] =	sst s2  }
0xb: {  	[smem:$0x3FA9] =	sst s3  }
0xc: {  	[smem:$0x3FAA] =	sst s4  }
0xd: {  	[smem:$0x3FAB] =	sst s5  }
0xe: {  	[smem:$0x3FAC] =	sst s6  }
0xf: {  	[smem:$0x3FAD] =	sst s7  }
0x10: {  	[smem:$0x3FAE] =	sst s8  }
0x11: {  	[smem:$0x3FAF] =	sst s9;
	s0 =	simm.s32 @!p0 $0x0  }
0x12: {  	s1 =	sld [smem:$0x3F95];
	s0 =	simm.s32 @p0 $0x1  }
0x13: {  	[smem:$0x3FB0] =	sst s0;
	s0 =	simm.s32 @!p1 $0x0  }
0x14: {  	s2 =	sld [smem:$0x3F94];
	s0 =	simm.s32 @p1 $0x1  }
0x15: {  	[smem:$0x3FB1] =	sst s0;
	s0 =	simm.s32 @!p2 $0x0  }
0x16: {  	s3 =	sld [smem:$0x3FDB];
	s0 =	simm.s32 @p2 $0x1  }
0x17: {  	s4 =	simm.s32 $0x1BF5;
	[smem:$0x3FB3] =	sst s0  }
0x18: {  	s0 =	sld [smem:$0x3F96];
	_ =	swait.ge [sflag:s4], $0x0  }
0x19: {  	s7 =	sld [smem:$0x3F97]  }
0x1a: {  	s8 =	sadd.s32 $0xFFFFE003, lr  }
0x1b: {  	s9 =	sadd.s32 $0xFFFFFEF7, lr;
	s5 =	simm.s32 $0xFFFFFFFF;
	p2 =	slt.u32 s8, $0xFFFFF086  }
0x1c: {  	p1 =	slt.u32 s9, $0xF7A;
	s5 =	simm.s32 @!p2 $0x0  }
0x1d: {  	s5 =	simm.s32 @p1 $0x1;
	p0 =	seq.s32 s7, s2  }
0x1e: {  	s7 =	smul.u32 @!p0 $0xF7A, s2;
	p2 =	seq.s32 @!p0 s5, $0x0  }
0x1f: {  	s9 =	smul.u32 $0xF7A, s1;
	s8 =	simm.s32 @!p0 $0x1BF5;
	p2 =	por !p2, p0  }
0x20: {  	[sflag:s8] =	ssyncset.s32 @!p0 $0xFFFFF086;
	s6 =	sadd.s32 @!p0 s3, s7;
	s7 =	simm.s32 @!p0 $0x108  }
0x21: {  	s3 =	sadd.s32 s3, s9;
	s6 =	sadd.s32 @!p0 $0x88, s6;
	s7 =	simm.s32 @p2 $0x1082  }
0x22: {  	[simem:s7], [sflag:s8] =	dma.local @!p0 [hbm:s6], $0xF7A  }
0x23: {  	s9 =	sor.u32 $0xD0000000, s2;
	s6 =	simm.s32 $0x108;
	_ =	swait.ge @!p0 [sflag:s8], $0x0  }
0x24: {  	s3 =	sadd.s32 $0x88, s3;
	s6 =	simm.s32 @!p1 $0x1082;
	[sflag:s4] =	ssyncset.s32 $0xFFFFF086  }
0x25: {  	[simem:s6], [sflag:s4] =	dma.local [hbm:s3], $0xF7A  }
0x26: {  	[smem:$0x3F97] =	sst s1;
	(tag) =	ssettag s2;
	_ =	strace s9  }
0x27: {  	s1 =	sld [smem:$0x3FA7]  }
0x28: {  	s2 =	sld [smem:$0x3FA8]  }
0x29: {  	s4 =	sld [smem:$0x3FAA]  }
0x2a: {  	p0 =	seq.s32 s5, $0x0;
	s5 =	sld [smem:$0x3FAB]  }
0x2b: {  	s6 =	sld [smem:$0x3FAC]  }
0x2c: {  	s7 =	sld [smem:$0x3FAD]  }
0x2d: {  	s3 =	simm.s32 $0x108;
	s8 =	sld [smem:$0x3FAE]  }
0x2e: {  	s3 =	simm.s32 @!p0 $0x1082;
	s9 =	sld [smem:$0x3FAF]  }
0x2f: {  	lr =	sadd.s32 s0, s3;
	s0 =	sld [smem:$0x3FA6]  }
0x30: {  	s3 =	sld [smem:$0x3FA9]  }
0x31: {  	[smem:$0x3FB2] =	sst s10  }
0x32: {  	s10 =	sld [smem:$0x3FB0];
	_ =	sdelay $0x3  }
0x33: {  	p0 =	seq.s32 s10, $0x1;
	s10 =	sld [smem:$0x3FB2];
	_ =	sdelay $0x3  }
0x34: {  	[smem:$0x3FB2] =	sst s10  }
0x35: {  	s10 =	sld [smem:$0x3FB1];
	_ =	sdelay $0x3  }
0x36: {  	p1 =	seq.s32 s10, $0x1;
	s10 =	sld [smem:$0x3FB2];
	_ =	sdelay $0x3  }
0x37: {  	[smem:$0x3FB2] =	sst s10  }
0x38: {  	s10 =	sld [smem:$0x3FB3]  }
0x39: {  	_ = 	snop;
	(pc) =	sbr.ind lr, $3  }
0x3a: {  	_ = 	snop  }
0x3b: {  	_ = 	snop  }
0x3c: {  	p2 =	seq.s32 s10, $0x1;
	s10 =	sld [smem:$0x3FB2]  }
0x3d: {  	_ =	shalt  }
0x3e: {  	_ =	shalt  }
0x3f: {  	_ =	shalt  }
0x40: {  	_ =	shalt  }
0x41: {  	_ =	shalt  }
0x42: {  	_ =	shalt  }
0x43: {  	_ =	shalt  }
0x44: {  	_ =	shalt  }
0x45: {  	_ =	shalt  }
0x46: {  	_ =	shalt  }
0x47: {  	_ =	shalt  }
0x48: {  	_ =	shalt  }
0x49: {  	_ =	shalt  }
0x4a: {  	_ =	shalt  }
0x4b: {  	_ =	shalt  }
0x4c: {  	_ =	shalt  }
0x4d: {  	_ =	shalt  }
0x4e: {  	_ =	shalt  }
0x4f: {  	_ =	shalt  }
0x50: {  	_ =	shalt  }
0x51: {  	_ =	shalt  }
0x52: {  	_ =	shalt  }
0x53: {  	_ =	shalt  }
0x54: {  	_ =	shalt  }
0x55: {  	_ =	shalt  }
0x56: {  	_ =	shalt  }
0x57: {  	_ =	shalt  }
0x58: {  	_ =	shalt  }
0x59: {  	_ =	shalt  }
0x5a: {  	_ =	shalt  }
0x5b: {  	_ =	shalt  }
0x5c: {  	_ =	shalt  }
0x5d: {  	_ =	shalt  }
0x5e: {  	_ =	shalt  }
0x5f: {  	_ =	shalt  }
0x60: {  	_ =	shalt  }
0x61: {  	_ =	shalt  }
0x62: {  	_ =	shalt  }
0x63: {  	_ =	shalt  }
0x64: {  	_ =	shalt  }
0x65: {  	_ =	shalt  }
0x66: {  	_ =	shalt  }
0x67: {  	_ =	shalt  }
0x68: {  	_ =	shalt  }
0x69: {  	_ =	shalt  }
0x6a: {  	_ =	shalt  }
0x6b: {  	_ =	shalt  }
0x6c: {  	_ =	shalt  }
0x6d: {  	_ =	shalt  }
0x6e: {  	_ =	shalt  }
0x6f: {  	_ =	shalt  }
0x70: {  	_ =	shalt  }
0x71: {  	_ =	shalt  }
0x72: {  	_ =	shalt  }
0x73: {  	_ =	shalt  }
0x74: {  	_ =	shalt  }
0x75: {  	_ =	shalt  }
0x76: {  	_ =	shalt  }
0x77: {  	_ =	shalt  }
0x78: {  	_ =	shalt  }
0x79: {  	_ =	shalt  }
0x7a: {  	_ =	shalt  }
0x7b: {  	_ =	shalt  }
0x7c: {  	_ =	shalt  }
0x7d: {  	_ =	shalt  }
0x7e: {  	_ =	shalt  }
0x7f: {  	_ =	shalt  }
0x80: {  	_ =	shalt  }
0x81: {  	_ =	shalt  }
0x82: {  	_ =	shalt  }
0x83: {  	_ =	shalt  }
0x84: {  	_ =	shalt  }
0x85: {  	_ =	shalt  }
0x86: {  	_ =	shalt  }
0x87: {  	_ =	shalt  }
.Lfunc_end0:
.L_simem_size_0:
called_computation.2_lowered:
.L_overlay_start_0:
0x88: {  	s2 =	sld [smem:$0x3FD9]  }
0x89: {  	s3 =	sld [smem:$0x3FFE];
	_ =	sdelay $0x1  }
0x8a: {  	s1 =	srdreg.scid  }
0x8b: {  	s0 =	sand.u32 $0x1, s1  }
0x8c: {  	s17 =	sshll.u32 s0, $0xA;
	s2 =	sadd.s32 s3, s2  }
0x8d: {  	s2 =	sadd.s32 s2, s17  }
0x8e: {  	[smem:$0x3FBE] =	sst s2  }
0x8f: {  	_ = 	snop  }
0x90: {  	s2 =	sld [smem:$0x3FD0];
	(tm) =	ssettm $0x1  }
0x91: {  	s18 =	sld [smem:$0x3FFB];
	_ =	sdelay $0x3  }
0x92: {  	_ =	strace s18  }
0x93: {  	s3 =	sld [smem:$0x3FFC];
	_ =	sdelay $0x3  }
0x94: {  	_ =	strace s3  }
0x95: {  	s3 =	sld [smem:$0x3FFD];
	_ =	sdelay $0x3  }
0x96: {  	_ =	strace s3  }
0x97: {  	_ =	strace $0x8FFFFFFF  }
0x98: {  	s19 =	sld [smem:$0x3FDB];
	_ =	sdelay $0x1  }
0x99: {  	s4 =	simm.s32 $_scs_section_size  }
0x9a: {  	s5 =	simm.s32 $_size__tile_overlayer_lowered;
	s6 =	simm.s32 $_tile_overlayer_lowered  }
0x9b: {  	s22 =	simm.s32 $0x1BFF;
	s21 =	sshll.u32 s6, $0x1;
	s3 =	sadd.s32 s4, s19  }
0x9c: {  	s7 =	simm.s32 $0x0;
	s20 =	sshll.u32 s5, $0x1;
	s5 =	sadd.s32 s21, s3  }
0x9d: {  	[timem:s7], [sflag:s22] =	dma.local [hbm:s5], s20  }
0x9e: {  	_ =	swait.ge [sflag:s22], s20  }
0x9f: {  	s4 =	ssub.s32 $0x0, s20;
	[sflag:s22] =	ssyncset.done $0x0  }
0xa0: {  	[sflag:s22] =	ssyncadd.s32 s4;
	_ =	sdelay $0x1  }
0xa1: {  	s23 =	simm.s32 $0x1B8B  }
0xa2: {  	_ =	swait.ge [sflag:s23], $0x1  }
0xa3: {  	[sflag:s23] =	ssyncset.done $0x0  }
0xa4: {  	s25 =	simm.s32 $0x1B8E;
	s24 =	sld [smem:$0x3FFE];
	[sflag:s23] =	ssyncadd.s32 $0xFFFFFFFF  }
0xa5: {  	s26 =	simm.s32 $execute0_lowered;
	[smem:$0x3FD2] =	sst s25  }
0xa6: {  	s5 =	sshll.u32 s26, $0x1;
	_ =	strace $0x8000004C;
	[dreg:$0x1] =	wrdreg $0xFFFFFFFF  }
0xa7: {  	s28 =	simm.s32 $_size_execute0_lowered;
	s3 =	sadd.s32 s3, s5;
	[dreg:$0x0] =	wrdreg $0x0  }
0xa8: {  	s5 =	sshll.u32 s28, $0x1;
	[dreg:$0x2] =	wrdreg s3  }
0xa9: {  	[dreg:$0x3] =	wrdreg s5  }
0xaa: {  	[dreg:$0x4] =	wrdreg $0xC0  }
0xab: {  	_ =	task [dreg:s7], $0x5FFFF  }
0xac: {  	[dreg:$0x1] =	wrdreg $0xFFFFFFFF  }
0xad: {  	[dreg:$0x0] =	wrdreg $0x60  }
0xae: {  	[dreg:$0x2] =	wrdreg s2  }
0xaf: {  	[dreg:$0x3] =	wrdreg s24  }
0xb0: {  	[dreg:$0x4] =	wrdreg $0x79E00  }
0xb1: {  	[dreg:$0x5] =	wrdreg $0x9  }
0xb2: {  	_ =	task.clear_ibuf [dreg:s7], $0x6FFFF;
	_ =	strace $0x9000004C  }
0xb3: {  	s29 =	simm.s32 $0x9;
	_ =	strace $0x8000004E  }
0xb4: {  	_ =	swait.ge [sflag:s29], $0x1  }
0xb5: {  	[sflag:s29] =	ssyncadd.s32 $0xFFFFFFFF  }
0xb6: {  	_ =	strace $0x9000004E  }
0xb7: {  	_ =	sfence  }
0xb8: {  	s30 =	sld [smem:$0x0];
	_ =	sdelay $0x2  }
0xb9: {  	s31 =	sshll.u32 s1, $0xD;
	s1 =	sshrl.u32 s1, $0x2  }
0xba: {  	s3 =	sand.u32 $0x4000, s31;
	s1 =	sadd.s32 s1, s30  }
0xbb: {  	s0 =	sor.u32 s3, s0;
	s1 =	sshll.u32 s1, $0x11  }
0xbc: {  	s0 =	sor.u32 s1, s0  }
0xbd: {  	s0 =	sadd.s32 $0x8F2B, s0  }
0xbe: {  	[sflag:s0] =	ssyncadd.remote.s32 $0x1  }
0xbf: {  	_ =	sfence.sel $0xFFFF  }
0xc0: {  	[dreg:$0x0] =	wrdreg $0xFFFFFFFF;
	(pc) =	sbr.abs _section_cstart, $3  }
0xc1: {  	[dreg:$0x1] =	wrdreg $0xFFFFFFFF  }
0xc2: {  	_ =	task.clear_ibuf [dreg:s7], $0x2FFFF;
	_ =	strace $0x9FFFFFFF  }
0xc3: {  	(tm) =	ssettm $0x7FFFFFFF  }
tec
execute0_lowered:
.L_overlay_start_1:
0x0: {  	(tag) =	ssettag $0x1  }
0x1: {  	s1 =	rddreg [dreg:$0x0]  }
0x2: {  	s0 =	rddreg [dreg:$0x1]  }
0x3: {  	s2 =	rddreg [dreg:$0x2]  }
0x4: {  	s3 =	srdreg.scid;
	s21 =	stileid.u32  }
0x5: {  	s4 =	simm.s32 $0x0;
	s7 =	sand.u32 $0x1, s3;
	s3 =	smul.u32 $0x14000, s21  }
0x6: {  	[smem:$0x7FF] =	sst s4;
	s5 =	sadd.s32 $0x2E00, s0;
	s18 =	smul.u32 $0x4EC0, s21  }
0x7: {  	s24 =	sshll.u32 s21, $0x1;
	s10 =	sadd.s32 $0x43C00, s0;
	s21 =	smul.u32 $0x50000, s21  }
0x8: {  	_ =	strace $0x8000004D;
	s6 =	ssub.s32 $0x2, s7;
	s9 =	sor.u32 s7, s24  }
0x9: {  	s8 =	sshrl.u32 s6, $0x1;
	s11 =	sor.u32 $0x2800, s3;
	s12 =	sadd.s32 $0x5000, s3  }
0xa: {  	s14 =	sadd.s32 $0x7800, s3;
	s15 =	sadd.s32 $0xA000, s3;
	s16 =	sadd.s32 $0xC800, s3  }
0xb: {  	s17 =	sadd.s32 $0xF000, s3;
	s6 =	ssub.s32 s6, s8;
	s30 =	sadd.s32 s14, s2  }
0xc: {  	s8 =	smul.u32 $0x2760, s9;
	s31 =	sadd.s32 s15, s2;
	[dreg:$0x1a] =	wrdreg s30  }
0xd: {  	s9 =	smul.u32 $0x140000, s7;
	s28 =	sadd.s32 s11, s2;
	[dreg:$0x1b] =	wrdreg s31  }
0xe: {  	s7 =	smul.u32 $0x2760, s7;
	s29 =	sadd.s32 s12, s2;
	[smem:$0x7FD] =	sst s28  }
0xf: {  	s13 =	sadd.s32 s9, s3;
	s19 =	sadd.s32 s9, s11;
	s26 =	sadd.s32 s9, s12  }
0x10: {  	s7 =	sadd.s32 s7, s18;
	s22 =	sadd.s32 s9, s14;
	s23 =	sadd.s32 s9, s15  }
0x11: {  	s13 =	sshrl.u32 s13, $0x3;
	s25 =	sshrl.u32 s19, $0x3;
	s20 =	sshrl.u32 s26, $0x3  }
0x12: {  	s18 =	sadd.s32 $0x190, s7;
	s19 =	sadd.s32 $0x11800, s3;
	s3 =	sadd.s32 s3, s2  }
0x13: {  	s24 =	sshrl.u32 s23, $0x3;
	s13 =	sadd.s32 s10, s13;
	[dreg:$0x17] =	wrdreg s3  }
0x14: {  	s26 =	sadd.s32 s9, s16;
	s3 =	sadd.s32 s17, s2;
	[dreg:$0x8] =	wrdreg s13  }
0x15: {  	s18 =	sshrl.u32 s18, $0x3;
	s13 =	sadd.s32 s10, s25;
	[dreg:$0x1d] =	wrdreg s3  }
0x16: {  	s25 =	sadd.s32 s18, s5;
	[dreg:$0x9] =	wrdreg s13;
	s13 =	sadd.s32 s10, s20  }
0x17: {  	[dreg:$0x4] =	wrdreg s25;
	s20 =	sadd.s32 s9, s17;
	s9 =	sadd.s32 s9, s19  }
0x18: {  	s25 =	sadd.s32 $0x140, s7;
	[dreg:$0xa] =	wrdreg s13;
	s13 =	sshrl.u32 s22, $0x3  }
0x19: {  	s23 =	sshrl.u32 s20, $0x3;
	s20 =	sshrl.u32 s25, $0x3;
	s25 =	smax.u32 s6, $0x1  }
0x1a: {  	s9 =	sshrl.u32 s9, $0x3;
	s13 =	sadd.s32 s10, s13;
	[dreg:$0x18] =	wrdreg s25  }
0x1b: {  	s8 =	sshrl.u32 s8, $0x3;
	s9 =	sadd.s32 s10, s9;
	[dreg:$0xb] =	wrdreg s13  }
0x1c: {  	s22 =	sshrl.u32 s26, $0x3;
	s26 =	sadd.s32 s20, s5;
	[dreg:$0xf] =	wrdreg s9  }
0x1d: {  	s11 =	simm.s32 $0xA0;
	s25 =	sadd.s32 s19, s2;
	[dreg:$0x6] =	wrdreg s26  }
0x1e: {  	s12 =	simm.s32 $0x190;
	s13 =	sadd.s32 s10, s24;
	[dreg:$0x1e] =	wrdreg s25  }
0x1f: {  	s14 =	simm.s32 $0x1;
	s24 =	sadd.s32 s10, s23;
	[dreg:$0xc] =	wrdreg s13  }
0x20: {  	s15 =	simm.s32 $0x4;
	s23 =	sadd.s32 s5, s8;
	[dreg:$0xe] =	wrdreg s24  }
0x21: {  	s17 =	simm.s32 $0x5;
	s26 =	sadd.s32 $0xF0, s7;
	[dreg:$0x14] =	wrdreg s23  }
0x22: {  	s6 =	simm.s32 $0x1E0;
	s13 =	sadd.s32 s10, s22;
	[dreg:$0x1f] =	wrdreg s26  }
0x23: {  	s19 =	simm.s32 $0x3;
	s26 =	simm.s32 $0x0;
	[dreg:$0xd] =	wrdreg s13  }
0x24: {  	s13 =	sadd.s32 $0x11E00, s0;
	s0 =	sadd.s32 $0x1BC00, s0;
	[smem:$0x7FC] =	sst s26  }
0x25: {  	s7 =	simm.s32 $0xA;
	s18 =	sadd.s32 s18, s13;
	[dreg:$0x10] =	wrdreg s0  }
0x26: {  	s9 =	simm.s32 $0x50;
	s10 =	sadd.s32 s20, s13;
	[dreg:$0x5] =	wrdreg s18  }
0x27: {  	s22 =	sadd.s32 s13, s8;
	[dreg:$0x7] =	wrdreg s10;
	s18 =	sadd.s32 $0xA, s8  }
0x28: {  	s23 =	simm.s32 $0x8;
	[dreg:$0x13] =	wrdreg s22;
	s20 =	sadd.s32 s13, s18  }
0x29: {  	s8 =	sadd.s32 $0x14, s8;
	s0 =	sadd.s32 s5, s18;
	[dreg:$0x11] =	wrdreg s20  }
0x2a: {  	s10 =	simm.s32 $0x140;
	s24 =	sadd.s32 s13, s8;
	[dreg:$0x12] =	wrdreg s0  }
0x2b: {  	s22 =	simm.s32 $0x7;
	s8 =	sadd.s32 s5, s8;
	[dreg:$0x15] =	wrdreg s24  }
0x2c: {  	s18 =	simm.s32 $0x29E0;
	[dreg:$0x16] =	wrdreg s8;
	s0 =	sshrl.u32 s21, $0x2  }
0x2d: {  	s8 =	simm.s32 $0xF0;
	s20 =	simm.s32 $0x6;
	s0 =	sadd.s32 s0, s2  }
0x2e: {  	s21 =	simm.s32 $0x51E0;
	[dreg:$0x19] =	wrdreg s0;
	s0 =	sadd.s32 s16, s2  }
0x2f: {  	s24 =	simm.s32 $0x9;
	s16 =	simm.s32 $0x2;
	[dreg:$0x1c] =	wrdreg s0  }
.LBB2_1:
0x30: {  	s26 =	rddreg [dreg:$0x10]  }
0x31: {  	[tilespmem:s6], [sflag:$0xA] =	stream.linear.gather [hbm4b:s26+s4], $0x2800, $0x38;
	[tilespmem:$0x1B9E0] =	vst v63  }
0x32: {  	_ =	swait.ge [sflag:s7], $0x2800  }
0x33: {  	[sflag:s7] =	ssyncset.done $0x0  }
0x34: {  	s26 =	rddreg [dreg:$0x19];
	[sflag:s7] =	ssyncadd.s32 $0xFFFFD800  }
0x35: {  	[spmem:s26] =	stream.linear.scatter [tilespmem:s6], [sflag:$0xA], $0x2800, $0x38;
	[tilespmem:$0x1B9E0] =	vst v63  }
0x36: {  	_ =	swait.ge [sflag:s7], $0x2800  }
0x37: {  	[sflag:s7] =	ssyncset.done $0x0  }
0x38: {  	[sflag:s7] =	ssyncadd.s32 $0xFFFFD800  }
0x39: {  	[spmem:s28] =	stream.linear.scatter [tilespmem:s6], [sflag:$0xA], $0x2800, $0x38;
	[tilespmem:$0x1B9E0] =	vst v63  }
0x3a: {  	_ =	swait.ge [sflag:s7], $0x2800  }
0x3b: {  	[sflag:s7] =	ssyncset.done $0x0  }
0x3c: {  	[sflag:s7] =	ssyncadd.s32 $0xFFFFD800  }
0x3d: {  	[spmem:s29] =	stream.linear.scatter [tilespmem:s6], [sflag:$0xA], $0x2800, $0x38;
	[tilespmem:$0x1B9E0] =	vst v63  }
0x3e: {  	_ =	swait.ge [sflag:s7], $0x2800  }
0x3f: {  	[sflag:s7] =	ssyncset.done $0x0  }
0x40: {  	[sflag:s7] =	ssyncadd.s32 $0xFFFFD800  }
0x41: {  	[spmem:s30] =	stream.linear.scatter [tilespmem:s6], [sflag:$0xA], $0x2800, $0x38;
	[tilespmem:$0x1B9E0] =	vst v63  }
0x42: {  	_ =	swait.ge [sflag:s7], $0x2800  }
0x43: {  	[sflag:s7] =	ssyncset.done $0x0  }
0x44: {  	[sflag:s7] =	ssyncadd.s32 $0xFFFFD800  }
0x45: {  	[spmem:s31] =	stream.linear.scatter [tilespmem:s6], [sflag:$0xA], $0x2800, $0x38;
	[tilespmem:$0x1B9E0] =	vst v63  }
0x46: {  	_ =	swait.ge [sflag:s7], $0x2800  }
0x47: {  	[sflag:s7] =	ssyncset.done $0x0  }
0x48: {  	s26 =	smov.u32 s0;
	[sflag:s7] =	ssyncadd.s32 $0xFFFFD800  }
0x49: {  	[spmem:s26] =	stream.linear.scatter [tilespmem:s6], [sflag:$0xA], $0x2800, $0x38;
	[tilespmem:$0x1B9E0] =	vst v63  }
0x4a: {  	_ =	swait.ge [sflag:s7], $0x2800  }
0x4b: {  	[sflag:s7] =	ssyncset.done $0x0  }
0x4c: {  	s0 =	smov.u32 s28;
	s28 =	smov.u32 s3;
	[sflag:s7] =	ssyncadd.s32 $0xFFFFD800  }
0x4d: {  	[spmem:s28] =	stream.linear.scatter [tilespmem:s6], [sflag:$0xA], $0x2800, $0x38;
	[tilespmem:$0x1B9E0] =	vst v63  }
0x4e: {  	_ =	swait.ge [sflag:s7], $0x2800  }
0x4f: {  	[sflag:s7] =	ssyncset.done $0x0  }
0x50: {  	[sflag:s7] =	ssyncadd.s32 $0xFFFFD800  }
0x51: {  	[spmem:s25] =	stream.linear.scatter [tilespmem:s6], [sflag:$0xA], $0x2800, $0x38;
	[tilespmem:$0x1B9E0] =	vst v63  }
0x52: {  	_ =	swait.ge [sflag:s7], $0x2800  }
0x53: {  	[sflag:s7] =	ssyncset.done $0x0  }
0x54: {  	[sflag:s7] =	ssyncadd.s32 $0xFFFFD800  }
0x55: {  	[bflag:$0x0] =	sbarrier.arrive $0xFFFF  }
0x56: {  	s30 =	rddreg [dreg:$0x13]  }
0x57: {  	[tilespmem:s4], [sflag:$0x1] =	stream.linear.gather [hbm4b:s30+s4], $0x50, $0x38;
	[tilespmem:$0x1B9E0] =	vst v63  }
0x58: {  	s31 =	rddreg [dreg:$0x14]  }
0x59: {  	[tilespmem:s8], [sflag:$0x4] =	stream.linear.gather [hbm4b:s31+s4], $0x50, $0x38;
	[tilespmem:$0x1B9E0] =	vst v63  }
0x5a: {  	s25 =	rddreg [dreg:$0x11]  }
0x5b: {  	[tilespmem:s9], [sflag:$0x2] =	stream.linear.gather [hbm4b:s25+s4], $0x50, $0x38;
	[tilespmem:$0x1B9E0] =	vst v63  }
0x5c: {  	s30 =	rddreg [dreg:$0x12]  }
0x5d: {  	[tilespmem:s10], [sflag:$0x5] =	stream.linear.gather [hbm4b:s30+s4], $0x50, $0x38;
	[tilespmem:$0x1B9E0] =	vst v63  }
0x5e: {  	s31 =	rddreg [dreg:$0x15]  }
0x5f: {  	[tilespmem:s11], [sflag:$0x3] =	stream.linear.gather [hbm4b:s31+s4], $0x50, $0x38;
	[tilespmem:$0x1B9E0] =	vst v63  }
0x60: {  	s25 =	rddreg [dreg:$0x16]  }
0x61: {  	[tilespmem:s12], [sflag:$0x6] =	stream.linear.gather [hbm4b:s25+s4], $0x50, $0x38;
	[tilespmem:$0x1B9E0] =	vst v63  }
0x62: {  	_ =	swait.ge [sflag:s14], $0x50  }
0x63: {  	[sflag:s14] =	ssyncset.done $0x0  }
0x64: {  	[sflag:s14] =	ssyncadd.s32 $0xFFFFFFB0  }
0x65: {  	_ =	swait.ge [sflag:s15], $0x50  }
0x66: {  	[sflag:s15] =	ssyncset.done $0x0  }
0x67: {  	[sflag:s15] =	ssyncadd.s32 $0xFFFFFFB0  }
0x68: {  	[tilespmem:s6], [sflag:$0x7] =	stream.indirect.gather [hbm4b:s1+s9], $0x80, s4, s9, $0xb8;
	[tilespmem:$0x1B9E0] =	vst v63  }
0x69: {  	_ =	swait.ge [sflag:s16], $0x50  }
0x6a: {  	[sflag:s16] =	ssyncset.done $0x0  }
0x6b: {  	[sflag:s16] =	ssyncadd.s32 $0xFFFFFFB0  }
0x6c: {  	_ =	swait.ge [sflag:s17], $0x50  }
0x6d: {  	[sflag:s17] =	ssyncset.done $0x0  }
0x6e: {  	[sflag:s17] =	ssyncadd.s32 $0xFFFFFFB0  }
0x6f: {  	[tilespmem:s18], [sflag:$0x8] =	stream.indirect.gather [hbm4b:s1+s9], $0x80, s9, s9, $0xb8;
	[tilespmem:$0x1B9E0] =	vst v63  }
0x70: {  	_ =	swait.ge [sflag:s19], $0x50  }
0x71: {  	[sflag:s19] =	ssyncset.done $0x0  }
0x72: {  	[sflag:s19] =	ssyncadd.s32 $0xFFFFFFB0  }
0x73: {  	_ =	swait.ge [sflag:s20], $0x50  }
0x74: {  	[sflag:s20] =	ssyncset.done $0x0  }
0x75: {  	[sflag:s20] =	ssyncadd.s32 $0xFFFFFFB0  }
0x76: {  	[tilespmem:s21], [sflag:$0x9] =	stream.indirect.gather [hbm4b:s1+s9], $0x80, s11, s9, $0xb8;
	[tilespmem:$0x1B9E0] =	vst v63  }
0x77: {  	_ =	swait.ge [sflag:s22], $0x2800  }
0x78: {  	[sflag:s22] =	ssyncset.done $0x0  }
0x79: {  	[sflag:s22] =	ssyncadd.s32 $0xFFFFD800  }
0x7a: {  	[spmem:s2] =	stream.indirect.scatter.add.f32 [tilespmem:s6], [sflag:$0xA], $0x80, s8, s9, $0xb8;
	[tilespmem:$0x1B9E0] =	vst v63  }
0x7b: {  	_ =	swait.ge [sflag:s7], $0x2800  }
0x7c: {  	s25 =	rddreg [dreg:$0x1f]  }
0x7d: {  	[sflag:s7] =	ssyncset.done $0x0;
	s30 =	sshrl.u32 s25, $0x3  }
0x7e: {  	[sflag:s7] =	ssyncadd.s32 $0xFFFFD800;
	s28 =	sadd.s32 s13, s30  }
0x7f: {  	[tilespmem:s4], [sflag:$0x1] =	stream.linear.gather [hbm4b:s28+s4], $0x50, $0x38;
	[tilespmem:$0x1B9E0] =	vst v63  }
0x80: {  	s26 =	sadd.s32 s5, s30  }
0x81: {  	[tilespmem:s8], [sflag:$0x4] =	stream.linear.gather [hbm4b:s26+s4], $0x50, $0x38;
	[tilespmem:$0x1B9E0] =	vst v63  }
0x82: {  	_ =	swait.ge [sflag:s14], $0x50  }
0x83: {  	[sflag:s14] =	ssyncset.done $0x0  }
0x84: {  	[sflag:s14] =	ssyncadd.s32 $0xFFFFFFB0  }
0x85: {  	_ =	swait.ge [sflag:s15], $0x50  }
0x86: {  	[sflag:s15] =	ssyncset.done $0x0  }
0x87: {  	[sflag:s15] =	ssyncadd.s32 $0xFFFFFFB0  }
0x88: {  	[tilespmem:s6], [sflag:$0x7] =	stream.indirect.gather [hbm4b:s1+s9], $0x80, s4, s9, $0xb8;
	[tilespmem:$0x1B9E0] =	vst v63  }
0x89: {  	_ =	swait.ge [sflag:s23], $0x2800  }
0x8a: {  	[sflag:s23] =	ssyncset.done $0x0  }
0x8b: {  	[sflag:s23] =	ssyncadd.s32 $0xFFFFD800  }
0x8c: {  	[spmem:s2] =	stream.indirect.scatter.add.f32 [tilespmem:s18], [sflag:$0xA], $0x80, s10, s9, $0xb8;
	[tilespmem:$0x1B9E0] =	vst v63  }
0x8d: {  	_ =	swait.ge [sflag:s7], $0x2800  }
0x8e: {  	s31 =	rddreg [dreg:$0x7];
	[sflag:s7] =	ssyncset.done $0x0  }
0x8f: {  	s28 =	rddreg [dreg:$0x6];
	[sflag:s7] =	ssyncadd.s32 $0xFFFFD800;
	s26 =	sadd.s32 $0x0, s31  }
0x90: {  	[tilespmem:s9], [sflag:$0x2] =	stream.linear.gather [hbm4b:s26+s4], $0x50, $0x38;
	[tilespmem:$0x1B9E0] =	vst v63  }
0x91: {  	s30 =	sadd.s32 $0x0, s28  }
0x92: {  	[tilespmem:s10], [sflag:$0x5] =	stream.linear.gather [hbm4b:s30+s4], $0x50, $0x38;
	[tilespmem:$0x1B9E0] =	vst v63  }
0x93: {  	_ =	swait.ge [sflag:s16], $0x50  }
0x94: {  	[sflag:s16] =	ssyncset.done $0x0  }
0x95: {  	[sflag:s16] =	ssyncadd.s32 $0xFFFFFFB0  }
0x96: {  	_ =	swait.ge [sflag:s17], $0x50  }
0x97: {  	[sflag:s17] =	ssyncset.done $0x0  }
0x98: {  	[sflag:s17] =	ssyncadd.s32 $0xFFFFFFB0  }
0x99: {  	[tilespmem:s18], [sflag:$0x8] =	stream.indirect.gather [hbm4b:s1+s9], $0x80, s9, s9, $0xb8;
	[tilespmem:$0x1B9E0] =	vst v63  }
0x9a: {  	_ =	swait.ge [sflag:s24], $0x2800  }
0x9b: {  	[sflag:s24] =	ssyncset.done $0x0  }
0x9c: {  	[sflag:s24] =	ssyncadd.s32 $0xFFFFD800  }
0x9d: {  	[spmem:s2] =	stream.indirect.scatter.add.f32 [tilespmem:s21], [sflag:$0xA], $0x80, s12, s9, $0xb8;
	[tilespmem:$0x1B9E0] =	vst v63  }
0x9e: {  	_ =	swait.ge [sflag:s7], $0x2800  }
0x9f: {  	s3 =	smov.u32 s29;
	s31 =	rddreg [dreg:$0x5];
	[sflag:s7] =	ssyncset.done $0x0  }
0xa0: {  	s28 =	rddreg [dreg:$0x4];
	[sflag:s7] =	ssyncadd.s32 $0xFFFFD800;
	s26 =	sadd.s32 $0x0, s31  }
0xa1: {  	[tilespmem:s11], [sflag:$0x3] =	stream.linear.gather [hbm4b:s26+s4], $0x50, $0x38;
	[tilespmem:$0x1B9E0] =	vst v63  }
0xa2: {  	s29 =	sadd.s32 $0x0, s28;
	s28 =	sadd.s32 $0xF0, s25;
	s26 =	simm.s32 $0x1E  }
.LBB2_2:
0xa3: {  	[tilespmem:s12], [sflag:$0x6] =	stream.linear.gather [hbm4b:s29+s4], $0x50, $0x38;
	[tilespmem:$0x1B9E0] =	vst v63  }
0xa4: {  	_ =	swait.ge [sflag:s19], $0x50  }
0xa5: {  	[sflag:s19] =	ssyncset.done $0x0  }
0xa6: {  	[sflag:s19] =	ssyncadd.s32 $0xFFFFFFB0  }
0xa7: {  	_ =	swait.ge [sflag:s20], $0x50  }
0xa8: {  	[sflag:s20] =	ssyncset.done $0x0  }
0xa9: {  	[sflag:s20] =	ssyncadd.s32 $0xFFFFFFB0  }
0xaa: {  	[tilespmem:s21], [sflag:$0x9] =	stream.indirect.gather [hbm4b:s1+s9], $0x80, s11, s9, $0xb8;
	[tilespmem:$0x1B9E0] =	vst v63  }
0xab: {  	_ =	swait.ge [sflag:s22], $0x2800  }
0xac: {  	[sflag:s22] =	ssyncset.done $0x0  }
0xad: {  	[sflag:s22] =	ssyncadd.s32 $0xFFFFD800  }
0xae: {  	[spmem:s2] =	stream.indirect.scatter.add.f32 [tilespmem:s6], [sflag:$0xA], $0x80, s8, s9, $0xb8;
	[tilespmem:$0x1B9E0] =	vst v63  }
0xaf: {  	_ =	swait.ge [sflag:s7], $0x2800  }
0xb0: {  	s30 =	sshrl.u32 s28, $0x3;
	[sflag:s7] =	ssyncset.done $0x0  }
0xb1: {  	s31 =	sadd.s32 s13, s30;
	[sflag:s7] =	ssyncadd.s32 $0xFFFFD800  }
0xb2: {  	[tilespmem:s4], [sflag:$0x1] =	stream.linear.gather [hbm4b:s31+s4], $0x50, $0x38;
	[tilespmem:$0x1B9E0] =	vst v63  }
0xb3: {  	s30 =	sadd.s32 s5, s30  }
0xb4: {  	[tilespmem:s8], [sflag:$0x4] =	stream.linear.gather [hbm4b:s30+s4], $0x50, $0x38;
	[tilespmem:$0x1B9E0] =	vst v63  }
0xb5: {  	_ =	swait.ge [sflag:s14], $0x50  }
0xb6: {  	[sflag:s14] =	ssyncset.done $0x0  }
0xb7: {  	[sflag:s14] =	ssyncadd.s32 $0xFFFFFFB0  }
0xb8: {  	_ =	swait.ge [sflag:s15], $0x50  }
0xb9: {  	[sflag:s15] =	ssyncset.done $0x0  }
0xba: {  	[sflag:s15] =	ssyncadd.s32 $0xFFFFFFB0  }
0xbb: {  	[tilespmem:s6], [sflag:$0x7] =	stream.indirect.gather [hbm4b:s1+s9], $0x80, s4, s9, $0xb8;
	[tilespmem:$0x1B9E0] =	vst v63  }
0xbc: {  	_ =	swait.ge [sflag:s23], $0x2800  }
0xbd: {  	[sflag:s23] =	ssyncset.done $0x0  }
0xbe: {  	[sflag:s23] =	ssyncadd.s32 $0xFFFFD800  }
0xbf: {  	[spmem:s2] =	stream.indirect.scatter.add.f32 [tilespmem:s18], [sflag:$0xA], $0x80, s10, s9, $0xb8;
	[tilespmem:$0x1B9E0] =	vst v63  }
0xc0: {  	_ =	swait.ge [sflag:s7], $0x2800  }
0xc1: {  	s29 =	smov.u32 s26;
	s30 =	rddreg [dreg:$0x7];
	[sflag:s7] =	ssyncset.done $0x0  }
0xc2: {  	s25 =	rddreg [dreg:$0x6];
	[sflag:s7] =	ssyncadd.s32 $0xFFFFD800;
	s30 =	sadd.s32 s29, s30  }
0xc3: {  	[tilespmem:s9], [sflag:$0x2] =	stream.linear.gather [hbm4b:s30+s4], $0x50, $0x38;
	[tilespmem:$0x1B9E0] =	vst v63  }
0xc4: {  	s31 =	sadd.s32 s29, s25  }
0xc5: {  	[tilespmem:s10], [sflag:$0x5] =	stream.linear.gather [hbm4b:s31+s4], $0x50, $0x38;
	[tilespmem:$0x1B9E0] =	vst v63  }
0xc6: {  	_ =	swait.ge [sflag:s16], $0x50  }
0xc7: {  	[sflag:s16] =	ssyncset.done $0x0  }
0xc8: {  	[sflag:s16] =	ssyncadd.s32 $0xFFFFFFB0  }
0xc9: {  	_ =	swait.ge [sflag:s17], $0x50  }
0xca: {  	[sflag:s17] =	ssyncset.done $0x0  }
0xcb: {  	[sflag:s17] =	ssyncadd.s32 $0xFFFFFFB0  }
0xcc: {  	[tilespmem:s18], [sflag:$0x8] =	stream.indirect.gather [hbm4b:s1+s9], $0x80, s9, s9, $0xb8;
	[tilespmem:$0x1B9E0] =	vst v63  }
0xcd: {  	_ =	swait.ge [sflag:s24], $0x2800  }
0xce: {  	[sflag:s24] =	ssyncset.done $0x0  }
0xcf: {  	p0 =	sne.s32 s26, $0x4B0;
	[sflag:s24] =	ssyncadd.s32 $0xFFFFD800  }
0xd0: {  	[spmem:s2] =	stream.indirect.scatter.add.f32 [tilespmem:s21], [sflag:$0xA], $0x80, s12, s9, $0xb8;
	[tilespmem:$0x1B9E0] =	vst v63  }
.Ltmp0:
0xd1: {  	_ =	swait.ge [sflag:s7], $0x2800;
	(pc) =	sbr.rel @p0 .LBB2_2-.Ltmp0, $4  }
0xd2: {  	s26 =	sadd.s32 $0x1E, s26;
	s30 =	rddreg [dreg:$0x5]  }
0xd3: {  	s28 =	sadd.s32 $0xF0, s28;
	s25 =	rddreg [dreg:$0x4];
	[sflag:s7] =	ssyncset.done $0x0  }
0xd4: {  	[sflag:s7] =	ssyncadd.s32 $0xFFFFD800;
	s30 =	sadd.s32 s29, s30;
	s29 =	sadd.s32 s29, s25  }
0xd5: {  	[tilespmem:s11], [sflag:$0x3] =	stream.linear.gather [hbm4b:s30+s4], $0x50, $0x38;
	[tilespmem:$0x1B9E0] =	vst v63  }
0xd6: {  	[tilespmem:s12], [sflag:$0x6] =	stream.linear.gather [hbm4b:s29+s4], $0x50, $0x38;
	[tilespmem:$0x1B9E0] =	vst v63  }
0xd7: {  	_ =	swait.ge [sflag:s19], $0x50  }
0xd8: {  	[sflag:s19] =	ssyncset.done $0x0  }
0xd9: {  	[sflag:s19] =	ssyncadd.s32 $0xFFFFFFB0  }
0xda: {  	_ =	swait.ge [sflag:s20], $0x50  }
0xdb: {  	[sflag:s20] =	ssyncset.done $0x0  }
0xdc: {  	[sflag:s20] =	ssyncadd.s32 $0xFFFFFFB0  }
0xdd: {  	[tilespmem:s21], [sflag:$0x9] =	stream.indirect.gather [hbm4b:s1+s9], $0x80, s11, s9, $0xb8;
	[tilespmem:$0x1B9E0] =	vst v63  }
0xde: {  	_ =	swait.ge [sflag:s22], $0x2800  }
0xdf: {  	[sflag:s22] =	ssyncset.done $0x0  }
0xe0: {  	[sflag:s22] =	ssyncadd.s32 $0xFFFFD800  }
0xe1: {  	[spmem:s2] =	stream.indirect.scatter.add.f32 [tilespmem:s6], [sflag:$0xA], $0x80, s8, s9, $0xb8;
	[tilespmem:$0x1B9E0] =	vst v63  }
0xe2: {  	_ =	swait.ge [sflag:s7], $0x2800  }
0xe3: {  	[sflag:s7] =	ssyncset.done $0x0  }
0xe4: {  	[sflag:s7] =	ssyncadd.s32 $0xFFFFD800  }
0xe5: {  	_ =	swait.ge [sflag:s23], $0x2800  }
0xe6: {  	[sflag:s23] =	ssyncset.done $0x0  }
0xe7: {  	[sflag:s23] =	ssyncadd.s32 $0xFFFFD800  }
0xe8: {  	[spmem:s2] =	stream.indirect.scatter.add.f32 [tilespmem:s18], [sflag:$0xA], $0x80, s10, s9, $0xb8;
	[tilespmem:$0x1B9E0] =	vst v63  }
0xe9: {  	_ =	swait.ge [sflag:s7], $0x2800  }
0xea: {  	[sflag:s7] =	ssyncset.done $0x0  }
0xeb: {  	[sflag:s7] =	ssyncadd.s32 $0xFFFFD800  }
0xec: {  	_ =	swait.ge [sflag:s24], $0x2800  }
0xed: {  	[sflag:s24] =	ssyncset.done $0x0  }
0xee: {  	[sflag:s24] =	ssyncadd.s32 $0xFFFFD800  }
0xef: {  	[spmem:s2] =	stream.indirect.scatter.add.f32 [tilespmem:s21], [sflag:$0xA], $0x80, s12, s9, $0xb8;
	[tilespmem:$0x1B9E0] =	vst v63  }
0xf0: {  	_ =	swait.ge [sflag:s7], $0x2800  }
0xf1: {  	[sflag:s7] =	ssyncset.done $0x0  }
0xf2: {  	[sflag:s7] =	ssyncadd.s32 $0xFFFFD800  }
0xf3: {  	[bflag:$0x0] =	sbarrier.arrive $0xFFFF  }
0xf4: {  	s26 =	rddreg [dreg:$0x17]  }
0xf5: {  	[tilespmem:s6], [sflag:$0xA] =	stream.linear.gather [spmem:s26], $0x2800, $0x38;
	[tilespmem:$0x1B9E0] =	vst v63  }
0xf6: {  	_ =	swait.ge [sflag:s7], $0x2800  }
0xf7: {  	[sflag:s7] =	ssyncset.done $0x0  }
0xf8: {  	s25 =	rddreg [dreg:$0x8];
	[sflag:s7] =	ssyncadd.s32 $0xFFFFD800  }
0xf9: {  	[hbm4b:s25+s4] =	stream.linear.scatter [tilespmem:s6], [sflag:$0xA], $0x2800, $0x38;
	[tilespmem:$0x1B9E0] =	vst v63  }
0xfa: {  	_ =	swait.ge [sflag:s7], $0x2800  }
0xfb: {  	[sflag:s7] =	ssyncset.done $0x0  }
0xfc: {  	[sflag:s7] =	ssyncadd.s32 $0xFFFFD800  }
0xfd: {  	[tilespmem:s6], [sflag:$0xA] =	stream.linear.gather [spmem:s0], $0x2800, $0x38;
	[tilespmem:$0x1B9E0] =	vst v63  }
0xfe: {  	_ =	swait.ge [sflag:s7], $0x2800  }
0xff: {  	[sflag:s7] =	ssyncset.done $0x0  }
0x100: {  	s0 =	rddreg [dreg:$0x9];
	[sflag:s7] =	ssyncadd.s32 $0xFFFFD800  }
0x101: {  	[hbm4b:s0+s4] =	stream.linear.scatter [tilespmem:s6], [sflag:$0xA], $0x2800, $0x38;
	[tilespmem:$0x1B9E0] =	vst v63  }
0x102: {  	_ =	swait.ge [sflag:s7], $0x2800  }
0x103: {  	[sflag:s7] =	ssyncset.done $0x0  }
0x104: {  	[sflag:s7] =	ssyncadd.s32 $0xFFFFD800  }
0x105: {  	[tilespmem:s6], [sflag:$0xA] =	stream.linear.gather [spmem:s3], $0x2800, $0x38;
	[tilespmem:$0x1B9E0] =	vst v63  }
0x106: {  	_ =	swait.ge [sflag:s7], $0x2800  }
0x107: {  	[sflag:s7] =	ssyncset.done $0x0  }
0x108: {  	s29 =	smov.u32 s3;
	s3 =	rddreg [dreg:$0xa];
	[sflag:s7] =	ssyncadd.s32 $0xFFFFD800  }
0x109: {  	[hbm4b:s3+s4] =	stream.linear.scatter [tilespmem:s6], [sflag:$0xA], $0x2800, $0x38;
	[tilespmem:$0x1B9E0] =	vst v63  }
0x10a: {  	_ =	swait.ge [sflag:s7], $0x2800  }
0x10b: {  	[sflag:s7] =	ssyncset.done $0x0  }
0x10c: {  	s30 =	rddreg [dreg:$0x1a];
	[sflag:s7] =	ssyncadd.s32 $0xFFFFD800  }
0x10d: {  	[tilespmem:s6], [sflag:$0xA] =	stream.linear.gather [spmem:s30], $0x2800, $0x38;
	[tilespmem:$0x1B9E0] =	vst v63  }
0x10e: {  	_ =	swait.ge [sflag:s7], $0x2800  }
0x10f: {  	[sflag:s7] =	ssyncset.done $0x0  }
0x110: {  	s25 =	rddreg [dreg:$0xb];
	[sflag:s7] =	ssyncadd.s32 $0xFFFFD800  }
0x111: {  	[hbm4b:s25+s4] =	stream.linear.scatter [tilespmem:s6], [sflag:$0xA], $0x2800, $0x38;
	[tilespmem:$0x1B9E0] =	vst v63  }
0x112: {  	_ =	swait.ge [sflag:s7], $0x2800  }
0x113: {  	[sflag:s7] =	ssyncset.done $0x0  }
0x114: {  	s31 =	rddreg [dreg:$0x1b];
	[sflag:s7] =	ssyncadd.s32 $0xFFFFD800  }
0x115: {  	[tilespmem:s6], [sflag:$0xA] =	stream.linear.gather [spmem:s31], $0x2800, $0x38;
	[tilespmem:$0x1B9E0] =	vst v63  }
0x116: {  	_ =	swait.ge [sflag:s7], $0x2800  }
0x117: {  	[sflag:s7] =	ssyncset.done $0x0  }
0x118: {  	s0 =	rddreg [dreg:$0xc];
	[sflag:s7] =	ssyncadd.s32 $0xFFFFD800  }
0x119: {  	[hbm4b:s0+s4] =	stream.linear.scatter [tilespmem:s6], [sflag:$0xA], $0x2800, $0x38;
	[tilespmem:$0x1B9E0] =	vst v63  }
0x11a: {  	_ =	swait.ge [sflag:s7], $0x2800  }
0x11b: {  	[sflag:s7] =	ssyncset.done $0x0  }
0x11c: {  	s0 =	rddreg [dreg:$0x1c];
	[sflag:s7] =	ssyncadd.s32 $0xFFFFD800  }
0x11d: {  	[tilespmem:s6], [sflag:$0xA] =	stream.linear.gather [spmem:s0], $0x2800, $0x38;
	[tilespmem:$0x1B9E0] =	vst v63  }
0x11e: {  	_ =	swait.ge [sflag:s7], $0x2800  }
0x11f: {  	[sflag:s7] =	ssyncset.done $0x0  }
0x120: {  	s3 =	rddreg [dreg:$0xd];
	[sflag:s7] =	ssyncadd.s32 $0xFFFFD800  }
0x121: {  	[hbm4b:s3+s4] =	stream.linear.scatter [tilespmem:s6], [sflag:$0xA], $0x2800, $0x38;
	[tilespmem:$0x1B9E0] =	vst v63  }
0x122: {  	_ =	swait.ge [sflag:s7], $0x2800  }
0x123: {  	[sflag:s7] =	ssyncset.done $0x0  }
0x124: {  	s3 =	rddreg [dreg:$0x1d];
	[sflag:s7] =	ssyncadd.s32 $0xFFFFD800  }
0x125: {  	[tilespmem:s6], [sflag:$0xA] =	stream.linear.gather [spmem:s3], $0x2800, $0x38;
	[tilespmem:$0x1B9E0] =	vst v63  }
0x126: {  	_ =	swait.ge [sflag:s7], $0x2800  }
0x127: {  	[sflag:s7] =	ssyncset.done $0x0  }
0x128: {  	s25 =	rddreg [dreg:$0xe];
	[sflag:s7] =	ssyncadd.s32 $0xFFFFD800  }
0x129: {  	[hbm4b:s25+s4] =	stream.linear.scatter [tilespmem:s6], [sflag:$0xA], $0x2800, $0x38;
	[tilespmem:$0x1B9E0] =	vst v63  }
0x12a: {  	_ =	swait.ge [sflag:s7], $0x2800  }
0x12b: {  	[sflag:s7] =	ssyncset.done $0x0  }
0x12c: {  	s25 =	rddreg [dreg:$0x1e];
	[sflag:s7] =	ssyncadd.s32 $0xFFFFD800  }
0x12d: {  	[tilespmem:s6], [sflag:$0xA] =	stream.linear.gather [spmem:s25], $0x2800, $0x38;
	[tilespmem:$0x1B9E0] =	vst v63  }
0x12e: {  	_ =	swait.ge [sflag:s7], $0x2800  }
0x12f: {  	[sflag:s7] =	ssyncset.done $0x0  }
0x130: {  	s26 =	rddreg [dreg:$0xf];
	[sflag:s7] =	ssyncadd.s32 $0xFFFFD800  }
0x131: {  	[hbm4b:s26+s4] =	stream.linear.scatter [tilespmem:s6], [sflag:$0xA], $0x2800, $0x38;
	[tilespmem:$0x1B9E0] =	vst v63  }
0x132: {  	_ =	swait.ge [sflag:s7], $0x2800  }
0x133: {  	s28 =	sld [smem:$0x7FC];
	_ =	sdelay $0x2  }
0x134: {  	s26 =	rddreg [dreg:$0x18];
	s28 =	sadd.s32 $0x1, s28  }
0x135: {  	p0 =	sne.s32 s28, s26  }
.Ltmp1:
0x136: {  	_ = 	snop;
	(pc) =	sbr.rel @p0 .LBB2_1-.Ltmp1, $3  }
0x137: {  	_ =	sdelay $0x1  }
0x138: {  	[sflag:s7] =	ssyncset.done $0x0;
	[smem:$0x7FC] =	sst s28  }
0x139: {  	[sflag:s7] =	ssyncadd.s32 $0xFFFFD800;
	s28 =	sld [smem:$0x7FD]  }
0x13a: {  	_ =	sfence.sel $0x180000  }
0x13b: {  	[bflag:$0x0] =	sbarrier.arrive $0xFFFF  }
0x13c: {  	_ =	strace $0x9000004D  }
0x13d: {  	s0 =	stileid.u32;
	[bflag:$0x2] =	sbarrier.arrive $0xFFFF  }
0x13e: {  	p0 =	sne.s32 s0, $0x0;
	s0 =	rddreg [dreg:$0x3]  }
0x13f: {  	s0 =	sadd.s32 @!p0 $0x100000, s0  }
0x140: {  	[sflag:s0] =	ssyncadd.tile.s32 @!p0 $0x1;
	_ =	shalt  }
.Lfunc_end2:
_tile_overlayer_lowered:
.L_overlay_start_2:
0x141: {  	(tag) =	ssettag $0x2  }
0x142: {  	s0 =	rddreg [dreg:$0x0];
	s2 =	stileid.u32  }
0x143: {  	s1 =	rddreg [dreg:$0x1];
	p0 =	sne.s32 s2, $0x0  }
0x144: {  	s3 =	rddreg [dreg:$0x2];
	[bflag:$0x3] =	sbarrier.arrive $0xFFFF;
	s2 =	simm.s32 @!p0 $0x1C0A  }
0x145: {  	[timem:s3], [sflag:s2] =	dma.local @!p0 [hbm:s0], s1  }
0x146: {  	s0 =	simm.s32 @!p0 $0xA  }
0x147: {  	_ =	swait.ge @!p0 [sflag:s0], s1  }
0x148: {  	s1 =	ssub.s32 @!p0 $0x0, s1;
	[sflag:s0] =	ssyncset.done @!p0 $0x0  }
0x149: {  	[sflag:s0] =	ssyncadd.s32 @!p0 s1  }
0x14a: {  	[bflag:$0x3] =	sbarrier.arrive $0xFFFF  }
0x14b: {  	_ =	shalt  }

// kernel: kernel.7.cloned.1.call-start
scs
__scs_entry_jumppad:
0x0: {  	(pc) =	sbr.rel $0x88, $3  }
0x1: {  	(tag) =	ssettag $0x0;
	lr =	simm.s32 $0x1  }
0x2: {  	[smem:$0x3F97] =	sst lr;
	_ =	strace $0xD0000000  }
0x3: {  	_ = 	snop  }
0x4: {  	_ = 	snop  }
0x5: {  	_ = 	snop  }
0x6: {  	_ = 	snop  }
0x7: {  	_ = 	snop  }
__scs_overlays_trampoline_lowered:
0x8: {  	[smem:$0x3FA6] =	sst s0  }
0x9: {  	[smem:$0x3FA7] =	sst s1  }
0xa: {  	[smem:$0x3FA8] =	sst s2  }
0xb: {  	[smem:$0x3FA9] =	sst s3  }
0xc: {  	[smem:$0x3FAA] =	sst s4  }
0xd: {  	[smem:$0x3FAB] =	sst s5  }
0xe: {  	[smem:$0x3FAC] =	sst s6  }
0xf: {  	[smem:$0x3FAD] =	sst s7  }
0x10: {  	[smem:$0x3FAE] =	sst s8  }
0x11: {  	[smem:$0x3FAF] =	sst s9;
	s0 =	simm.s32 @!p0 $0x0  }
0x12: {  	s1 =	sld [smem:$0x3F95];
	s0 =	simm.s32 @p0 $0x1  }
0x13: {  	[smem:$0x3FB0] =	sst s0;
	s0 =	simm.s32 @!p1 $0x0  }
0x14: {  	s2 =	sld [smem:$0x3F94];
	s0 =	simm.s32 @p1 $0x1  }
0x15: {  	[smem:$0x3FB1] =	sst s0;
	s0 =	simm.s32 @!p2 $0x0  }
0x16: {  	s3 =	sld [smem:$0x3FDB];
	s0 =	simm.s32 @p2 $0x1  }
0x17: {  	s4 =	simm.s32 $0x1BF5;
	[smem:$0x3FB3] =	sst s0  }
0x18: {  	s0 =	sld [smem:$0x3F96];
	_ =	swait.ge [sflag:s4], $0x0  }
0x19: {  	s7 =	sld [smem:$0x3F97]  }
0x1a: {  	s8 =	sadd.s32 $0xFFFFE003, lr  }
0x1b: {  	s9 =	sadd.s32 $0xFFFFFEF7, lr;
	s5 =	simm.s32 $0xFFFFFFFF;
	p2 =	slt.u32 s8, $0xFFFFF086  }
0x1c: {  	p1 =	slt.u32 s9, $0xF7A;
	s5 =	simm.s32 @!p2 $0x0  }
0x1d: {  	s5 =	simm.s32 @p1 $0x1;
	p0 =	seq.s32 s7, s2  }
0x1e: {  	s7 =	smul.u32 @!p0 $0xF7A, s2;
	p2 =	seq.s32 @!p0 s5, $0x0  }
0x1f: {  	s9 =	smul.u32 $0xF7A, s1;
	s8 =	simm.s32 @!p0 $0x1BF5;
	p2 =	por !p2, p0  }
0x20: {  	[sflag:s8] =	ssyncset.s32 @!p0 $0xFFFFF086;
	s6 =	sadd.s32 @!p0 s3, s7;
	s7 =	simm.s32 @!p0 $0x108  }
0x21: {  	s3 =	sadd.s32 s3, s9;
	s6 =	sadd.s32 @!p0 $0x88, s6;
	s7 =	simm.s32 @p2 $0x1082  }
0x22: {  	[simem:s7], [sflag:s8] =	dma.local @!p0 [hbm:s6], $0xF7A  }
0x23: {  	s9 =	sor.u32 $0xD0000000, s2;
	s6 =	simm.s32 $0x108;
	_ =	swait.ge @!p0 [sflag:s8], $0x0  }
0x24: {  	s3 =	sadd.s32 $0x88, s3;
	s6 =	simm.s32 @!p1 $0x1082;
	[sflag:s4] =	ssyncset.s32 $0xFFFFF086  }
0x25: {  	[simem:s6], [sflag:s4] =	dma.local [hbm:s3], $0xF7A  }
0x26: {  	[smem:$0x3F97] =	sst s1;
	(tag) =	ssettag s2;
	_ =	strace s9  }
0x27: {  	s1 =	sld [smem:$0x3FA7]  }
0x28: {  	s2 =	sld [smem:$0x3FA8]  }
0x29: {  	s4 =	sld [smem:$0x3FAA]  }
0x2a: {  	p0 =	seq.s32 s5, $0x0;
	s5 =	sld [smem:$0x3FAB]  }
0x2b: {  	s6 =	sld [smem:$0x3FAC]  }
0x2c: {  	s7 =	sld [smem:$0x3FAD]  }
0x2d: {  	s3 =	simm.s32 $0x108;
	s8 =	sld [smem:$0x3FAE]  }
0x2e: {  	s3 =	simm.s32 @!p0 $0x1082;
	s9 =	sld [smem:$0x3FAF]  }
0x2f: {  	lr =	sadd.s32 s0, s3;
	s0 =	sld [smem:$0x3FA6]  }
0x30: {  	s3 =	sld [smem:$0x3FA9]  }
0x31: {  	[smem:$0x3FB2] =	sst s10  }
0x32: {  	s10 =	sld [smem:$0x3FB0];
	_ =	sdelay $0x3  }
0x33: {  	p0 =	seq.s32 s10, $0x1;
	s10 =	sld [smem:$0x3FB2];
	_ =	sdelay $0x3  }
0x34: {  	[smem:$0x3FB2] =	sst s10  }
0x35: {  	s10 =	sld [smem:$0x3FB1];
	_ =	sdelay $0x3  }
0x36: {  	p1 =	seq.s32 s10, $0x1;
	s10 =	sld [smem:$0x3FB2];
	_ =	sdelay $0x3  }
0x37: {  	[smem:$0x3FB2] =	sst s10  }
0x38: {  	s10 =	sld [smem:$0x3FB3]  }
0x39: {  	_ = 	snop;
	(pc) =	sbr.ind lr, $3  }
0x3a: {  	_ = 	snop  }
0x3b: {  	_ = 	snop  }
0x3c: {  	p2 =	seq.s32 s10, $0x1;
	s10 =	sld [smem:$0x3FB2]  }
0x3d: {  	_ =	shalt  }
0x3e: {  	_ =	shalt  }
0x3f: {  	_ =	shalt  }
0x40: {  	_ =	shalt  }
0x41: {  	_ =	shalt  }
0x42: {  	_ =	shalt  }
0x43: {  	_ =	shalt  }
0x44: {  	_ =	shalt  }
0x45: {  	_ =	shalt  }
0x46: {  	_ =	shalt  }
0x47: {  	_ =	shalt  }
0x48: {  	_ =	shalt  }
0x49: {  	_ =	shalt  }
0x4a: {  	_ =	shalt  }
0x4b: {  	_ =	shalt  }
0x4c: {  	_ =	shalt  }
0x4d: {  	_ =	shalt  }
0x4e: {  	_ =	shalt  }
0x4f: {  	_ =	shalt  }
0x50: {  	_ =	shalt  }
0x51: {  	_ =	shalt  }
0x52: {  	_ =	shalt  }
0x53: {  	_ =	shalt  }
0x54: {  	_ =	shalt  }
0x55: {  	_ =	shalt  }
0x56: {  	_ =	shalt  }
0x57: {  	_ =	shalt  }
0x58: {  	_ =	shalt  }
0x59: {  	_ =	shalt  }
0x5a: {  	_ =	shalt  }
0x5b: {  	_ =	shalt  }
0x5c: {  	_ =	shalt  }
0x5d: {  	_ =	shalt  }
0x5e: {  	_ =	shalt  }
0x5f: {  	_ =	shalt  }
0x60: {  	_ =	shalt  }
0x61: {  	_ =	shalt  }
0x62: {  	_ =	shalt  }
0x63: {  	_ =	shalt  }
0x64: {  	_ =	shalt  }
0x65: {  	_ =	shalt  }
0x66: {  	_ =	shalt  }
0x67: {  	_ =	shalt  }
0x68: {  	_ =	shalt  }
0x69: {  	_ =	shalt  }
0x6a: {  	_ =	shalt  }
0x6b: {  	_ =	shalt  }
0x6c: {  	_ =	shalt  }
0x6d: {  	_ =	shalt  }
0x6e: {  	_ =	shalt  }
0x6f: {  	_ =	shalt  }
0x70: {  	_ =	shalt  }
0x71: {  	_ =	shalt  }
0x72: {  	_ =	shalt  }
0x73: {  	_ =	shalt  }
0x74: {  	_ =	shalt  }
0x75: {  	_ =	shalt  }
0x76: {  	_ =	shalt  }
0x77: {  	_ =	shalt  }
0x78: {  	_ =	shalt  }
0x79: {  	_ =	shalt  }
0x7a: {  	_ =	shalt  }
0x7b: {  	_ =	shalt  }
0x7c: {  	_ =	shalt  }
0x7d: {  	_ =	shalt  }
0x7e: {  	_ =	shalt  }
0x7f: {  	_ =	shalt  }
0x80: {  	_ =	shalt  }
0x81: {  	_ =	shalt  }
0x82: {  	_ =	shalt  }
0x83: {  	_ =	shalt  }
0x84: {  	_ =	shalt  }
0x85: {  	_ =	shalt  }
0x86: {  	_ =	shalt  }
0x87: {  	_ =	shalt  }
.Lfunc_end0:
.L_simem_size_0:
called_computation_lowered:
.L_overlay_start_0:
0x88: {  	s2 =	sld [smem:$0x3FD9]  }
0x89: {  	s3 =	sld [smem:$0x3FFE];
	_ =	sdelay $0x1  }
0x8a: {  	s1 =	srdreg.scid  }
0x8b: {  	s0 =	sand.u32 $0x1, s1  }
0x8c: {  	s17 =	sshll.u32 s0, $0xA;
	s2 =	sadd.s32 s3, s2  }
0x8d: {  	s2 =	sadd.s32 s2, s17  }
0x8e: {  	[smem:$0x3FBE] =	sst s2  }
0x8f: {  	_ = 	snop  }
0x90: {  	s2 =	sld [smem:$0x3FD0];
	(tm) =	ssettm $0x1  }
0x91: {  	s18 =	sld [smem:$0x3FFB];
	_ =	sdelay $0x3  }
0x92: {  	_ =	strace s18  }
0x93: {  	s3 =	sld [smem:$0x3FFC];
	_ =	sdelay $0x3  }
0x94: {  	_ =	strace s3  }
0x95: {  	s3 =	sld [smem:$0x3FFD];
	_ =	sdelay $0x3  }
0x96: {  	_ =	strace s3  }
0x97: {  	_ =	strace $0x8FFFFFFF  }
0x98: {  	s19 =	sld [smem:$0x3FDB];
	_ =	sdelay $0x1  }
0x99: {  	s4 =	simm.s32 $_scs_section_size  }
0x9a: {  	s5 =	simm.s32 $_size__tile_overlayer_lowered;
	s6 =	simm.s32 $_tile_overlayer_lowered  }
0x9b: {  	s22 =	simm.s32 $0x1BFF;
	s21 =	sshll.u32 s6, $0x1;
	s3 =	sadd.s32 s4, s19  }
0x9c: {  	s7 =	simm.s32 $0x0;
	s20 =	sshll.u32 s5, $0x1;
	s5 =	sadd.s32 s21, s3  }
0x9d: {  	[timem:s7], [sflag:s22] =	dma.local [hbm:s5], s20  }
0x9e: {  	_ =	swait.ge [sflag:s22], s20  }
0x9f: {  	s4 =	ssub.s32 $0x0, s20;
	[sflag:s22] =	ssyncset.done $0x0  }
0xa0: {  	[sflag:s22] =	ssyncadd.s32 s4;
	_ =	sdelay $0x1  }
0xa1: {  	s23 =	simm.s32 $0x1B8B  }
0xa2: {  	_ =	swait.ge [sflag:s23], $0x1  }
0xa3: {  	[sflag:s23] =	ssyncset.done $0x0  }
0xa4: {  	s25 =	simm.s32 $0x1B8E;
	s24 =	sld [smem:$0x3FFE];
	[sflag:s23] =	ssyncadd.s32 $0xFFFFFFFF  }
0xa5: {  	s26 =	simm.s32 $execute0_lowered;
	[smem:$0x3FD2] =	sst s25  }
0xa6: {  	s5 =	sshll.u32 s26, $0x1;
	_ =	strace $0x80000046;
	[dreg:$0x1] =	wrdreg $0xFFFFFFFF  }
0xa7: {  	s28 =	simm.s32 $_size_execute0_lowered;
	s3 =	sadd.s32 s3, s5;
	[dreg:$0x0] =	wrdreg $0x0  }
0xa8: {  	s5 =	sshll.u32 s28, $0x1;
	[dreg:$0x2] =	wrdreg s3  }
0xa9: {  	[dreg:$0x3] =	wrdreg s5  }
0xaa: {  	[dreg:$0x4] =	wrdreg $0xC0  }
0xab: {  	_ =	task [dreg:s7], $0x5FFFF  }
0xac: {  	[dreg:$0x1] =	wrdreg $0xFFFFFFFF  }
0xad: {  	[dreg:$0x0] =	wrdreg $0x60  }
0xae: {  	[dreg:$0x2] =	wrdreg s24  }
0xaf: {  	[dreg:$0x3] =	wrdreg s2  }
0xb0: {  	[dreg:$0x4] =	wrdreg $0x2DA00  }
0xb1: {  	[dreg:$0x5] =	wrdreg $0x9  }
0xb2: {  	_ =	task.clear_ibuf [dreg:s7], $0x6FFFF;
	_ =	strace $0x90000046  }
0xb3: {  	s29 =	simm.s32 $0x9;
	_ =	strace $0x80000048  }
0xb4: {  	_ =	swait.ge [sflag:s29], $0x1  }
0xb5: {  	[sflag:s29] =	ssyncadd.s32 $0xFFFFFFFF  }
0xb6: {  	_ =	strace $0x90000048  }
0xb7: {  	_ =	sfence  }
0xb8: {  	s30 =	sld [smem:$0x0];
	_ =	sdelay $0x2  }
0xb9: {  	s31 =	sshll.u32 s1, $0xD;
	s1 =	sshrl.u32 s1, $0x2  }
0xba: {  	s3 =	sand.u32 $0x4000, s31;
	s1 =	sadd.s32 s1, s30  }
0xbb: {  	s0 =	sor.u32 s3, s0;
	s1 =	sshll.u32 s1, $0x11  }
0xbc: {  	s0 =	sor.u32 s1, s0  }
0xbd: {  	s0 =	sadd.s32 $0x8F2B, s0  }
0xbe: {  	[sflag:s0] =	ssyncadd.remote.s32 $0x1  }
0xbf: {  	_ =	sfence.sel $0xFFFF  }
0xc0: {  	[dreg:$0x0] =	wrdreg $0xFFFFFFFF;
	(pc) =	sbr.abs _section_cstart, $3  }
0xc1: {  	[dreg:$0x1] =	wrdreg $0xFFFFFFFF  }
0xc2: {  	_ =	task.clear_ibuf [dreg:s7], $0x2FFFF;
	_ =	strace $0x9FFFFFFF  }
0xc3: {  	(tm) =	ssettm $0x7FFFFFFF  }
tec
execute0_lowered:
.L_overlay_start_1:
0x0: {  	(tag) =	ssettag $0x1  }
0x1: {  	s6 =	rddreg [dreg:$0x0]  }
0x2: {  	s10 =	rddreg [dreg:$0x1]  }
0x3: {  	s2 =	rddreg [dreg:$0x2];
	s3 =	srdreg.scid  }
0x4: {  	s1 =	stileid.u32;
	s0 =	rddreg [dreg:$0x3];
	s16 =	simm.s32 $0xA0  }
0x5: {  	s17 =	simm.s32 $0x50;
	s18 =	simm.s32 $0x1;
	s19 =	simm.s32 $0x2  }
0x6: {  	s20 =	simm.s32 $0x0;
	s7 =	sand.u32 $0x1, s3;
	s9 =	smul.u32 $0x2800, s1  }
0x7: {  	s4 =	sshll.u32 s1, $0x1;
	s3 =	simm.s32 $0x0;
	s13 =	smul.u32 $0x4EC0, s1  }
0x8: {  	s5 =	sadd.s32 $0xCE00, s6;
	s4 =	sor.u32 s7, s4;
	s11 =	smul.u32 $0x28000, s7  }
0x9: {  	[smem:$0x7FF] =	sst s3;
	s12 =	ssub.s32 $0x2, s7;
	s15 =	smul.u32 $0x2760, s7  }
0xa: {  	s8 =	smul.u32 $0x2760, s4;
	_ =	strace $0x80000047;
	s4 =	sadd.s32 $0x2E00, s6  }
0xb: {  	s6 =	sadd.s32 $0xCC00, s6;
	s14 =	sshrl.u32 s12, $0x1;
	s7 =	sadd.s32 s9, s2  }
0xc: {  	s12 =	ssub.s32 s12, s14;
	s11 =	sadd.s32 s9, s11;
	s13 =	sadd.s32 s15, s13  }
0xd: {  	s14 =	simm.s32 $0x5A0;
	s15 =	simm.s32 $0x3;
	s8 =	sshrl.u32 s8, $0x3  }
0xe: {  	s11 =	sshrl.u32 s11, $0x3;
	s30 =	sadd.s32 $0xF0, s13;
	s13 =	sadd.s32 $0xA0, s13  }
0xf: {  	s8 =	sadd.s32 s4, s8;
	s10 =	sadd.s32 s10, s11;
	s31 =	sshrl.u32 s30, $0x3  }
0x10: {  	s11 =	smax.u32 s12, $0x1;
	s9 =	sadd.s32 $0xA, s8;
	s12 =	sadd.s32 s31, s4  }
.LBB2_1:
0x11: {  	[tilespmem:s14], [sflag:$0x3] =	stream.linear.gather [hbm4b:s5+s3], $0x2800, $0x38;
	[tilespmem:$0x55A0] =	vst v63  }
0x12: {  	_ =	swait.ge [sflag:s15], $0x2800  }
0x13: {  	[sflag:s15] =	ssyncset.done $0x0  }
0x14: {  	[sflag:s15] =	ssyncadd.s32 $0xFFFFD800  }
0x15: {  	[spmem:s7] =	stream.linear.scatter [tilespmem:s14], [sflag:$0x3], $0x2800, $0x38;
	[tilespmem:$0x55A0] =	vst v63  }
0x16: {  	_ =	swait.ge [sflag:s15], $0x2800  }
0x17: {  	[sflag:s15] =	ssyncset.done $0x0  }
0x18: {  	[sflag:s15] =	ssyncadd.s32 $0xFFFFD800  }
0x19: {  	[tilespmem:s16], [sflag:$0x3] =	stream.linear.gather [hbm4b:s6+s3], $0x500, $0x38;
	[tilespmem:$0x55A0] =	vst v63  }
0x1a: {  	_ =	swait.ge [sflag:s15], $0x500  }
0x1b: {  	[sflag:s15] =	ssyncset.done $0x0  }
0x1c: {  	[sflag:s15] =	ssyncadd.s32 $0xFFFFFB00  }
0x1d: {  	[bflag:$0x0] =	sbarrier.arrive $0xFFFF  }
0x1e: {  	[tilespmem:s3], [sflag:$0x1] =	stream.linear.gather [hbm4b:s8+s3], $0x50, $0x38;
	[tilespmem:$0x55A0] =	vst v63  }
0x1f: {  	_ = 	snop  }
0x20: {  	[tilespmem:s17], [sflag:$0x2] =	stream.linear.gather [hbm4b:s9+s3], $0x50, $0x38;
	[tilespmem:$0x55A0] =	vst v63  }
0x21: {  	_ =	swait.ge [sflag:s18], $0x50  }
0x22: {  	[sflag:s18] =	ssyncset.done $0x0  }
0x23: {  	[sflag:s18] =	ssyncadd.s32 $0xFFFFFFB0  }
0x24: {  	[spmem:s2] =	stream.indirect.scatter.add.f32 [tilespmem:s16], [sflag:$0x3], $0x10, s3, s17, $0xb8;
	[tilespmem:$0x55A0] =	vst v63  }
0x25: {  	_ =	swait.ge [sflag:s15], $0x500  }
0x26: {  	s21 =	sshrl.u32 s13, $0x3;
	[sflag:s15] =	ssyncset.done $0x0  }
0x27: {  	s21 =	sadd.s32 s4, s21;
	[sflag:s15] =	ssyncadd.s32 $0xFFFFFB00  }
0x28: {  	[tilespmem:s3], [sflag:$0x1] =	stream.linear.gather [hbm4b:s21+s3], $0x50, $0x38;
	[tilespmem:$0x55A0] =	vst v63  }
0x29: {  	_ =	swait.ge [sflag:s19], $0x50  }
0x2a: {  	[sflag:s19] =	ssyncset.done $0x0  }
0x2b: {  	[sflag:s19] =	ssyncadd.s32 $0xFFFFFFB0  }
0x2c: {  	[spmem:s2] =	stream.indirect.scatter.add.f32 [tilespmem:s16], [sflag:$0x3], $0x10, s17, s17, $0xb8;
	[tilespmem:$0x55A0] =	vst v63  }
0x2d: {  	_ =	swait.ge [sflag:s15], $0x500  }
0x2e: {  	s23 =	sadd.s32 $0x0, s12;
	[sflag:s15] =	ssyncset.done $0x0  }
0x2f: {  	s22 =	sadd.s32 $0xA0, s13;
	s21 =	simm.s32 $0x14;
	[sflag:s15] =	ssyncadd.s32 $0xFFFFFB00  }
.LBB2_2:
0x30: {  	[tilespmem:s17], [sflag:$0x2] =	stream.linear.gather [hbm4b:s23+s3], $0x50, $0x38;
	[tilespmem:$0x55A0] =	vst v63  }
0x31: {  	s23 =	smov.u32 s21  }
0x32: {  	p0 =	sne.s32 s21, $0x4C4;
	s21 =	sadd.s32 $0x14, s21;
	_ =	swait.ge [sflag:s18], $0x50  }
0x33: {  	[sflag:s18] =	ssyncset.done $0x0  }
0x34: {  	[sflag:s18] =	ssyncadd.s32 $0xFFFFFFB0  }
0x35: {  	[spmem:s2] =	stream.indirect.scatter.add.f32 [tilespmem:s16], [sflag:$0x3], $0x10, s3, s17, $0xb8;
	[tilespmem:$0x55A0] =	vst v63  }
0x36: {  	_ =	swait.ge [sflag:s15], $0x500  }
0x37: {  	s24 =	sshrl.u32 s22, $0x3;
	[sflag:s15] =	ssyncset.done $0x0  }
0x38: {  	s24 =	sadd.s32 s4, s24;
	[sflag:s15] =	ssyncadd.s32 $0xFFFFFB00  }
0x39: {  	[tilespmem:s3], [sflag:$0x1] =	stream.linear.gather [hbm4b:s24+s3], $0x50, $0x38;
	[tilespmem:$0x55A0] =	vst v63  }
0x3a: {  	_ =	swait.ge [sflag:s19], $0x50  }
0x3b: {  	[sflag:s19] =	ssyncset.done $0x0  }
.Ltmp0:
0x3c: {  	[sflag:s19] =	ssyncadd.s32 $0xFFFFFFB0;
	(pc) =	sbr.rel @p0 .LBB2_2-.Ltmp0, $4  }
0x3d: {  	[spmem:s2] =	stream.indirect.scatter.add.f32 [tilespmem:s16], [sflag:$0x3], $0x10, s17, s17, $0xb8;
	[tilespmem:$0x55A0] =	vst v63  }
0x3e: {  	_ =	swait.ge [sflag:s15], $0x500  }
0x3f: {  	[sflag:s15] =	ssyncset.done $0x0  }
0x40: {  	s22 =	sadd.s32 $0xA0, s22;
	s23 =	sadd.s32 s23, s12;
	[sflag:s15] =	ssyncadd.s32 $0xFFFFFB00  }
0x41: {  	[tilespmem:s17], [sflag:$0x2] =	stream.linear.gather [hbm4b:s23+s3], $0x50, $0x38;
	[tilespmem:$0x55A0] =	vst v63  }
0x42: {  	_ =	swait.ge [sflag:s18], $0x50  }
0x43: {  	[sflag:s18] =	ssyncset.done $0x0  }
0x44: {  	[sflag:s18] =	ssyncadd.s32 $0xFFFFFFB0  }
0x45: {  	[spmem:s2] =	stream.indirect.scatter.add.f32 [tilespmem:s16], [sflag:$0x3], $0x10, s3, s17, $0xb8;
	[tilespmem:$0x55A0] =	vst v63  }
0x46: {  	_ =	swait.ge [sflag:s15], $0x500  }
0x47: {  	[sflag:s15] =	ssyncset.done $0x0  }
0x48: {  	[sflag:s15] =	ssyncadd.s32 $0xFFFFFB00  }
0x49: {  	_ =	swait.ge [sflag:s19], $0x50  }
0x4a: {  	[sflag:s19] =	ssyncset.done $0x0  }
0x4b: {  	[sflag:s19] =	ssyncadd.s32 $0xFFFFFFB0  }
0x4c: {  	[spmem:s2] =	stream.indirect.scatter.add.f32 [tilespmem:s16], [sflag:$0x3], $0x10, s17, s17, $0xb8;
	[tilespmem:$0x55A0] =	vst v63  }
0x4d: {  	_ =	swait.ge [sflag:s15], $0x500  }
0x4e: {  	[sflag:s15] =	ssyncset.done $0x0  }
0x4f: {  	[sflag:s15] =	ssyncadd.s32 $0xFFFFFB00  }
0x50: {  	[bflag:$0x0] =	sbarrier.arrive $0xFFFF  }
0x51: {  	[tilespmem:s14], [sflag:$0x3] =	stream.linear.gather [spmem:s7], $0x2800, $0x38;
	[tilespmem:$0x55A0] =	vst v63  }
0x52: {  	s20 =	sadd.s32 $0x1, s20;
	_ =	swait.ge [sflag:s15], $0x2800  }
0x53: {  	p0 =	sne.s32 s20, s11;
	[sflag:s15] =	ssyncset.done $0x0  }
.Ltmp1:
0x54: {  	[sflag:s15] =	ssyncadd.s32 $0xFFFFD800;
	(pc) =	sbr.rel @p0 .LBB2_1-.Ltmp1, $4  }
0x55: {  	[hbm4b:s10+s3] =	stream.linear.scatter [tilespmem:s14], [sflag:$0x3], $0x2800, $0x38;
	[tilespmem:$0x55A0] =	vst v63  }
0x56: {  	_ =	swait.ge [sflag:s15], $0x2800  }
0x57: {  	[sflag:s15] =	ssyncset.done $0x0  }
0x58: {  	[sflag:s15] =	ssyncadd.s32 $0xFFFFD800  }
0x59: {  	_ =	sfence.sel $0x180000  }
0x5a: {  	[bflag:$0x0] =	sbarrier.arrive $0xFFFF  }
0x5b: {  	p0 =	sne.s32 s1, $0x0;
	_ =	strace $0x90000047  }
0x5c: {  	s0 =	sadd.s32 @!p0 $0x100000, s0;
	[bflag:$0x2] =	sbarrier.arrive $0xFFFF  }
0x5d: {  	[sflag:s0] =	ssyncadd.tile.s32 @!p0 $0x1;
	_ =	shalt  }
.Lfunc_end2:
_tile_overlayer_lowered:
.L_overlay_start_2:
0x5e: {  	(tag) =	ssettag $0x2  }
0x5f: {  	s0 =	rddreg [dreg:$0x0];
	s2 =	stileid.u32  }
0x60: {  	s1 =	rddreg [dreg:$0x1];
	p0 =	sne.s32 s2, $0x0  }
0x61: {  	s3 =	rddreg [dreg:$0x2];
	[bflag:$0x3] =	sbarrier.arrive $0xFFFF;
	s2 =	simm.s32 @!p0 $0x1C03  }
0x62: {  	[timem:s3], [sflag:s2] =	dma.local @!p0 [hbm:s0], s1  }
0x63: {  	s0 =	simm.s32 @!p0 $0x3  }
0x64: {  	_ =	swait.ge @!p0 [sflag:s0], s1  }
0x65: {  	s1 =	ssub.s32 @!p0 $0x0, s1;
	[sflag:s0] =	ssyncset.done @!p0 $0x0  }
0x66: {  	[sflag:s0] =	ssyncadd.s32 @!p0 s1  }
0x67: {  	[bflag:$0x3] =	sbarrier.arrive $0xFFFF  }
0x68: {  	_ =	shalt  }

</sc_bundles>
